<compile_context>
chip_gen: v7x
topology: tpu7x:2x2x1
jax: 0.10.2.dev20260603
libtpu: 0.0.44.dev20260713+nightly
codegen_flags: <defaults>
</compile_context>

<pallas_src>
import functools

import jax
import jax.numpy as jnp
from jax import lax
from jax.experimental import pallas as pl
from jax.experimental.pallas import tpu as pltpu
from jax.experimental.pallas import tpu_sc as plsc

N_NODES = 10000
N_EDGES = 320000
DIM = 128
N_GRAPHS = 200
N_LAYERS = 3
N_STATS = 7
N_MOTIF = 50

NPAD = 10112
DUMMY_ROW = 10000
N_DUMMY = NPAD - DUMMY_ROW
CHUNK = 128
EPAD = 327680
N_CHUNKS = EPAD // CHUNK
CPW0 = 128
CPW1 = 32
ROWS_PER_TILE = NPAD // 16

BPAD = 256
ROW_BLOCK = NPAD // 8
N_BLOCKS = 8
ADJ_COLS = N_MOTIF * N_MOTIF
ADJ_PAD = 3072
ADJ_BLOCK = ADJ_PAD // N_BLOCKS
HID = DIM // 2


def _sc_agg_body(h_hbm, zeros_hbm, src_hbm, dst_hbm, out,
                 src_v, ring, rows0, rows1, acc_sh,
                 sg0, sg1, ss0, ss1, sr0, sr1):
    cid = lax.axis_index("c")
    sid = lax.axis_index("s")
    wid = sid * 2 + cid
    row0 = sid * ROWS_PER_TILE
    rows = (rows0, rows1)
    sg = (sg0, sg1)
    ss = (ss0, ss1)
    sr = (sr0, sr1)
    cpw = jnp.where(cid == 0, CPW0, CPW1)
    hc = h_hbm.at[cid]

    pltpu.sync_copy(zeros_hbm.at[pl.ds(row0, ROWS_PER_TILE)],
                    acc_sh.at[pl.ds(row0, ROWS_PER_TILE)])

    pltpu.sync_copy(src_hbm.at[wid], src_v)
    plsc.subcore_barrier()

    def src_ix(j):
        return src_v.at[pl.ds(pl.multiple_of(j * CHUNK, 8), CHUNK)]

    pltpu.async_copy(dst_hbm.at[wid, 0], ring.at[0], sr0)
    pltpu.async_copy(hc.at[src_ix(0)], rows0, sg0)

    @pl.loop(0, cpw, step=2)
    def _(j0):
        for b in range(2):
            j = j0 + b
            bg = 1 - b

            @pl.when(j >= 1)
            def _():
                pltpu.make_async_copy(
                    rows[bg], acc_sh.at[ring.at[bg]], ss[bg]).wait()

            @pl.when(j + 1 < cpw)
            def _():
                pltpu.async_copy(dst_hbm.at[wid, j + 1], ring.at[bg],
                                 sr[bg])
                pltpu.async_copy(hc.at[src_ix(j + 1)], rows[bg], sg[bg])

            pltpu.make_async_copy(hc.at[src_ix(j)], rows[b],
                                  sg[b]).wait()
            pltpu.make_async_copy(dst_hbm.at[wid, j], ring.at[b],
                                  sr[b]).wait()
            pltpu.async_copy(rows[b], acc_sh.at[ring.at[b]], ss[b],
                             add=True)

    pltpu.make_async_copy(rows1, acc_sh.at[ring.at[1]], ss1).wait()

    plsc.subcore_barrier()
    pltpu.sync_copy(acc_sh.at[pl.ds(row0, ROWS_PER_TILE)],
                    out.at[cid, pl.ds(row0, ROWS_PER_TILE)])


@functools.lru_cache(maxsize=1)
def _make_sc_agg():
    return pl.kernel(
        _sc_agg_body,
        out_type=jax.ShapeDtypeStruct((2, NPAD, DIM), jnp.float32),
        mesh=plsc.VectorSubcoreMesh(core_axis_name="c",
                                    subcore_axis_name="s"),
        scratch_types=[
            pltpu.VMEM((CPW0 * CHUNK,), jnp.int32),
            pltpu.VMEM((2, CHUNK), jnp.int32),
            pltpu.VMEM((CHUNK, DIM), jnp.float32),
            pltpu.VMEM((CHUNK, DIM), jnp.float32),
            pltpu.VMEM_SHARED((NPAD, DIM), jnp.float32),
            pltpu.SemaphoreType.DMA,
            pltpu.SemaphoreType.DMA,
            pltpu.SemaphoreType.DMA,
            pltpu.SemaphoreType.DMA,
            pltpu.SemaphoreType.DMA,
            pltpu.SemaphoreType.DMA,
        ],
    )


def _sc_agg(h, zeros_h, src2, dst3):
    return _make_sc_agg()(h, zeros_h, src2, dst3)


def _dot(a, b):
    return lax.dot_general(a, b, (((1,), (0,)), ((), ())),
                           preferred_element_type=jnp.float32)


def _mlp_block(z, w1t, b1, a1, scale, beta, w2t, b2, a2):
    z = _dot(z, w1t) + b1
    z = jnp.where(z >= 0, z, a1 * z)
    z = z * scale + beta
    z = _dot(z, w2t) + b2
    z = jnp.where(z >= 0, z, a2 * z)
    return jnp.maximum(z, 0.0)


def _mlp_kernel(h_ref, p_ref, w1t_ref, b1_ref, a1_ref, scale_ref, beta_ref,
                w2t_ref, b2_ref, a2_ref, out_ref):
    z = h_ref[...] + p_ref[0] + p_ref[1]
    out_ref[...] = _mlp_block(
        z, w1t_ref[...], b1_ref[...], a1_ref[0, 0],
        scale_ref[...], beta_ref[...], w2t_ref[...], b2_ref[...],
        a2_ref[0, 0])


def _mlp_call(h, p, w1t, b1, a1, scale, beta, w2t, b2, a2):
    blk = lambda i: (i, 0)
    fixed = lambda i: (0, 0)
    return pl.pallas_call(
        _mlp_kernel,
        grid=(N_BLOCKS,),
        in_specs=[
            pl.BlockSpec((ROW_BLOCK, DIM), blk),
            pl.BlockSpec((2, ROW_BLOCK, DIM), lambda i: (0, i, 0)),
            pl.BlockSpec((DIM, DIM), fixed),
            pl.BlockSpec((1, DIM), fixed),
            pl.BlockSpec((1, 1), fixed),
            pl.BlockSpec((1, DIM), fixed),
            pl.BlockSpec((1, DIM), fixed),
            pl.BlockSpec((DIM, DIM), fixed),
            pl.BlockSpec((1, DIM), fixed),
            pl.BlockSpec((1, 1), fixed),
        ],
        out_specs=pl.BlockSpec((ROW_BLOCK, DIM), blk),
        out_shape=jax.ShapeDtypeStruct((NPAD, DIM), jnp.float32),
    )(h, p, w1t, b1, a1, scale, beta, w2t, b2, a2)


def _final_kernel(h_ref, p_ref, w1t_ref, b1_ref, a1_ref, scale_ref,
                  beta_ref, w2t_ref, b2_ref, a2_ref, batch_ref, adj_ref,
                  fc1adjt_ref, stats_ref, fc1poolt_ref, fc1statst_ref,
                  fc1b_ref, fc2t_ref, fc2b_ref, xl_ref, out_ref,
                  pool_acc, adj_acc):
    i = pl.program_id(0)
    z = h_ref[...] + p_ref[0] + p_ref[1]
    h = _mlp_block(
        z, w1t_ref[...], b1_ref[...], a1_ref[0, 0],
        scale_ref[...], beta_ref[...], w2t_ref[...], b2_ref[...],
        a2_ref[0, 0])

    b_ids = batch_ref[0, 0, :]
    seg = lax.broadcasted_iota(jnp.int32, (BPAD, ROW_BLOCK), 0)
    onehot_t = (seg == jnp.reshape(b_ids, (1, ROW_BLOCK))).astype(jnp.float32)
    pool_contrib = _dot(onehot_t, h)
    adj_contrib = _dot(adj_ref[...], fc1adjt_ref[...])

    @pl.when(i == 0)
    def _():
        pool_acc[...] = pool_contrib
        adj_acc[...] = adj_contrib

    @pl.when(i != 0)
    def _():
        pool_acc[...] += pool_contrib
        adj_acc[...] += adj_contrib

    @pl.when(i == N_BLOCKS - 1)
    def _():
        xt = (_dot(pool_acc[...], fc1poolt_ref[...])
              + _dot(stats_ref[...], fc1statst_ref[...])
              + adj_acc[...] + fc1b_ref[...])
        xt = jnp.maximum(xt, 0.0)
        xl_ref[...] = xt
        logits = _dot(xt, fc2t_ref[...]) + fc2b_ref[...]
        out_ref[...] = jax.nn.sigmoid(logits)


def _final_call(h, p, w1t, b1, a1, scale, beta, w2t, b2, a2, batch3d,
                adj_pad, fc1adjt, stats_pad, fc1poolt, fc1statst, fc1b,
                fc2t, fc2b):
    fixed = lambda i: (0, 0)
    return pl.pallas_call(
        _final_kernel,
        grid=(N_BLOCKS,),
        in_specs=[
            pl.BlockSpec((ROW_BLOCK, DIM), lambda i: (i, 0)),
            pl.BlockSpec((2, ROW_BLOCK, DIM), lambda i: (0, i, 0)),
            pl.BlockSpec((DIM, DIM), fixed),
            pl.BlockSpec((1, DIM), fixed),
            pl.BlockSpec((1, 1), fixed),
            pl.BlockSpec((1, DIM), fixed),
            pl.BlockSpec((1, DIM), fixed),
            pl.BlockSpec((DIM, DIM), fixed),
            pl.BlockSpec((1, DIM), fixed),
            pl.BlockSpec((1, 1), fixed),
            pl.BlockSpec((1, 1, ROW_BLOCK), lambda i: (i, 0, 0)),
            pl.BlockSpec((BPAD, ADJ_BLOCK), lambda i: (0, i)),
            pl.BlockSpec((ADJ_BLOCK, DIM), lambda i: (i, 0)),
            pl.BlockSpec((BPAD, DIM), fixed),
            pl.BlockSpec((DIM, DIM), fixed),
            pl.BlockSpec((DIM, DIM), fixed),
            pl.BlockSpec((1, DIM), fixed),
            pl.BlockSpec((DIM, DIM), fixed),
            pl.BlockSpec((1, DIM), fixed),
        ],
        out_specs=[
            pl.BlockSpec((BPAD, DIM), fixed),
            pl.BlockSpec((BPAD, DIM), fixed),
        ],
        out_shape=[
            jax.ShapeDtypeStruct((BPAD, DIM), jnp.float32),
            jax.ShapeDtypeStruct((BPAD, DIM), jnp.float32),
        ],
        scratch_shapes=[
            pltpu.VMEM((BPAD, DIM), jnp.float32),
            pltpu.VMEM((BPAD, DIM), jnp.float32),
        ],
    )(h, p, w1t, b1, a1, scale, beta, w2t, b2, a2, batch3d, adj_pad,
      fc1adjt, stats_pad, fc1poolt, fc1statst, fc1b, fc2t, fc2b)


def kernel(x, edge_index, batch, stats, adj, W1, b1, a1, bn_gamma, bn_beta,
           W2, b2, a2, fc1_w, fc1_b, fc2_w, fc2_b):
    f32 = jnp.float32

    src = edge_index[0].astype(jnp.int32)
    dst = edge_index[1].astype(jnp.int32)
    pad_e = EPAD - N_EDGES
    src_p = jnp.concatenate([src, jnp.zeros((pad_e,), jnp.int32)])
    dummy_dst = DUMMY_ROW + (jnp.arange(pad_e, dtype=jnp.int32) % N_DUMMY)
    dst_p = jnp.concatenate([dst, dummy_dst])

    n0 = 16 * CPW0 * CHUNK
    filler_src = jnp.zeros((16, (CPW0 - CPW1) * CHUNK), jnp.int32)
    filler_dst = jnp.broadcast_to(
        DUMMY_ROW + (jnp.arange((CPW0 - CPW1) * CHUNK, dtype=jnp.int32)
                     % N_DUMMY),
        (16, (CPW0 - CPW1) * CHUNK))

    def split_rows(flat, filler):
        rows0 = flat[:n0].reshape(16, CPW0 * CHUNK)
        rows1 = jnp.concatenate(
            [flat[n0:].reshape(16, CPW1 * CHUNK), filler], axis=1)
        return jnp.stack([rows0, rows1], axis=1).reshape(32, CPW0 * CHUNK)

    src2 = split_rows(src_p, filler_src)
    dst3 = split_rows(dst_p, filler_dst).reshape(32, CPW0, CHUNK)

    h = jnp.concatenate(
        [x.astype(f32), jnp.zeros((NPAD - N_NODES, DIM), f32)], axis=0)
    zeros_h = jnp.zeros((NPAD, DIM), f32)

    bn_scale = (bn_gamma * jax.lax.rsqrt(jnp.float32(1.0 + 1e-5))).astype(f32)

    batch_p = jnp.concatenate(
        [batch.astype(jnp.int32),
         jnp.full((NPAD - N_NODES,), BPAD - 1, jnp.int32)])
    batch3d = batch_p.reshape(N_BLOCKS, 1, ROW_BLOCK)

    adj_flat = adj.reshape(N_GRAPHS, ADJ_COLS).astype(f32)
    adj_pad = jnp.zeros((BPAD, ADJ_PAD), f32)
    adj_pad = adj_pad.at[:N_GRAPHS, :ADJ_COLS].set(adj_flat)

    stats_pad = jnp.zeros((BPAD, DIM), f32)
    stats_pad = stats_pad.at[:N_GRAPHS, :N_STATS].set(stats.astype(f32))

    fc1 = fc1_w.astype(f32)
    fc1poolt = jnp.zeros((DIM, DIM), f32)
    fc1poolt = fc1poolt.at[:, :HID].set(fc1[:, :DIM].T)
    fc1statst = jnp.zeros((DIM, DIM), f32)
    fc1statst = fc1statst.at[:N_STATS, :HID].set(fc1[:, DIM:DIM + N_STATS].T)
    fc1adjt = jnp.zeros((ADJ_PAD, DIM), f32)
    fc1adjt = fc1adjt.at[:ADJ_COLS, :HID].set(fc1[:, DIM + N_STATS:].T)
    fc1b = jnp.zeros((1, DIM), f32)
    fc1b = fc1b.at[0, :HID].set(fc1_b.astype(f32))
    fc2t = jnp.zeros((DIM, DIM), f32)
    fc2t = fc2t.at[:HID, 0].set(fc2_w.astype(f32)[0, :])
    fc2b = jnp.zeros((1, DIM), f32)
    fc2b = fc2b.at[0, 0].set(fc2_b.astype(f32)[0])

    for i in range(N_LAYERS):
        p = _sc_agg(jnp.stack([h, h]), zeros_h, src2, dst3)
        w1t = W1[i].T.astype(f32)
        w2t = W2[i].T.astype(f32)
        b1r = b1[i].reshape(1, DIM).astype(f32)
        b2r = b2[i].reshape(1, DIM).astype(f32)
        a1s = a1[i].reshape(1, 1).astype(f32)
        a2s = a2[i].reshape(1, 1).astype(f32)
        sc_r = bn_scale[i].reshape(1, DIM)
        be_r = bn_beta[i].reshape(1, DIM).astype(f32)
        if i < N_LAYERS - 1:
            h = _mlp_call(h, p, w1t, b1r, a1s, sc_r, be_r, w2t, b2r, a2s)
        else:
            xl, oo = _final_call(h, p, w1t, b1r, a1s, sc_r, be_r, w2t,
                                 b2r, a2s, batch3d, adj_pad, fc1adjt,
                                 stats_pad, fc1poolt, fc1statst, fc1b,
                                 fc2t, fc2b)

    out = oo[:N_GRAPHS, :1]
    x_l = xl[:N_GRAPHS, :HID]
    return (out, x_l)

# --- scband reference (transcript-rebuilt; emitter-appended) ---
"""Pipeline reference for scband-discriminator-73753178406914 (READ-ONLY COPY).

The authoritative reference and input builder live on the scoring server;
editing this copy changes nothing except your own understanding.
"""

import jax, jax.numpy as jnp
import numpy as np

N = 10000
E = 320000
D = 128
H = 128
B = 200
NC = 7
NM = 50
NL = 3

def setup_inputs(seed: int = 0) -> dict:
    key = jax.random.key(seed)
    ks = jax.random.split(key, 24)
    inp = {}
    inp['x'] = jax.random.normal(ks[0], (N, D), dtype=jnp.float32)
    inp['edge_index'] = jax.random.randint(ks[1], (2, E), 0, N, dtype=jnp.int64)
    inp['batch'] = jnp.sort(jax.random.randint(ks[2], (N,), 0, B, dtype=jnp.int64))
    inp['stats'] = jax.random.normal(ks[3], (B, NC), dtype=jnp.float32)
    inp['adj'] = jax.random.uniform(ks[4], (B, NM, NM), dtype=jnp.float32)
    # GIN MLP params per layer: Linear(D,H), PReLU, BN(H), Linear(H,H), PReLU
    inp['W1'] = jax.random.normal(ks[5], (NL, H, D), dtype=jnp.float32) * 0.05
    inp['b1'] = jnp.zeros((NL, H), dtype=jnp.float32)
    inp['a1'] = jnp.full((NL,), 0.25, dtype=jnp.float32)
    inp['bn_gamma'] = jnp.ones((NL, H), dtype=jnp.float32)
    inp['bn_beta'] = jnp.zeros((NL, H), dtype=jnp.float32)
    inp['W2'] = jax.random.normal(ks[6], (NL, H, H), dtype=jnp.float32) * 0.05
    inp['b2'] = jnp.zeros((NL, H), dtype=jnp.float32)
    inp['a2'] = jnp.full((NL,), 0.25, dtype=jnp.float32)
    inp['fc1_w'] = jax.random.normal(ks[7], (H // 2, H + NC + NM * NM), dtype=jnp.float32) * 0.02
    inp['fc1_b'] = jnp.zeros((H // 2,), dtype=jnp.float32)
    inp['fc2_w'] = jax.random.normal(ks[8], (1, H // 2), dtype=jnp.float32) * 0.05
    inp['fc2_b'] = jnp.zeros((1,), dtype=jnp.float32)
    return inp

def _prelu(v, a):
    return jnp.where(v >= 0, v, a * v)

def reference(x, edge_index, batch, stats, adj, W1, b1, a1, bn_gamma, bn_beta, W2, b2, a2, fc1_w, fc1_b, fc2_w, fc2_b):
    src = edge_index[0]
    dst = edge_index[1]
    h = x
    for i in range(NL):
        # GINConv: mlp((1+eps)*x + sum_{j in N(i)} x_j), eps=0
        agg = jax.ops.segment_sum(h[src], dst, num_segments=h.shape[0])
        z = h + agg
        z = z @ W1[i].T + b1[i]
        z = _prelu(z, a1[i])
        # BatchNorm1d in eval mode: running_mean=0, running_var=1
        z = (z - 0.0) / jnp.sqrt(1.0 + 1e-5) * bn_gamma[i] + bn_beta[i]
        z = z @ W2[i].T + b2[i]
        z = _prelu(z, a2[i])
        h = jax.nn.relu(z)
        # dropout is identity in eval mode
    pooled = jax.ops.segment_sum(h, batch, num_segments=B)  # global_add_pool
    x_cat = jnp.concatenate([pooled, stats, adj.reshape(B, -1)], axis=1)
    x_temp = jax.nn.relu(x_cat @ fc1_w.T + fc1_b)
    x_l = x_temp
    out = jax.nn.sigmoid(x_temp @ fc2_w.T + fc2_b)
    return (out, x_l)

if __name__ == "__main__":
    import jax
    _d = setup_inputs()
    print(jax.jit(kernel)(*tuple(_d.values())))

</pallas_src>

<mosaic_0001>
#map = affine_map<(d0, d1) -> (0, 0, 0)>
#map1 = affine_map<(d0, d1) -> (0, 0)>
module attributes {stable_mosaic.version = 14 : i64} {
  func.func @_sc_agg_body(%arg0: i32, %arg1: i32, %arg2: memref<2x10112x128xf32, #tpu.memory_space<hbm>>, %arg3: memref<10112x128xf32, #tpu.memory_space<hbm>>, %arg4: memref<32x16384xi32, #tpu.memory_space<hbm>>, %arg5: memref<32x128x128xi32, #tpu.memory_space<hbm>>, %arg6: memref<2x10112x128xf32, #tpu.memory_space<hbm>>, %arg7: memref<16384xi32, #tpu.memory_space<vmem>>, %arg8: memref<2x128xi32, #tpu.memory_space<vmem>>, %arg9: memref<128x128xf32, #tpu.memory_space<vmem>>, %arg10: memref<128x128xf32, #tpu.memory_space<vmem>>, %arg11: memref<10112x128xf32, #tpu.memory_space<vmem_shared>>, %arg12: memref<!tpu.dma_semaphore, #tpu.memory_space<semaphore_mem>>, %arg13: memref<!tpu.dma_semaphore, #tpu.memory_space<semaphore_mem>>, %arg14: memref<!tpu.dma_semaphore, #tpu.memory_space<semaphore_mem>>, %arg15: memref<!tpu.dma_semaphore, #tpu.memory_space<semaphore_mem>>, %arg16: memref<!tpu.dma_semaphore, #tpu.memory_space<semaphore_mem>>, %arg17: memref<!tpu.dma_semaphore, #tpu.memory_space<semaphore_mem>>) attributes {dimension_semantics = [#tpu.dimension_semantics<core_parallel>, #tpu.dimension_semantics<subcore_parallel>], iteration_bounds = array<i64: 2, 16>, scalar_prefetch = 0 : i64, scratch_operands = 11 : i64, tpu.core_type = #tpu.core_type<sc_vector_subcore>, window_params = [{transform_indices = #map}, {transform_indices = #map1}, {transform_indices = #map1}, {transform_indices = #map}, {transform_indices = #map}]} {
    %mul3A = arith.constant 2 : i32
    %mul3A_0 = arith.muli %arg1, %mul3A : i32
    %add3A = arith.addi %mul3A_0, %arg0 : i32
    %mul3A_1 = arith.constant 632 : i32
    %mul3A_2 = arith.muli %arg1, %mul3A_1 : i32
    %eq3A = arith.constant 0 : i32
    %eq3A_3 = arith.cmpi eq, %arg0, %eq3A : i32
    %jit3A = arith.constant 128 : i32
    %jit3A_4 = arith.constant 32 : i32
    %select_n3A = arith.select %eq3A_3, %jit3A, %jit3A_4 : i32
    "tpu.region"() ({
      %run_scoped3A = tpu.sem_alloc : memref<!tpu.dma_semaphore, #tpu.memory_space<semaphore_mem>>
      %dma_start3A_50 = arith.constant 0 : i32
      %dma_start3A_51 = tpu.memref_slice %arg11[%mul3A_2, %dma_start3A_50] : memref<10112x128xf32, #tpu.memory_space<vmem_shared>> -> memref<632x128xf32, #tpu.memory_space<vmem_shared>>
      %dma_start3A_52 = arith.constant 0 : i32
      %dma_start3A_53 = tpu.memref_slice %arg3[%mul3A_2, %dma_start3A_52] : memref<10112x128xf32, #tpu.memory_space<hbm>> -> memref<632x128xf32, #tpu.memory_space<hbm>>
      tpu.enqueue_dma source(%dma_start3A_53 : memref<632x128xf32, #tpu.memory_space<hbm>>) target(%dma_start3A_51 : memref<632x128xf32, #tpu.memory_space<vmem_shared>>) target_semaphore(%run_scoped3A : memref<!tpu.dma_semaphore, #tpu.memory_space<semaphore_mem>>)
      %dma_wait3A_54 = arith.constant 0 : i32
      %dma_wait3A_55 = tpu.memref_slice %arg11[%mul3A_2, %dma_wait3A_54] : memref<10112x128xf32, #tpu.memory_space<vmem_shared>> -> memref<632x128xf32, #tpu.memory_space<vmem_shared>>
      %dma_wait3A_56 = arith.constant 0 : i32
      %dma_wait3A_57 = tpu.memref_slice %arg3[%mul3A_2, %dma_wait3A_56] : memref<10112x128xf32, #tpu.memory_space<hbm>> -> memref<632x128xf32, #tpu.memory_space<hbm>>
      tpu.wait_dma2 semaphore(%run_scoped3A : memref<!tpu.dma_semaphore, #tpu.memory_space<semaphore_mem>>) src(%dma_wait3A_57 : memref<632x128xf32, #tpu.memory_space<hbm>>) dst(%dma_wait3A_55 : memref<632x128xf32, #tpu.memory_space<vmem_shared>>)
      tpu.yield
    }) : () -> ()
    "tpu.region"() ({
      %run_scoped3A = tpu.sem_alloc : memref<!tpu.dma_semaphore, #tpu.memory_space<semaphore_mem>>
      %dma_start3A_50 = arith.constant 0 : i32
      %dma_start3A_51 = tpu.memref_slice %arg4[%add3A, %dma_start3A_50] : memref<32x16384xi32, #tpu.memory_space<hbm>> -> memref<1x16384xi32, #tpu.memory_space<hbm>>
      %dma_start3A_52 = tpu.memref_squeeze %dma_start3A_51 : memref<1x16384xi32, #tpu.memory_space<hbm>> -> memref<16384xi32, #tpu.memory_space<hbm>>
      %dma_start3A_53 = arith.constant 0 : i32
      %dma_start3A_54 = tpu.memref_slice %arg4[%add3A, %dma_start3A_53] : memref<32x16384xi32, #tpu.memory_space<hbm>> -> memref<1x16384xi32, #tpu.memory_space<hbm>>
      %dma_start3A_55 = tpu.memref_squeeze %dma_start3A_54 : memref<1x16384xi32, #tpu.memory_space<hbm>> -> memref<16384xi32, #tpu.memory_space<hbm>>
      tpu.enqueue_dma source(%dma_start3A_55 : memref<16384xi32, #tpu.memory_space<hbm>>) target(%arg7 : memref<16384xi32, #tpu.memory_space<vmem>>) target_semaphore(%run_scoped3A : memref<!tpu.dma_semaphore, #tpu.memory_space<semaphore_mem>>)
      %dma_wait3A_56 = arith.constant 0 : i32
      %dma_wait3A_57 = tpu.memref_slice %arg4[%add3A, %dma_wait3A_56] : memref<32x16384xi32, #tpu.memory_space<hbm>> -> memref<1x16384xi32, #tpu.memory_space<hbm>>
      %dma_wait3A_58 = tpu.memref_squeeze %dma_wait3A_57 : memref<1x16384xi32, #tpu.memory_space<hbm>> -> memref<16384xi32, #tpu.memory_space<hbm>>
      %dma_wait3A_59 = arith.constant 0 : i32
      %dma_wait3A_60 = tpu.memref_slice %arg4[%add3A, %dma_wait3A_59] : memref<32x16384xi32, #tpu.memory_space<hbm>> -> memref<1x16384xi32, #tpu.memory_space<hbm>>
      %dma_wait3A_61 = tpu.memref_squeeze %dma_wait3A_60 : memref<1x16384xi32, #tpu.memory_space<hbm>> -> memref<16384xi32, #tpu.memory_space<hbm>>
      tpu.wait_dma2 semaphore(%run_scoped3A : memref<!tpu.dma_semaphore, #tpu.memory_space<semaphore_mem>>) src(%dma_wait3A_61 : memref<16384xi32, #tpu.memory_space<hbm>>) dst(%arg7 : memref<16384xi32, #tpu.memory_space<vmem>>)
      tpu.yield
    }) : () -> ()
    %barrier3A = arith.constant 0 : index
    tpu.barrier barrier_id(%barrier3A)
    %dma_start3A = arith.constant 0 : i32
    %dma_start3A_5 = arith.constant 0 : i32
    %dma_start3A_6 = arith.constant 0 : i32
    %dma_start3A_7 = tpu.memref_slice %arg8[%dma_start3A_5, %dma_start3A_6] : memref<2x128xi32, #tpu.memory_space<vmem>> -> memref<1x128xi32, #tpu.memory_space<vmem>>
    %dma_start3A_8 = tpu.memref_squeeze %dma_start3A_7 : memref<1x128xi32, #tpu.memory_space<vmem>> -> memref<128xi32, #tpu.memory_space<vmem>>
    %dma_start3A_9 = arith.constant 0 : i32
    %dma_start3A_10 = tpu.memref_slice %arg5[%add3A, %dma_start3A, %dma_start3A_9] : memref<32x128x128xi32, #tpu.memory_space<hbm>> -> memref<1x1x128xi32, #tpu.memory_space<hbm>>
    %dma_start3A_11 = tpu.memref_squeeze %dma_start3A_10 : memref<1x1x128xi32, #tpu.memory_space<hbm>> -> memref<128xi32, #tpu.memory_space<hbm>>
    %dma_start3A_12 = arith.constant 0 : i32
    %dma_start3A_13 = tpu.memref_slice %arg8[%dma_start3A_5, %dma_start3A_12] : memref<2x128xi32, #tpu.memory_space<vmem>> -> memref<1x128xi32, #tpu.memory_space<vmem>>
    %dma_start3A_14 = tpu.memref_squeeze %dma_start3A_13 : memref<1x128xi32, #tpu.memory_space<vmem>> -> memref<128xi32, #tpu.memory_space<vmem>>
    %dma_start3A_15 = arith.constant 0 : i32
    %dma_start3A_16 = tpu.memref_slice %arg5[%add3A, %dma_start3A, %dma_start3A_15] : memref<32x128x128xi32, #tpu.memory_space<hbm>> -> memref<1x1x128xi32, #tpu.memory_space<hbm>>
    %dma_start3A_17 = tpu.memref_squeeze %dma_start3A_16 : memref<1x1x128xi32, #tpu.memory_space<hbm>> -> memref<128xi32, #tpu.memory_space<hbm>>
    tpu.enqueue_dma source(%dma_start3A_17 : memref<128xi32, #tpu.memory_space<hbm>>) target(%dma_start3A_14 : memref<128xi32, #tpu.memory_space<vmem>>) target_semaphore(%arg16 : memref<!tpu.dma_semaphore, #tpu.memory_space<semaphore_mem>>)
    %multiple_of3A = arith.constant 0 : i32
    %multiple_of3A_18 = tpu.assume_multiple %multiple_of3A, 8 : i32
    %dma_start3A_19 = tpu.memref_slice %arg7[%multiple_of3A_18] : memref<16384xi32, #tpu.memory_space<vmem>> -> memref<128xi32, #tpu.memory_space<vmem>>
    %dma_start3A_20 = arith.constant 0 : i32
    %dma_start3A_21 = arith.constant 0 : i32
    %dma_start3A_22 = tpu.memref_slice %arg2[%arg0, %dma_start3A_20, %dma_start3A_21] : memref<2x10112x128xf32, #tpu.memory_space<hbm>> -> memref<1x10112x128xf32, #tpu.memory_space<hbm>>
    %dma_start3A_23 = tpu.memref_squeeze %dma_start3A_22 : memref<1x10112x128xf32, #tpu.memory_space<hbm>> -> memref<10112x128xf32, #tpu.memory_space<hbm>>
    %dma_start3A_24 = arith.constant 0 : i32
    %dma_start3A_25 = arith.constant 0 : i32
    %dma_start3A_26 = tpu.memref_slice %dma_start3A_23[%dma_start3A_24, %dma_start3A_25] : memref<10112x128xf32, #tpu.memory_space<hbm>> -> memref<10112x128xf32, #tpu.memory_space<hbm>>
    tpu.enqueue_indirect_dma source(%dma_start3A_26 : memref<10112x128xf32, #tpu.memory_space<hbm>>) target(%arg9 : memref<128x128xf32, #tpu.memory_space<vmem>>) offsets(%dma_start3A_19 : memref<128xi32, #tpu.memory_space<vmem>>) semaphore(%arg12 : memref<!tpu.dma_semaphore, #tpu.memory_space<semaphore_mem>>)
    %sub3A = arith.constant 0 : i32
    %sub3A_27 = arith.subi %select_n3A, %sub3A : i32
    %sub3A_28 = arith.constant 2 : i32
    %sub3A_29 = arith.constant 1 : i32
    %sub3A_30 = arith.subi %sub3A_28, %sub3A_29 : i32
    %add3A_31 = arith.addi %sub3A_27, %sub3A_30 : i32
    %div3A = arith.constant 2 : i32
    %div3A_32 = arith.divsi %add3A_31, %div3A : i32
    %while3A = arith.constant 2 : i32
    %while3A_33 = arith.constant 0 : i32
    %while3A_34 = arith.constant 0 : i32
    %while3A_35 = arith.subi %div3A_32, %while3A_34 : i32
    %while3A_36 = arith.addi %while3A_34, %while3A_35 : i32
    %while3A_37 = arith.constant 1 : i32
    %while3A_38 = arith.divsi %while3A_35, %while3A_37 : i32
    %while3A_39 = arith.muli %while3A_38, %while3A_37 : i32
    %while3A_40 = arith.addi %while3A_34, %while3A_39 : i32
    %while3A_41 = arith.constant 1 : i32
    scf.for %while3A_50 = %while3A_34 to %while3A_40 step %while3A_41  : i32 {
      %mul3A_51 = arith.muli %while3A_50, %while3A : i32
      %add3A_52 = arith.addi %while3A_33, %mul3A_51 : i32
      %add3A_53 = arith.constant 0 : i32
      %add3A_54 = arith.addi %add3A_52, %add3A_53 : i32
      %ge3A = arith.constant 1 : i32
      %ge3A_55 = arith.cmpi sge, %add3A_54, %ge3A : i32
      %convert_element_type3A = arith.extui %ge3A_55 : i1 to i32
      %cond3A = arith.constant 0 : i32
      %cond3A_56 = arith.cmpi ne, %convert_element_type3A, %cond3A : i32
      scf.if %cond3A_56 {
        %dma_wait3A_137 = arith.constant 1 : i32
        %dma_wait3A_138 = arith.constant 0 : i32
        %dma_wait3A_139 = tpu.memref_slice %arg8[%dma_wait3A_137, %dma_wait3A_138] : memref<2x128xi32, #tpu.memory_space<vmem>> -> memref<1x128xi32, #tpu.memory_space<vmem>>
        %dma_wait3A_140 = tpu.memref_squeeze %dma_wait3A_139 : memref<1x128xi32, #tpu.memory_space<vmem>> -> memref<128xi32, #tpu.memory_space<vmem>>
        %dma_wait3A_141 = arith.constant 0 : i32
        %dma_wait3A_142 = arith.constant 0 : i32
        %dma_wait3A_143 = tpu.memref_slice %arg11[%dma_wait3A_141, %dma_wait3A_142] : memref<10112x128xf32, #tpu.memory_space<vmem_shared>> -> memref<10112x128xf32, #tpu.memory_space<vmem_shared>>
        tpu.wait_indirect_dma semaphore(%arg15 : memref<!tpu.dma_semaphore, #tpu.memory_space<semaphore_mem>>) src(%arg10 : memref<128x128xf32, #tpu.memory_space<vmem>>) dst(%dma_wait3A_143 : memref<10112x128xf32, #tpu.memory_space<vmem_shared>>)
      } else {
      }
      %add3A_57 = arith.constant 1 : i32
      %add3A_58 = arith.addi %add3A_54, %add3A_57 : i32
      %lt3A = arith.cmpi slt, %add3A_58, %select_n3A : i32
      %convert_element_type3A_59 = arith.extui %lt3A : i1 to i32
      %cond3A_60 = arith.constant 0 : i32
      %cond3A_61 = arith.cmpi ne, %convert_element_type3A_59, %cond3A_60 : i32
      scf.if %cond3A_61 {
        %add3A_137 = arith.constant 1 : i32
        %add3A_138 = arith.addi %add3A_54, %add3A_137 : i32
        %dma_start3A_139 = arith.constant 1 : i32
        %dma_start3A_140 = arith.constant 0 : i32
        %dma_start3A_141 = tpu.memref_slice %arg8[%dma_start3A_139, %dma_start3A_140] : memref<2x128xi32, #tpu.memory_space<vmem>> -> memref<1x128xi32, #tpu.memory_space<vmem>>
        %dma_start3A_142 = tpu.memref_squeeze %dma_start3A_141 : memref<1x128xi32, #tpu.memory_space<vmem>> -> memref<128xi32, #tpu.memory_space<vmem>>
        %dma_start3A_143 = arith.constant 0 : i32
        %dma_start3A_144 = tpu.memref_slice %arg5[%add3A, %add3A_138, %dma_start3A_143] : memref<32x128x128xi32, #tpu.memory_space<hbm>> -> memref<1x1x128xi32, #tpu.memory_space<hbm>>
        %dma_start3A_145 = tpu.memref_squeeze %dma_start3A_144 : memref<1x1x128xi32, #tpu.memory_space<hbm>> -> memref<128xi32, #tpu.memory_space<hbm>>
        %dma_start3A_146 = arith.constant 0 : i32
        %dma_start3A_147 = tpu.memref_slice %arg8[%dma_start3A_139, %dma_start3A_146] : memref<2x128xi32, #tpu.memory_space<vmem>> -> memref<1x128xi32, #tpu.memory_space<vmem>>
        %dma_start3A_148 = tpu.memref_squeeze %dma_start3A_147 : memref<1x128xi32, #tpu.memory_space<vmem>> -> memref<128xi32, #tpu.memory_space<vmem>>
        %dma_start3A_149 = arith.constant 0 : i32
        %dma_start3A_150 = tpu.memref_slice %arg5[%add3A, %add3A_138, %dma_start3A_149] : memref<32x128x128xi32, #tpu.memory_space<hbm>> -> memref<1x1x128xi32, #tpu.memory_space<hbm>>
        %dma_start3A_151 = tpu.memref_squeeze %dma_start3A_150 : memref<1x1x128xi32, #tpu.memory_space<hbm>> -> memref<128xi32, #tpu.memory_space<hbm>>
        tpu.enqueue_dma source(%dma_start3A_151 : memref<128xi32, #tpu.memory_space<hbm>>) target(%dma_start3A_148 : memref<128xi32, #tpu.memory_space<vmem>>) target_semaphore(%arg17 : memref<!tpu.dma_semaphore, #tpu.memory_space<semaphore_mem>>)
        %add3A_152 = arith.constant 1 : i32
        %add3A_153 = arith.addi %add3A_54, %add3A_152 : i32
        %mul3A_154 = arith.constant 128 : i32
        %mul3A_155 = arith.muli %add3A_153, %mul3A_154 : i32
        %multiple_of3A_156 = tpu.assume_multiple %mul3A_155, 8 : i32
        %dma_start3A_157 = tpu.memref_slice %arg7[%multiple_of3A_156] : memref<16384xi32, #tpu.memory_space<vmem>> -> memref<128xi32, #tpu.memory_space<vmem>>
        %dma_start3A_158 = arith.constant 0 : i32
        %dma_start3A_159 = arith.constant 0 : i32
        %dma_start3A_160 = tpu.memref_slice %arg2[%arg0, %dma_start3A_158, %dma_start3A_159] : memref<2x10112x128xf32, #tpu.memory_space<hbm>> -> memref<1x10112x128xf32, #tpu.memory_space<hbm>>
        %dma_start3A_161 = tpu.memref_squeeze %dma_start3A_160 : memref<1x10112x128xf32, #tpu.memory_space<hbm>> -> memref<10112x128xf32, #tpu.memory_space<hbm>>
        %dma_start3A_162 = arith.constant 0 : i32
        %dma_start3A_163 = arith.constant 0 : i32
        %dma_start3A_164 = tpu.memref_slice %dma_start3A_161[%dma_start3A_162, %dma_start3A_163] : memref<10112x128xf32, #tpu.memory_space<hbm>> -> memref<10112x128xf32, #tpu.memory_space<hbm>>
        tpu.enqueue_indirect_dma source(%dma_start3A_164 : memref<10112x128xf32, #tpu.memory_space<hbm>>) target(%arg10 : memref<128x128xf32, #tpu.memory_space<vmem>>) offsets(%dma_start3A_157 : memref<128xi32, #tpu.memory_space<vmem>>) semaphore(%arg13 : memref<!tpu.dma_semaphore, #tpu.memory_space<semaphore_mem>>)
      } else {
      }
      %mul3A_62 = arith.constant 128 : i32
      %mul3A_63 = arith.muli %add3A_54, %mul3A_62 : i32
      %multiple_of3A_64 = tpu.assume_multiple %mul3A_63, 8 : i32
      %dma_wait3A_65 = tpu.memref_slice %arg7[%multiple_of3A_64] : memref<16384xi32, #tpu.memory_space<vmem>> -> memref<128xi32, #tpu.memory_space<vmem>>
      %dma_wait3A_66 = arith.constant 0 : i32
      %dma_wait3A_67 = arith.constant 0 : i32
      %dma_wait3A_68 = tpu.memref_slice %arg2[%arg0, %dma_wait3A_66, %dma_wait3A_67] : memref<2x10112x128xf32, #tpu.memory_space<hbm>> -> memref<1x10112x128xf32, #tpu.memory_space<hbm>>
      %dma_wait3A_69 = tpu.memref_squeeze %dma_wait3A_68 : memref<1x10112x128xf32, #tpu.memory_space<hbm>> -> memref<10112x128xf32, #tpu.memory_space<hbm>>
      %dma_wait3A_70 = arith.constant 0 : i32
      %dma_wait3A_71 = arith.constant 0 : i32
      %dma_wait3A_72 = tpu.memref_slice %dma_wait3A_69[%dma_wait3A_70, %dma_wait3A_71] : memref<10112x128xf32, #tpu.memory_space<hbm>> -> memref<10112x128xf32, #tpu.memory_space<hbm>>
      tpu.wait_indirect_dma semaphore(%arg12 : memref<!tpu.dma_semaphore, #tpu.memory_space<semaphore_mem>>) src(%dma_wait3A_72 : memref<10112x128xf32, #tpu.memory_space<hbm>>) dst(%arg9 : memref<128x128xf32, #tpu.memory_space<vmem>>)
      %dma_wait3A_73 = arith.constant 0 : i32
      %dma_wait3A_74 = arith.constant 0 : i32
      %dma_wait3A_75 = tpu.memref_slice %arg8[%dma_wait3A_73, %dma_wait3A_74] : memref<2x128xi32, #tpu.memory_space<vmem>> -> memref<1x128xi32, #tpu.memory_space<vmem>>
      %dma_wait3A_76 = tpu.memref_squeeze %dma_wait3A_75 : memref<1x128xi32, #tpu.memory_space<vmem>> -> memref<128xi32, #tpu.memory_space<vmem>>
      %dma_wait3A_77 = arith.constant 0 : i32
      %dma_wait3A_78 = tpu.memref_slice %arg5[%add3A, %add3A_54, %dma_wait3A_77] : memref<32x128x128xi32, #tpu.memory_space<hbm>> -> memref<1x1x128xi32, #tpu.memory_space<hbm>>
      %dma_wait3A_79 = tpu.memref_squeeze %dma_wait3A_78 : memref<1x1x128xi32, #tpu.memory_space<hbm>> -> memref<128xi32, #tpu.memory_space<hbm>>
      %dma_wait3A_80 = arith.constant 0 : i32
      %dma_wait3A_81 = tpu.memref_slice %arg8[%dma_wait3A_73, %dma_wait3A_80] : memref<2x128xi32, #tpu.memory_space<vmem>> -> memref<1x128xi32, #tpu.memory_space<vmem>>
      %dma_wait3A_82 = tpu.memref_squeeze %dma_wait3A_81 : memref<1x128xi32, #tpu.memory_space<vmem>> -> memref<128xi32, #tpu.memory_space<vmem>>
      %dma_wait3A_83 = arith.constant 0 : i32
      %dma_wait3A_84 = tpu.memref_slice %arg5[%add3A, %add3A_54, %dma_wait3A_83] : memref<32x128x128xi32, #tpu.memory_space<hbm>> -> memref<1x1x128xi32, #tpu.memory_space<hbm>>
      %dma_wait3A_85 = tpu.memref_squeeze %dma_wait3A_84 : memref<1x1x128xi32, #tpu.memory_space<hbm>> -> memref<128xi32, #tpu.memory_space<hbm>>
      tpu.wait_dma2 semaphore(%arg16 : memref<!tpu.dma_semaphore, #tpu.memory_space<semaphore_mem>>) src(%dma_wait3A_85 : memref<128xi32, #tpu.memory_space<hbm>>) dst(%dma_wait3A_82 : memref<128xi32, #tpu.memory_space<vmem>>)
      %dma_start3A_86 = arith.constant 0 : i32
      %dma_start3A_87 = arith.constant 0 : i32
      %dma_start3A_88 = tpu.memref_slice %arg8[%dma_start3A_86, %dma_start3A_87] : memref<2x128xi32, #tpu.memory_space<vmem>> -> memref<1x128xi32, #tpu.memory_space<vmem>>
      %dma_start3A_89 = tpu.memref_squeeze %dma_start3A_88 : memref<1x128xi32, #tpu.memory_space<vmem>> -> memref<128xi32, #tpu.memory_space<vmem>>
      %dma_start3A_90 = arith.constant 0 : i32
      %dma_start3A_91 = arith.constant 0 : i32
      %dma_start3A_92 = tpu.memref_slice %arg11[%dma_start3A_90, %dma_start3A_91] : memref<10112x128xf32, #tpu.memory_space<vmem_shared>> -> memref<10112x128xf32, #tpu.memory_space<vmem_shared>>
      tpu.enqueue_indirect_dma source(%arg9 : memref<128x128xf32, #tpu.memory_space<vmem>>) target(%dma_start3A_92 : memref<10112x128xf32, #tpu.memory_space<vmem_shared>>) offsets(%dma_start3A_89 : memref<128xi32, #tpu.memory_space<vmem>>) semaphore(%arg14 : memref<!tpu.dma_semaphore, #tpu.memory_space<semaphore_mem>>) {add = true}
      %add3A_93 = arith.constant 1 : i32
      %add3A_94 = arith.addi %add3A_52, %add3A_93 : i32
      %ge3A_95 = arith.constant 1 : i32
      %ge3A_96 = arith.cmpi sge, %add3A_94, %ge3A_95 : i32
      %convert_element_type3A_97 = arith.extui %ge3A_96 : i1 to i32
      %cond3A_98 = arith.constant 0 : i32
      %cond3A_99 = arith.cmpi ne, %convert_element_type3A_97, %cond3A_98 : i32
      scf.if %cond3A_99 {
        %dma_wait3A_137 = arith.constant 0 : i32
        %dma_wait3A_138 = arith.constant 0 : i32
        %dma_wait3A_139 = tpu.memref_slice %arg8[%dma_wait3A_137, %dma_wait3A_138] : memref<2x128xi32, #tpu.memory_space<vmem>> -> memref<1x128xi32, #tpu.memory_space<vmem>>
        %dma_wait3A_140 = tpu.memref_squeeze %dma_wait3A_139 : memref<1x128xi32, #tpu.memory_space<vmem>> -> memref<128xi32, #tpu.memory_space<vmem>>
        %dma_wait3A_141 = arith.constant 0 : i32
        %dma_wait3A_142 = arith.constant 0 : i32
        %dma_wait3A_143 = tpu.memref_slice %arg11[%dma_wait3A_141, %dma_wait3A_142] : memref<10112x128xf32, #tpu.memory_space<vmem_shared>> -> memref<10112x128xf32, #tpu.memory_space<vmem_shared>>
        tpu.wait_indirect_dma semaphore(%arg14 : memref<!tpu.dma_semaphore, #tpu.memory_space<semaphore_mem>>) src(%arg9 : memref<128x128xf32, #tpu.memory_space<vmem>>) dst(%dma_wait3A_143 : memref<10112x128xf32, #tpu.memory_space<vmem_shared>>)
      } else {
      }
      %add3A_100 = arith.constant 1 : i32
      %add3A_101 = arith.addi %add3A_94, %add3A_100 : i32
      %lt3A_102 = arith.cmpi slt, %add3A_101, %select_n3A : i32
      %convert_element_type3A_103 = arith.extui %lt3A_102 : i1 to i32
      %cond3A_104 = arith.constant 0 : i32
      %cond3A_105 = arith.cmpi ne, %convert_element_type3A_103, %cond3A_104 : i32
      scf.if %cond3A_105 {
        %add3A_137 = arith.constant 1 : i32
        %add3A_138 = arith.addi %add3A_94, %add3A_137 : i32
        %dma_start3A_139 = arith.constant 0 : i32
        %dma_start3A_140 = arith.constant 0 : i32
        %dma_start3A_141 = tpu.memref_slice %arg8[%dma_start3A_139, %dma_start3A_140] : memref<2x128xi32, #tpu.memory_space<vmem>> -> memref<1x128xi32, #tpu.memory_space<vmem>>
        %dma_start3A_142 = tpu.memref_squeeze %dma_start3A_141 : memref<1x128xi32, #tpu.memory_space<vmem>> -> memref<128xi32, #tpu.memory_space<vmem>>
        %dma_start3A_143 = arith.constant 0 : i32
        %dma_start3A_144 = tpu.memref_slice %arg5[%add3A, %add3A_138, %dma_start3A_143] : memref<32x128x128xi32, #tpu.memory_space<hbm>> -> memref<1x1x128xi32, #tpu.memory_space<hbm>>
        %dma_start3A_145 = tpu.memref_squeeze %dma_start3A_144 : memref<1x1x128xi32, #tpu.memory_space<hbm>> -> memref<128xi32, #tpu.memory_space<hbm>>
        %dma_start3A_146 = arith.constant 0 : i32
        %dma_start3A_147 = tpu.memref_slice %arg8[%dma_start3A_139, %dma_start3A_146] : memref<2x128xi32, #tpu.memory_space<vmem>> -> memref<1x128xi32, #tpu.memory_space<vmem>>
        %dma_start3A_148 = tpu.memref_squeeze %dma_start3A_147 : memref<1x128xi32, #tpu.memory_space<vmem>> -> memref<128xi32, #tpu.memory_space<vmem>>
        %dma_start3A_149 = arith.constant 0 : i32
        %dma_start3A_150 = tpu.memref_slice %arg5[%add3A, %add3A_138, %dma_start3A_149] : memref<32x128x128xi32, #tpu.memory_space<hbm>> -> memref<1x1x128xi32, #tpu.memory_space<hbm>>
        %dma_start3A_151 = tpu.memref_squeeze %dma_start3A_150 : memref<1x1x128xi32, #tpu.memory_space<hbm>> -> memref<128xi32, #tpu.memory_space<hbm>>
        tpu.enqueue_dma source(%dma_start3A_151 : memref<128xi32, #tpu.memory_space<hbm>>) target(%dma_start3A_148 : memref<128xi32, #tpu.memory_space<vmem>>) target_semaphore(%arg16 : memref<!tpu.dma_semaphore, #tpu.memory_space<semaphore_mem>>)
        %add3A_152 = arith.constant 1 : i32
        %add3A_153 = arith.addi %add3A_94, %add3A_152 : i32
        %mul3A_154 = arith.constant 128 : i32
        %mul3A_155 = arith.muli %add3A_153, %mul3A_154 : i32
        %multiple_of3A_156 = tpu.assume_multiple %mul3A_155, 8 : i32
        %dma_start3A_157 = tpu.memref_slice %arg7[%multiple_of3A_156] : memref<16384xi32, #tpu.memory_space<vmem>> -> memref<128xi32, #tpu.memory_space<vmem>>
        %dma_start3A_158 = arith.constant 0 : i32
        %dma_start3A_159 = arith.constant 0 : i32
        %dma_start3A_160 = tpu.memref_slice %arg2[%arg0, %dma_start3A_158, %dma_start3A_159] : memref<2x10112x128xf32, #tpu.memory_space<hbm>> -> memref<1x10112x128xf32, #tpu.memory_space<hbm>>
        %dma_start3A_161 = tpu.memref_squeeze %dma_start3A_160 : memref<1x10112x128xf32, #tpu.memory_space<hbm>> -> memref<10112x128xf32, #tpu.memory_space<hbm>>
        %dma_start3A_162 = arith.constant 0 : i32
        %dma_start3A_163 = arith.constant 0 : i32
        %dma_start3A_164 = tpu.memref_slice %dma_start3A_161[%dma_start3A_162, %dma_start3A_163] : memref<10112x128xf32, #tpu.memory_space<hbm>> -> memref<10112x128xf32, #tpu.memory_space<hbm>>
        tpu.enqueue_indirect_dma source(%dma_start3A_164 : memref<10112x128xf32, #tpu.memory_space<hbm>>) target(%arg9 : memref<128x128xf32, #tpu.memory_space<vmem>>) offsets(%dma_start3A_157 : memref<128xi32, #tpu.memory_space<vmem>>) semaphore(%arg12 : memref<!tpu.dma_semaphore, #tpu.memory_space<semaphore_mem>>)
      } else {
      }
      %mul3A_106 = arith.constant 128 : i32
      %mul3A_107 = arith.muli %add3A_94, %mul3A_106 : i32
      %multiple_of3A_108 = tpu.assume_multiple %mul3A_107, 8 : i32
      %dma_wait3A_109 = tpu.memref_slice %arg7[%multiple_of3A_108] : memref<16384xi32, #tpu.memory_space<vmem>> -> memref<128xi32, #tpu.memory_space<vmem>>
      %dma_wait3A_110 = arith.constant 0 : i32
      %dma_wait3A_111 = arith.constant 0 : i32
      %dma_wait3A_112 = tpu.memref_slice %arg2[%arg0, %dma_wait3A_110, %dma_wait3A_111] : memref<2x10112x128xf32, #tpu.memory_space<hbm>> -> memref<1x10112x128xf32, #tpu.memory_space<hbm>>
      %dma_wait3A_113 = tpu.memref_squeeze %dma_wait3A_112 : memref<1x10112x128xf32, #tpu.memory_space<hbm>> -> memref<10112x128xf32, #tpu.memory_space<hbm>>
      %dma_wait3A_114 = arith.constant 0 : i32
      %dma_wait3A_115 = arith.constant 0 : i32
      %dma_wait3A_116 = tpu.memref_slice %dma_wait3A_113[%dma_wait3A_114, %dma_wait3A_115] : memref<10112x128xf32, #tpu.memory_space<hbm>> -> memref<10112x128xf32, #tpu.memory_space<hbm>>
      tpu.wait_indirect_dma semaphore(%arg13 : memref<!tpu.dma_semaphore, #tpu.memory_space<semaphore_mem>>) src(%dma_wait3A_116 : memref<10112x128xf32, #tpu.memory_space<hbm>>) dst(%arg10 : memref<128x128xf32, #tpu.memory_space<vmem>>)
      %dma_wait3A_117 = arith.constant 1 : i32
      %dma_wait3A_118 = arith.constant 0 : i32
      %dma_wait3A_119 = tpu.memref_slice %arg8[%dma_wait3A_117, %dma_wait3A_118] : memref<2x128xi32, #tpu.memory_space<vmem>> -> memref<1x128xi32, #tpu.memory_space<vmem>>
      %dma_wait3A_120 = tpu.memref_squeeze %dma_wait3A_119 : memref<1x128xi32, #tpu.memory_space<vmem>> -> memref<128xi32, #tpu.memory_space<vmem>>
      %dma_wait3A_121 = arith.constant 0 : i32
      %dma_wait3A_122 = tpu.memref_slice %arg5[%add3A, %add3A_94, %dma_wait3A_121] : memref<32x128x128xi32, #tpu.memory_space<hbm>> -> memref<1x1x128xi32, #tpu.memory_space<hbm>>
      %dma_wait3A_123 = tpu.memref_squeeze %dma_wait3A_122 : memref<1x1x128xi32, #tpu.memory_space<hbm>> -> memref<128xi32, #tpu.memory_space<hbm>>
      %dma_wait3A_124 = arith.constant 0 : i32
      %dma_wait3A_125 = tpu.memref_slice %arg8[%dma_wait3A_117, %dma_wait3A_124] : memref<2x128xi32, #tpu.memory_space<vmem>> -> memref<1x128xi32, #tpu.memory_space<vmem>>
      %dma_wait3A_126 = tpu.memref_squeeze %dma_wait3A_125 : memref<1x128xi32, #tpu.memory_space<vmem>> -> memref<128xi32, #tpu.memory_space<vmem>>
      %dma_wait3A_127 = arith.constant 0 : i32
      %dma_wait3A_128 = tpu.memref_slice %arg5[%add3A, %add3A_94, %dma_wait3A_127] : memref<32x128x128xi32, #tpu.memory_space<hbm>> -> memref<1x1x128xi32, #tpu.memory_space<hbm>>
      %dma_wait3A_129 = tpu.memref_squeeze %dma_wait3A_128 : memref<1x1x128xi32, #tpu.memory_space<hbm>> -> memref<128xi32, #tpu.memory_space<hbm>>
      tpu.wait_dma2 semaphore(%arg17 : memref<!tpu.dma_semaphore, #tpu.memory_space<semaphore_mem>>) src(%dma_wait3A_129 : memref<128xi32, #tpu.memory_space<hbm>>) dst(%dma_wait3A_126 : memref<128xi32, #tpu.memory_space<vmem>>)
      %dma_start3A_130 = arith.constant 1 : i32
      %dma_start3A_131 = arith.constant 0 : i32
      %dma_start3A_132 = tpu.memref_slice %arg8[%dma_start3A_130, %dma_start3A_131] : memref<2x128xi32, #tpu.memory_space<vmem>> -> memref<1x128xi32, #tpu.memory_space<vmem>>
      %dma_start3A_133 = tpu.memref_squeeze %dma_start3A_132 : memref<1x128xi32, #tpu.memory_space<vmem>> -> memref<128xi32, #tpu.memory_space<vmem>>
      %dma_start3A_134 = arith.constant 0 : i32
      %dma_start3A_135 = arith.constant 0 : i32
      %dma_start3A_136 = tpu.memref_slice %arg11[%dma_start3A_134, %dma_start3A_135] : memref<10112x128xf32, #tpu.memory_space<vmem_shared>> -> memref<10112x128xf32, #tpu.memory_space<vmem_shared>>
      tpu.enqueue_indirect_dma source(%arg10 : memref<128x128xf32, #tpu.memory_space<vmem>>) target(%dma_start3A_136 : memref<10112x128xf32, #tpu.memory_space<vmem_shared>>) offsets(%dma_start3A_133 : memref<128xi32, #tpu.memory_space<vmem>>) semaphore(%arg15 : memref<!tpu.dma_semaphore, #tpu.memory_space<semaphore_mem>>) {add = true}
    }
    %while3A_42 = arith.constant 1 : i32
    scf.for %while3A_50 = %while3A_40 to %while3A_36 step %while3A_42  : i32 {
      %mul3A_51 = arith.muli %while3A_50, %while3A : i32
      %add3A_52 = arith.addi %while3A_33, %mul3A_51 : i32
      %add3A_53 = arith.constant 0 : i32
      %add3A_54 = arith.addi %add3A_52, %add3A_53 : i32
      %ge3A = arith.constant 1 : i32
      %ge3A_55 = arith.cmpi sge, %add3A_54, %ge3A : i32
      %convert_element_type3A = arith.extui %ge3A_55 : i1 to i32
      %cond3A = arith.constant 0 : i32
      %cond3A_56 = arith.cmpi ne, %convert_element_type3A, %cond3A : i32
      scf.if %cond3A_56 {
        %dma_wait3A_137 = arith.constant 1 : i32
        %dma_wait3A_138 = arith.constant 0 : i32
        %dma_wait3A_139 = tpu.memref_slice %arg8[%dma_wait3A_137, %dma_wait3A_138] : memref<2x128xi32, #tpu.memory_space<vmem>> -> memref<1x128xi32, #tpu.memory_space<vmem>>
        %dma_wait3A_140 = tpu.memref_squeeze %dma_wait3A_139 : memref<1x128xi32, #tpu.memory_space<vmem>> -> memref<128xi32, #tpu.memory_space<vmem>>
        %dma_wait3A_141 = arith.constant 0 : i32
        %dma_wait3A_142 = arith.constant 0 : i32
        %dma_wait3A_143 = tpu.memref_slice %arg11[%dma_wait3A_141, %dma_wait3A_142] : memref<10112x128xf32, #tpu.memory_space<vmem_shared>> -> memref<10112x128xf32, #tpu.memory_space<vmem_shared>>
        tpu.wait_indirect_dma semaphore(%arg15 : memref<!tpu.dma_semaphore, #tpu.memory_space<semaphore_mem>>) src(%arg10 : memref<128x128xf32, #tpu.memory_space<vmem>>) dst(%dma_wait3A_143 : memref<10112x128xf32, #tpu.memory_space<vmem_shared>>)
      } else {
      }
      %add3A_57 = arith.constant 1 : i32
      %add3A_58 = arith.addi %add3A_54, %add3A_57 : i32
      %lt3A = arith.cmpi slt, %add3A_58, %select_n3A : i32
      %convert_element_type3A_59 = arith.extui %lt3A : i1 to i32
      %cond3A_60 = arith.constant 0 : i32
      %cond3A_61 = arith.cmpi ne, %convert_element_type3A_59, %cond3A_60 : i32
      scf.if %cond3A_61 {
        %add3A_137 = arith.constant 1 : i32
        %add3A_138 = arith.addi %add3A_54, %add3A_137 : i32
        %dma_start3A_139 = arith.constant 1 : i32
        %dma_start3A_140 = arith.constant 0 : i32
        %dma_start3A_141 = tpu.memref_slice %arg8[%dma_start3A_139, %dma_start3A_140] : memref<2x128xi32, #tpu.memory_space<vmem>> -> memref<1x128xi32, #tpu.memory_space<vmem>>
        %dma_start3A_142 = tpu.memref_squeeze %dma_start3A_141 : memref<1x128xi32, #tpu.memory_space<vmem>> -> memref<128xi32, #tpu.memory_space<vmem>>
        %dma_start3A_143 = arith.constant 0 : i32
        %dma_start3A_144 = tpu.memref_slice %arg5[%add3A, %add3A_138, %dma_start3A_143] : memref<32x128x128xi32, #tpu.memory_space<hbm>> -> memref<1x1x128xi32, #tpu.memory_space<hbm>>
        %dma_start3A_145 = tpu.memref_squeeze %dma_start3A_144 : memref<1x1x128xi32, #tpu.memory_space<hbm>> -> memref<128xi32, #tpu.memory_space<hbm>>
        %dma_start3A_146 = arith.constant 0 : i32
        %dma_start3A_147 = tpu.memref_slice %arg8[%dma_start3A_139, %dma_start3A_146] : memref<2x128xi32, #tpu.memory_space<vmem>> -> memref<1x128xi32, #tpu.memory_space<vmem>>
        %dma_start3A_148 = tpu.memref_squeeze %dma_start3A_147 : memref<1x128xi32, #tpu.memory_space<vmem>> -> memref<128xi32, #tpu.memory_space<vmem>>
        %dma_start3A_149 = arith.constant 0 : i32
        %dma_start3A_150 = tpu.memref_slice %arg5[%add3A, %add3A_138, %dma_start3A_149] : memref<32x128x128xi32, #tpu.memory_space<hbm>> -> memref<1x1x128xi32, #tpu.memory_space<hbm>>
        %dma_start3A_151 = tpu.memref_squeeze %dma_start3A_150 : memref<1x1x128xi32, #tpu.memory_space<hbm>> -> memref<128xi32, #tpu.memory_space<hbm>>
        tpu.enqueue_dma source(%dma_start3A_151 : memref<128xi32, #tpu.memory_space<hbm>>) target(%dma_start3A_148 : memref<128xi32, #tpu.memory_space<vmem>>) target_semaphore(%arg17 : memref<!tpu.dma_semaphore, #tpu.memory_space<semaphore_mem>>)
        %add3A_152 = arith.constant 1 : i32
        %add3A_153 = arith.addi %add3A_54, %add3A_152 : i32
        %mul3A_154 = arith.constant 128 : i32
        %mul3A_155 = arith.muli %add3A_153, %mul3A_154 : i32
        %multiple_of3A_156 = tpu.assume_multiple %mul3A_155, 8 : i32
        %dma_start3A_157 = tpu.memref_slice %arg7[%multiple_of3A_156] : memref<16384xi32, #tpu.memory_space<vmem>> -> memref<128xi32, #tpu.memory_space<vmem>>
        %dma_start3A_158 = arith.constant 0 : i32
        %dma_start3A_159 = arith.constant 0 : i32
        %dma_start3A_160 = tpu.memref_slice %arg2[%arg0, %dma_start3A_158, %dma_start3A_159] : memref<2x10112x128xf32, #tpu.memory_space<hbm>> -> memref<1x10112x128xf32, #tpu.memory_space<hbm>>
        %dma_start3A_161 = tpu.memref_squeeze %dma_start3A_160 : memref<1x10112x128xf32, #tpu.memory_space<hbm>> -> memref<10112x128xf32, #tpu.memory_space<hbm>>
        %dma_start3A_162 = arith.constant 0 : i32
        %dma_start3A_163 = arith.constant 0 : i32
        %dma_start3A_164 = tpu.memref_slice %dma_start3A_161[%dma_start3A_162, %dma_start3A_163] : memref<10112x128xf32, #tpu.memory_space<hbm>> -> memref<10112x128xf32, #tpu.memory_space<hbm>>
        tpu.enqueue_indirect_dma source(%dma_start3A_164 : memref<10112x128xf32, #tpu.memory_space<hbm>>) target(%arg10 : memref<128x128xf32, #tpu.memory_space<vmem>>) offsets(%dma_start3A_157 : memref<128xi32, #tpu.memory_space<vmem>>) semaphore(%arg13 : memref<!tpu.dma_semaphore, #tpu.memory_space<semaphore_mem>>)
      } else {
      }
      %mul3A_62 = arith.constant 128 : i32
      %mul3A_63 = arith.muli %add3A_54, %mul3A_62 : i32
      %multiple_of3A_64 = tpu.assume_multiple %mul3A_63, 8 : i32
      %dma_wait3A_65 = tpu.memref_slice %arg7[%multiple_of3A_64] : memref<16384xi32, #tpu.memory_space<vmem>> -> memref<128xi32, #tpu.memory_space<vmem>>
      %dma_wait3A_66 = arith.constant 0 : i32
      %dma_wait3A_67 = arith.constant 0 : i32
      %dma_wait3A_68 = tpu.memref_slice %arg2[%arg0, %dma_wait3A_66, %dma_wait3A_67] : memref<2x10112x128xf32, #tpu.memory_space<hbm>> -> memref<1x10112x128xf32, #tpu.memory_space<hbm>>
      %dma_wait3A_69 = tpu.memref_squeeze %dma_wait3A_68 : memref<1x10112x128xf32, #tpu.memory_space<hbm>> -> memref<10112x128xf32, #tpu.memory_space<hbm>>
      %dma_wait3A_70 = arith.constant 0 : i32
      %dma_wait3A_71 = arith.constant 0 : i32
      %dma_wait3A_72 = tpu.memref_slice %dma_wait3A_69[%dma_wait3A_70, %dma_wait3A_71] : memref<10112x128xf32, #tpu.memory_space<hbm>> -> memref<10112x128xf32, #tpu.memory_space<hbm>>
      tpu.wait_indirect_dma semaphore(%arg12 : memref<!tpu.dma_semaphore, #tpu.memory_space<semaphore_mem>>) src(%dma_wait3A_72 : memref<10112x128xf32, #tpu.memory_space<hbm>>) dst(%arg9 : memref<128x128xf32, #tpu.memory_space<vmem>>)
      %dma_wait3A_73 = arith.constant 0 : i32
      %dma_wait3A_74 = arith.constant 0 : i32
      %dma_wait3A_75 = tpu.memref_slice %arg8[%dma_wait3A_73, %dma_wait3A_74] : memref<2x128xi32, #tpu.memory_space<vmem>> -> memref<1x128xi32, #tpu.memory_space<vmem>>
      %dma_wait3A_76 = tpu.memref_squeeze %dma_wait3A_75 : memref<1x128xi32, #tpu.memory_space<vmem>> -> memref<128xi32, #tpu.memory_space<vmem>>
      %dma_wait3A_77 = arith.constant 0 : i32
      %dma_wait3A_78 = tpu.memref_slice %arg5[%add3A, %add3A_54, %dma_wait3A_77] : memref<32x128x128xi32, #tpu.memory_space<hbm>> -> memref<1x1x128xi32, #tpu.memory_space<hbm>>
      %dma_wait3A_79 = tpu.memref_squeeze %dma_wait3A_78 : memref<1x1x128xi32, #tpu.memory_space<hbm>> -> memref<128xi32, #tpu.memory_space<hbm>>
      %dma_wait3A_80 = arith.constant 0 : i32
      %dma_wait3A_81 = tpu.memref_slice %arg8[%dma_wait3A_73, %dma_wait3A_80] : memref<2x128xi32, #tpu.memory_space<vmem>> -> memref<1x128xi32, #tpu.memory_space<vmem>>
      %dma_wait3A_82 = tpu.memref_squeeze %dma_wait3A_81 : memref<1x128xi32, #tpu.memory_space<vmem>> -> memref<128xi32, #tpu.memory_space<vmem>>
      %dma_wait3A_83 = arith.constant 0 : i32
      %dma_wait3A_84 = tpu.memref_slice %arg5[%add3A, %add3A_54, %dma_wait3A_83] : memref<32x128x128xi32, #tpu.memory_space<hbm>> -> memref<1x1x128xi32, #tpu.memory_space<hbm>>
      %dma_wait3A_85 = tpu.memref_squeeze %dma_wait3A_84 : memref<1x1x128xi32, #tpu.memory_space<hbm>> -> memref<128xi32, #tpu.memory_space<hbm>>
      tpu.wait_dma2 semaphore(%arg16 : memref<!tpu.dma_semaphore, #tpu.memory_space<semaphore_mem>>) src(%dma_wait3A_85 : memref<128xi32, #tpu.memory_space<hbm>>) dst(%dma_wait3A_82 : memref<128xi32, #tpu.memory_space<vmem>>)
      %dma_start3A_86 = arith.constant 0 : i32
      %dma_start3A_87 = arith.constant 0 : i32
      %dma_start3A_88 = tpu.memref_slice %arg8[%dma_start3A_86, %dma_start3A_87] : memref<2x128xi32, #tpu.memory_space<vmem>> -> memref<1x128xi32, #tpu.memory_space<vmem>>
      %dma_start3A_89 = tpu.memref_squeeze %dma_start3A_88 : memref<1x128xi32, #tpu.memory_space<vmem>> -> memref<128xi32, #tpu.memory_space<vmem>>
      %dma_start3A_90 = arith.constant 0 : i32
      %dma_start3A_91 = arith.constant 0 : i32
      %dma_start3A_92 = tpu.memref_slice %arg11[%dma_start3A_90, %dma_start3A_91] : memref<10112x128xf32, #tpu.memory_space<vmem_shared>> -> memref<10112x128xf32, #tpu.memory_space<vmem_shared>>
      tpu.enqueue_indirect_dma source(%arg9 : memref<128x128xf32, #tpu.memory_space<vmem>>) target(%dma_start3A_92 : memref<10112x128xf32, #tpu.memory_space<vmem_shared>>) offsets(%dma_start3A_89 : memref<128xi32, #tpu.memory_space<vmem>>) semaphore(%arg14 : memref<!tpu.dma_semaphore, #tpu.memory_space<semaphore_mem>>) {add = true}
      %add3A_93 = arith.constant 1 : i32
      %add3A_94 = arith.addi %add3A_52, %add3A_93 : i32
      %ge3A_95 = arith.constant 1 : i32
      %ge3A_96 = arith.cmpi sge, %add3A_94, %ge3A_95 : i32
      %convert_element_type3A_97 = arith.extui %ge3A_96 : i1 to i32
      %cond3A_98 = arith.constant 0 : i32
      %cond3A_99 = arith.cmpi ne, %convert_element_type3A_97, %cond3A_98 : i32
      scf.if %cond3A_99 {
        %dma_wait3A_137 = arith.constant 0 : i32
        %dma_wait3A_138 = arith.constant 0 : i32
        %dma_wait3A_139 = tpu.memref_slice %arg8[%dma_wait3A_137, %dma_wait3A_138] : memref<2x128xi32, #tpu.memory_space<vmem>> -> memref<1x128xi32, #tpu.memory_space<vmem>>
        %dma_wait3A_140 = tpu.memref_squeeze %dma_wait3A_139 : memref<1x128xi32, #tpu.memory_space<vmem>> -> memref<128xi32, #tpu.memory_space<vmem>>
        %dma_wait3A_141 = arith.constant 0 : i32
        %dma_wait3A_142 = arith.constant 0 : i32
        %dma_wait3A_143 = tpu.memref_slice %arg11[%dma_wait3A_141, %dma_wait3A_142] : memref<10112x128xf32, #tpu.memory_space<vmem_shared>> -> memref<10112x128xf32, #tpu.memory_space<vmem_shared>>
        tpu.wait_indirect_dma semaphore(%arg14 : memref<!tpu.dma_semaphore, #tpu.memory_space<semaphore_mem>>) src(%arg9 : memref<128x128xf32, #tpu.memory_space<vmem>>) dst(%dma_wait3A_143 : memref<10112x128xf32, #tpu.memory_space<vmem_shared>>)
      } else {
      }
      %add3A_100 = arith.constant 1 : i32
      %add3A_101 = arith.addi %add3A_94, %add3A_100 : i32
      %lt3A_102 = arith.cmpi slt, %add3A_101, %select_n3A : i32
      %convert_element_type3A_103 = arith.extui %lt3A_102 : i1 to i32
      %cond3A_104 = arith.constant 0 : i32
      %cond3A_105 = arith.cmpi ne, %convert_element_type3A_103, %cond3A_104 : i32
      scf.if %cond3A_105 {
        %add3A_137 = arith.constant 1 : i32
        %add3A_138 = arith.addi %add3A_94, %add3A_137 : i32
        %dma_start3A_139 = arith.constant 0 : i32
        %dma_start3A_140 = arith.constant 0 : i32
        %dma_start3A_141 = tpu.memref_slice %arg8[%dma_start3A_139, %dma_start3A_140] : memref<2x128xi32, #tpu.memory_space<vmem>> -> memref<1x128xi32, #tpu.memory_space<vmem>>
        %dma_start3A_142 = tpu.memref_squeeze %dma_start3A_141 : memref<1x128xi32, #tpu.memory_space<vmem>> -> memref<128xi32, #tpu.memory_space<vmem>>
        %dma_start3A_143 = arith.constant 0 : i32
        %dma_start3A_144 = tpu.memref_slice %arg5[%add3A, %add3A_138, %dma_start3A_143] : memref<32x128x128xi32, #tpu.memory_space<hbm>> -> memref<1x1x128xi32, #tpu.memory_space<hbm>>
        %dma_start3A_145 = tpu.memref_squeeze %dma_start3A_144 : memref<1x1x128xi32, #tpu.memory_space<hbm>> -> memref<128xi32, #tpu.memory_space<hbm>>
        %dma_start3A_146 = arith.constant 0 : i32
        %dma_start3A_147 = tpu.memref_slice %arg8[%dma_start3A_139, %dma_start3A_146] : memref<2x128xi32, #tpu.memory_space<vmem>> -> memref<1x128xi32, #tpu.memory_space<vmem>>
        %dma_start3A_148 = tpu.memref_squeeze %dma_start3A_147 : memref<1x128xi32, #tpu.memory_space<vmem>> -> memref<128xi32, #tpu.memory_space<vmem>>
        %dma_start3A_149 = arith.constant 0 : i32
        %dma_start3A_150 = tpu.memref_slice %arg5[%add3A, %add3A_138, %dma_start3A_149] : memref<32x128x128xi32, #tpu.memory_space<hbm>> -> memref<1x1x128xi32, #tpu.memory_space<hbm>>
        %dma_start3A_151 = tpu.memref_squeeze %dma_start3A_150 : memref<1x1x128xi32, #tpu.memory_space<hbm>> -> memref<128xi32, #tpu.memory_space<hbm>>
        tpu.enqueue_dma source(%dma_start3A_151 : memref<128xi32, #tpu.memory_space<hbm>>) target(%dma_start3A_148 : memref<128xi32, #tpu.memory_space<vmem>>) target_semaphore(%arg16 : memref<!tpu.dma_semaphore, #tpu.memory_space<semaphore_mem>>)
        %add3A_152 = arith.constant 1 : i32
        %add3A_153 = arith.addi %add3A_94, %add3A_152 : i32
        %mul3A_154 = arith.constant 128 : i32
        %mul3A_155 = arith.muli %add3A_153, %mul3A_154 : i32
        %multiple_of3A_156 = tpu.assume_multiple %mul3A_155, 8 : i32
        %dma_start3A_157 = tpu.memref_slice %arg7[%multiple_of3A_156] : memref<16384xi32, #tpu.memory_space<vmem>> -> memref<128xi32, #tpu.memory_space<vmem>>
        %dma_start3A_158 = arith.constant 0 : i32
        %dma_start3A_159 = arith.constant 0 : i32
        %dma_start3A_160 = tpu.memref_slice %arg2[%arg0, %dma_start3A_158, %dma_start3A_159] : memref<2x10112x128xf32, #tpu.memory_space<hbm>> -> memref<1x10112x128xf32, #tpu.memory_space<hbm>>
        %dma_start3A_161 = tpu.memref_squeeze %dma_start3A_160 : memref<1x10112x128xf32, #tpu.memory_space<hbm>> -> memref<10112x128xf32, #tpu.memory_space<hbm>>
        %dma_start3A_162 = arith.constant 0 : i32
        %dma_start3A_163 = arith.constant 0 : i32
        %dma_start3A_164 = tpu.memref_slice %dma_start3A_161[%dma_start3A_162, %dma_start3A_163] : memref<10112x128xf32, #tpu.memory_space<hbm>> -> memref<10112x128xf32, #tpu.memory_space<hbm>>
        tpu.enqueue_indirect_dma source(%dma_start3A_164 : memref<10112x128xf32, #tpu.memory_space<hbm>>) target(%arg9 : memref<128x128xf32, #tpu.memory_space<vmem>>) offsets(%dma_start3A_157 : memref<128xi32, #tpu.memory_space<vmem>>) semaphore(%arg12 : memref<!tpu.dma_semaphore, #tpu.memory_space<semaphore_mem>>)
      } else {
      }
      %mul3A_106 = arith.constant 128 : i32
      %mul3A_107 = arith.muli %add3A_94, %mul3A_106 : i32
      %multiple_of3A_108 = tpu.assume_multiple %mul3A_107, 8 : i32
      %dma_wait3A_109 = tpu.memref_slice %arg7[%multiple_of3A_108] : memref<16384xi32, #tpu.memory_space<vmem>> -> memref<128xi32, #tpu.memory_space<vmem>>
      %dma_wait3A_110 = arith.constant 0 : i32
      %dma_wait3A_111 = arith.constant 0 : i32
      %dma_wait3A_112 = tpu.memref_slice %arg2[%arg0, %dma_wait3A_110, %dma_wait3A_111] : memref<2x10112x128xf32, #tpu.memory_space<hbm>> -> memref<1x10112x128xf32, #tpu.memory_space<hbm>>
      %dma_wait3A_113 = tpu.memref_squeeze %dma_wait3A_112 : memref<1x10112x128xf32, #tpu.memory_space<hbm>> -> memref<10112x128xf32, #tpu.memory_space<hbm>>
      %dma_wait3A_114 = arith.constant 0 : i32
      %dma_wait3A_115 = arith.constant 0 : i32
      %dma_wait3A_116 = tpu.memref_slice %dma_wait3A_113[%dma_wait3A_114, %dma_wait3A_115] : memref<10112x128xf32, #tpu.memory_space<hbm>> -> memref<10112x128xf32, #tpu.memory_space<hbm>>
      tpu.wait_indirect_dma semaphore(%arg13 : memref<!tpu.dma_semaphore, #tpu.memory_space<semaphore_mem>>) src(%dma_wait3A_116 : memref<10112x128xf32, #tpu.memory_space<hbm>>) dst(%arg10 : memref<128x128xf32, #tpu.memory_space<vmem>>)
      %dma_wait3A_117 = arith.constant 1 : i32
      %dma_wait3A_118 = arith.constant 0 : i32
      %dma_wait3A_119 = tpu.memref_slice %arg8[%dma_wait3A_117, %dma_wait3A_118] : memref<2x128xi32, #tpu.memory_space<vmem>> -> memref<1x128xi32, #tpu.memory_space<vmem>>
      %dma_wait3A_120 = tpu.memref_squeeze %dma_wait3A_119 : memref<1x128xi32, #tpu.memory_space<vmem>> -> memref<128xi32, #tpu.memory_space<vmem>>
      %dma_wait3A_121 = arith.constant 0 : i32
      %dma_wait3A_122 = tpu.memref_slice %arg5[%add3A, %add3A_94, %dma_wait3A_121] : memref<32x128x128xi32, #tpu.memory_space<hbm>> -> memref<1x1x128xi32, #tpu.memory_space<hbm>>
      %dma_wait3A_123 = tpu.memref_squeeze %dma_wait3A_122 : memref<1x1x128xi32, #tpu.memory_space<hbm>> -> memref<128xi32, #tpu.memory_space<hbm>>
      %dma_wait3A_124 = arith.constant 0 : i32
      %dma_wait3A_125 = tpu.memref_slice %arg8[%dma_wait3A_117, %dma_wait3A_124] : memref<2x128xi32, #tpu.memory_space<vmem>> -> memref<1x128xi32, #tpu.memory_space<vmem>>
      %dma_wait3A_126 = tpu.memref_squeeze %dma_wait3A_125 : memref<1x128xi32, #tpu.memory_space<vmem>> -> memref<128xi32, #tpu.memory_space<vmem>>
      %dma_wait3A_127 = arith.constant 0 : i32
      %dma_wait3A_128 = tpu.memref_slice %arg5[%add3A, %add3A_94, %dma_wait3A_127] : memref<32x128x128xi32, #tpu.memory_space<hbm>> -> memref<1x1x128xi32, #tpu.memory_space<hbm>>
      %dma_wait3A_129 = tpu.memref_squeeze %dma_wait3A_128 : memref<1x1x128xi32, #tpu.memory_space<hbm>> -> memref<128xi32, #tpu.memory_space<hbm>>
      tpu.wait_dma2 semaphore(%arg17 : memref<!tpu.dma_semaphore, #tpu.memory_space<semaphore_mem>>) src(%dma_wait3A_129 : memref<128xi32, #tpu.memory_space<hbm>>) dst(%dma_wait3A_126 : memref<128xi32, #tpu.memory_space<vmem>>)
      %dma_start3A_130 = arith.constant 1 : i32
      %dma_start3A_131 = arith.constant 0 : i32
      %dma_start3A_132 = tpu.memref_slice %arg8[%dma_start3A_130, %dma_start3A_131] : memref<2x128xi32, #tpu.memory_space<vmem>> -> memref<1x128xi32, #tpu.memory_space<vmem>>
      %dma_start3A_133 = tpu.memref_squeeze %dma_start3A_132 : memref<1x128xi32, #tpu.memory_space<vmem>> -> memref<128xi32, #tpu.memory_space<vmem>>
      %dma_start3A_134 = arith.constant 0 : i32
      %dma_start3A_135 = arith.constant 0 : i32
      %dma_start3A_136 = tpu.memref_slice %arg11[%dma_start3A_134, %dma_start3A_135] : memref<10112x128xf32, #tpu.memory_space<vmem_shared>> -> memref<10112x128xf32, #tpu.memory_space<vmem_shared>>
      tpu.enqueue_indirect_dma source(%arg10 : memref<128x128xf32, #tpu.memory_space<vmem>>) target(%dma_start3A_136 : memref<10112x128xf32, #tpu.memory_space<vmem_shared>>) offsets(%dma_start3A_133 : memref<128xi32, #tpu.memory_space<vmem>>) semaphore(%arg15 : memref<!tpu.dma_semaphore, #tpu.memory_space<semaphore_mem>>) {add = true}
    }
    %dma_wait3A = arith.constant 1 : i32
    %dma_wait3A_43 = arith.constant 0 : i32
    %dma_wait3A_44 = tpu.memref_slice %arg8[%dma_wait3A, %dma_wait3A_43] : memref<2x128xi32, #tpu.memory_space<vmem>> -> memref<1x128xi32, #tpu.memory_space<vmem>>
    %dma_wait3A_45 = tpu.memref_squeeze %dma_wait3A_44 : memref<1x128xi32, #tpu.memory_space<vmem>> -> memref<128xi32, #tpu.memory_space<vmem>>
    %dma_wait3A_46 = arith.constant 0 : i32
    %dma_wait3A_47 = arith.constant 0 : i32
    %dma_wait3A_48 = tpu.memref_slice %arg11[%dma_wait3A_46, %dma_wait3A_47] : memref<10112x128xf32, #tpu.memory_space<vmem_shared>> -> memref<10112x128xf32, #tpu.memory_space<vmem_shared>>
    tpu.wait_indirect_dma semaphore(%arg15 : memref<!tpu.dma_semaphore, #tpu.memory_space<semaphore_mem>>) src(%arg10 : memref<128x128xf32, #tpu.memory_space<vmem>>) dst(%dma_wait3A_48 : memref<10112x128xf32, #tpu.memory_space<vmem_shared>>)
    %barrier3A_49 = arith.constant 0 : index
    tpu.barrier barrier_id(%barrier3A_49)
    "tpu.region"() ({
      %run_scoped3A = tpu.sem_alloc : memref<!tpu.dma_semaphore, #tpu.memory_space<semaphore_mem>>
      %dma_start3A_50 = arith.constant 0 : i32
      %dma_start3A_51 = tpu.memref_slice %arg6[%arg0, %mul3A_2, %dma_start3A_50] : memref<2x10112x128xf32, #tpu.memory_space<hbm>> -> memref<1x632x128xf32, #tpu.memory_space<hbm>>
      %dma_start3A_52 = tpu.memref_squeeze %dma_start3A_51 : memref<1x632x128xf32, #tpu.memory_space<hbm>> -> memref<632x128xf32, #tpu.memory_space<hbm>>
      %dma_start3A_53 = arith.constant 0 : i32
      %dma_start3A_54 = tpu.memref_slice %arg11[%mul3A_2, %dma_start3A_53] : memref<10112x128xf32, #tpu.memory_space<vmem_shared>> -> memref<632x128xf32, #tpu.memory_space<vmem_shared>>
      tpu.enqueue_dma source(%dma_start3A_54 : memref<632x128xf32, #tpu.memory_space<vmem_shared>>) target(%dma_start3A_52 : memref<632x128xf32, #tpu.memory_space<hbm>>) target_semaphore(%run_scoped3A : memref<!tpu.dma_semaphore, #tpu.memory_space<semaphore_mem>>)
      %dma_wait3A_55 = arith.constant 0 : i32
      %dma_wait3A_56 = tpu.memref_slice %arg6[%arg0, %mul3A_2, %dma_wait3A_55] : memref<2x10112x128xf32, #tpu.memory_space<hbm>> -> memref<1x632x128xf32, #tpu.memory_space<hbm>>
      %dma_wait3A_57 = tpu.memref_squeeze %dma_wait3A_56 : memref<1x632x128xf32, #tpu.memory_space<hbm>> -> memref<632x128xf32, #tpu.memory_space<hbm>>
      %dma_wait3A_58 = arith.constant 0 : i32
      %dma_wait3A_59 = tpu.memref_slice %arg11[%mul3A_2, %dma_wait3A_58] : memref<10112x128xf32, #tpu.memory_space<vmem_shared>> -> memref<632x128xf32, #tpu.memory_space<vmem_shared>>
      tpu.wait_dma2 semaphore(%run_scoped3A : memref<!tpu.dma_semaphore, #tpu.memory_space<semaphore_mem>>) src(%dma_wait3A_59 : memref<632x128xf32, #tpu.memory_space<vmem_shared>>) dst(%dma_wait3A_57 : memref<632x128xf32, #tpu.memory_space<hbm>>)
      tpu.yield
    }) : () -> ()
    return
  }
}

#map = affine_map<(d0, d1) -> (0, 0, 0)>
#map1 = affine_map<(d0, d1) -> (0, 0)>
module attributes {stable_mosaic.version = 14 : i64} {
  func.func @_sc_agg_body(%arg0: i32, %arg1: i32, %arg2: memref<2x10112x128xf32, #tpu.memory_space<hbm>>, %arg3: memref<10112x128xf32, #tpu.memory_space<hbm>>, %arg4: memref<32x16384xi32, #tpu.memory_space<hbm>>, %arg5: memref<32x128x128xi32, #tpu.memory_space<hbm>>, %arg6: memref<2x10112x128xf32, #tpu.memory_space<hbm>>, %arg7: memref<16384xi32, #tpu.memory_space<vmem>>, %arg8: memref<2x128xi32, #tpu.memory_space<vmem>>, %arg9: memref<128x128xf32, #tpu.memory_space<vmem>>, %arg10: memref<128x128xf32, #tpu.memory_space<vmem>>, %arg11: memref<10112x128xf32, #tpu.memory_space<vmem_shared>>, %arg12: memref<!tpu.dma_semaphore, #tpu.memory_space<semaphore_mem>>, %arg13: memref<!tpu.dma_semaphore, #tpu.memory_space<semaphore_mem>>, %arg14: memref<!tpu.dma_semaphore, #tpu.memory_space<semaphore_mem>>, %arg15: memref<!tpu.dma_semaphore, #tpu.memory_space<semaphore_mem>>, %arg16: memref<!tpu.dma_semaphore, #tpu.memory_space<semaphore_mem>>, %arg17: memref<!tpu.dma_semaphore, #tpu.memory_space<semaphore_mem>>) attributes {dimension_semantics = [#tpu.dimension_semantics<core_parallel>, #tpu.dimension_semantics<subcore_parallel>], iteration_bounds = array<i64: 2, 16>, scalar_prefetch = 0 : i64, scratch_operands = 11 : i64, tpu.core_type = #tpu.core_type<sc_vector_subcore>, window_params = [{transform_indices = #map}, {transform_indices = #map1}, {transform_indices = #map1}, {transform_indices = #map}, {transform_indices = #map}]} {
    %mul3A = arith.constant 2 : i32
    %mul3A_0 = arith.muli %arg1, %mul3A : i32
    %add3A = arith.addi %mul3A_0, %arg0 : i32
    %mul3A_1 = arith.constant 632 : i32
    %mul3A_2 = arith.muli %arg1, %mul3A_1 : i32
    %eq3A = arith.constant 0 : i32
    %eq3A_3 = arith.cmpi eq, %arg0, %eq3A : i32
    %jit3A = arith.constant 128 : i32
    %jit3A_4 = arith.constant 32 : i32
    %select_n3A = arith.select %eq3A_3, %jit3A, %jit3A_4 : i32
    "tpu.region"() ({
      %run_scoped3A = tpu.sem_alloc : memref<!tpu.dma_semaphore, #tpu.memory_space<semaphore_mem>>
      %dma_start3A_50 = arith.constant 0 : i32
      %dma_start3A_51 = tpu.memref_slice %arg11[%mul3A_2, %dma_start3A_50] : memref<10112x128xf32, #tpu.memory_space<vmem_shared>> -> memref<632x128xf32, #tpu.memory_space<vmem_shared>>
      %dma_start3A_52 = arith.constant 0 : i32
      %dma_start3A_53 = tpu.memref_slice %arg3[%mul3A_2, %dma_start3A_52] : memref<10112x128xf32, #tpu.memory_space<hbm>> -> memref<632x128xf32, #tpu.memory_space<hbm>>
      tpu.enqueue_dma source(%dma_start3A_53 : memref<632x128xf32, #tpu.memory_space<hbm>>) target(%dma_start3A_51 : memref<632x128xf32, #tpu.memory_space<vmem_shared>>) target_semaphore(%run_scoped3A : memref<!tpu.dma_semaphore, #tpu.memory_space<semaphore_mem>>)
      %dma_wait3A_54 = arith.constant 0 : i32
      %dma_wait3A_55 = tpu.memref_slice %arg11[%mul3A_2, %dma_wait3A_54] : memref<10112x128xf32, #tpu.memory_space<vmem_shared>> -> memref<632x128xf32, #tpu.memory_space<vmem_shared>>
      %dma_wait3A_56 = arith.constant 0 : i32
      %dma_wait3A_57 = tpu.memref_slice %arg3[%mul3A_2, %dma_wait3A_56] : memref<10112x128xf32, #tpu.memory_space<hbm>> -> memref<632x128xf32, #tpu.memory_space<hbm>>
      tpu.wait_dma2 semaphore(%run_scoped3A : memref<!tpu.dma_semaphore, #tpu.memory_space<semaphore_mem>>) src(%dma_wait3A_57 : memref<632x128xf32, #tpu.memory_space<hbm>>) dst(%dma_wait3A_55 : memref<632x128xf32, #tpu.memory_space<vmem_shared>>)
      tpu.yield
    }) : () -> ()
    "tpu.region"() ({
      %run_scoped3A = tpu.sem_alloc : memref<!tpu.dma_semaphore, #tpu.memory_space<semaphore_mem>>
      %dma_start3A_50 = arith.constant 0 : i32
      %dma_start3A_51 = tpu.memref_slice %arg4[%add3A, %dma_start3A_50] : memref<32x16384xi32, #tpu.memory_space<hbm>> -> memref<1x16384xi32, #tpu.memory_space<hbm>>
      %dma_start3A_52 = tpu.memref_squeeze %dma_start3A_51 : memref<1x16384xi32, #tpu.memory_space<hbm>> -> memref<16384xi32, #tpu.memory_space<hbm>>
      %dma_start3A_53 = arith.constant 0 : i32
      %dma_start3A_54 = tpu.memref_slice %arg4[%add3A, %dma_start3A_53] : memref<32x16384xi32, #tpu.memory_space<hbm>> -> memref<1x16384xi32, #tpu.memory_space<hbm>>
      %dma_start3A_55 = tpu.memref_squeeze %dma_start3A_54 : memref<1x16384xi32, #tpu.memory_space<hbm>> -> memref<16384xi32, #tpu.memory_space<hbm>>
      tpu.enqueue_dma source(%dma_start3A_55 : memref<16384xi32, #tpu.memory_space<hbm>>) target(%arg7 : memref<16384xi32, #tpu.memory_space<vmem>>) target_semaphore(%run_scoped3A : memref<!tpu.dma_semaphore, #tpu.memory_space<semaphore_mem>>)
      %dma_wait3A_56 = arith.constant 0 : i32
      %dma_wait3A_57 = tpu.memref_slice %arg4[%add3A, %dma_wait3A_56] : memref<32x16384xi32, #tpu.memory_space<hbm>> -> memref<1x16384xi32, #tpu.memory_space<hbm>>
      %dma_wait3A_58 = tpu.memref_squeeze %dma_wait3A_57 : memref<1x16384xi32, #tpu.memory_space<hbm>> -> memref<16384xi32, #tpu.memory_space<hbm>>
      %dma_wait3A_59 = arith.constant 0 : i32
      %dma_wait3A_60 = tpu.memref_slice %arg4[%add3A, %dma_wait3A_59] : memref<32x16384xi32, #tpu.memory_space<hbm>> -> memref<1x16384xi32, #tpu.memory_space<hbm>>
      %dma_wait3A_61 = tpu.memref_squeeze %dma_wait3A_60 : memref<1x16384xi32, #tpu.memory_space<hbm>> -> memref<16384xi32, #tpu.memory_space<hbm>>
      tpu.wait_dma2 semaphore(%run_scoped3A : memref<!tpu.dma_semaphore, #tpu.memory_space<semaphore_mem>>) src(%dma_wait3A_61 : memref<16384xi32, #tpu.memory_space<hbm>>) dst(%arg7 : memref<16384xi32, #tpu.memory_space<vmem>>)
      tpu.yield
    }) : () -> ()
    %barrier3A = arith.constant 0 : index
    tpu.barrier barrier_id(%barrier3A)
    %dma_start3A = arith.constant 0 : i32
    %dma_start3A_5 = arith.constant 0 : i32
    %dma_start3A_6 = arith.constant 0 : i32
    %dma_start3A_7 = tpu.memref_slice %arg8[%dma_start3A_5, %dma_start3A_6] : memref<2x128xi32, #tpu.memory_space<vmem>> -> memref<1x128xi32, #tpu.memory_space<vmem>>
    %dma_start3A_8 = tpu.memref_squeeze %dma_start3A_7 : memref<1x128xi32, #tpu.memory_space<vmem>> -> memref<128xi32, #tpu.memory_space<vmem>>
    %dma_start3A_9 = arith.constant 0 : i32
    %dma_start3A_10 = tpu.memref_slice %arg5[%add3A, %dma_start3A, %dma_start3A_9] : memref<32x128x128xi32, #tpu.memory_space<hbm>> -> memref<1x1x128xi32, #tpu.memory_space<hbm>>
    %dma_start3A_11 = tpu.memref_squeeze %dma_start3A_10 : memref<1x1x128xi32, #tpu.memory_space<hbm>> -> memref<128xi32, #tpu.memory_space<hbm>>
    %dma_start3A_12 = arith.constant 0 : i32
    %dma_start3A_13 = tpu.memref_slice %arg8[%dma_start3A_5, %dma_start3A_12] : memref<2x128xi32, #tpu.memory_space<vmem>> -> memref<1x128xi32, #tpu.memory_space<vmem>>
    %dma_start3A_14 = tpu.memref_squeeze %dma_start3A_13 : memref<1x128xi32, #tpu.memory_space<vmem>> -> memref<128xi32, #tpu.memory_space<vmem>>
    %dma_start3A_15 = arith.constant 0 : i32
    %dma_start3A_16 = tpu.memref_slice %arg5[%add3A, %dma_start3A, %dma_start3A_15] : memref<32x128x128xi32, #tpu.memory_space<hbm>> -> memref<1x1x128xi32, #tpu.memory_space<hbm>>
    %dma_start3A_17 = tpu.memref_squeeze %dma_start3A_16 : memref<1x1x128xi32, #tpu.memory_space<hbm>> -> memref<128xi32, #tpu.memory_space<hbm>>
    tpu.enqueue_dma source(%dma_start3A_17 : memref<128xi32, #tpu.memory_space<hbm>>) target(%dma_start3A_14 : memref<128xi32, #tpu.memory_space<vmem>>) target_semaphore(%arg16 : memref<!tpu.dma_semaphore, #tpu.memory_space<semaphore_mem>>)
    %multiple_of3A = arith.constant 0 : i32
    %multiple_of3A_18 = tpu.assume_multiple %multiple_of3A, 8 : i32
    %dma_start3A_19 = tpu.memref_slice %arg7[%multiple_of3A_18] : memref<16384xi32, #tpu.memory_space<vmem>> -> memref<128xi32, #tpu.memory_space<vmem>>
    %dma_start3A_20 = arith.constant 0 : i32
    %dma_start3A_21 = arith.constant 0 : i32
    %dma_start3A_22 = tpu.memref_slice %arg2[%arg0, %dma_start3A_20, %dma_start3A_21] : memref<2x10112x128xf32, #tpu.memory_space<hbm>> -> memref<1x10112x128xf32, #tpu.memory_space<hbm>>
    %dma_start3A_23 = tpu.memref_squeeze %dma_start3A_22 : memref<1x10112x128xf32, #tpu.memory_space<hbm>> -> memref<10112x128xf32, #tpu.memory_space<hbm>>
    %dma_start3A_24 = arith.constant 0 : i32
    %dma_start3A_25 = arith.constant 0 : i32
    %dma_start3A_26 = tpu.memref_slice %dma_start3A_23[%dma_start3A_24, %dma_start3A_25] : memref<10112x128xf32, #tpu.memory_space<hbm>> -> memref<10112x128xf32, #tpu.memory_space<hbm>>
    tpu.enqueue_indirect_dma source(%dma_start3A_26 : memref<10112x128xf32, #tpu.memory_space<hbm>>) target(%arg9 : memref<128x128xf32, #tpu.memory_space<vmem>>) offsets(%dma_start3A_19 : memref<128xi32, #tpu.memory_space<vmem>>) semaphore(%arg12 : memref<!tpu.dma_semaphore, #tpu.memory_space<semaphore_mem>>)
    %sub3A = arith.constant 0 : i32
    %sub3A_27 = arith.subi %select_n3A, %sub3A : i32
    %sub3A_28 = arith.constant 2 : i32
    %sub3A_29 = arith.constant 1 : i32
    %sub3A_30 = arith.subi %sub3A_28, %sub3A_29 : i32
    %add3A_31 = arith.addi %sub3A_27, %sub3A_30 : i32
    %div3A = arith.constant 2 : i32
    %div3A_32 = arith.divsi %add3A_31, %div3A : i32
    %while3A = arith.constant 2 : i32
    %while3A_33 = arith.constant 0 : i32
    %while3A_34 = arith.constant 0 : i32
    %while3A_35 = arith.subi %div3A_32, %while3A_34 : i32
    %while3A_36 = arith.addi %while3A_34, %while3A_35 : i32
    %while3A_37 = arith.constant 1 : i32
    %while3A_38 = arith.divsi %while3A_35, %while3A_37 : i32
    %while3A_39 = arith.muli %while3A_38, %while3A_37 : i32
    %while3A_40 = arith.addi %while3A_34, %while3A_39 : i32
    %while3A_41 = arith.constant 1 : i32
    scf.for %while3A_50 = %while3A_34 to %while3A_40 step %while3A_41  : i32 {
      %mul3A_51 = arith.muli %while3A_50, %while3A : i32
      %add3A_52 = arith.addi %while3A_33, %mul3A_51 : i32
      %add3A_53 = arith.constant 0 : i32
      %add3A_54 = arith.addi %add3A_52, %add3A_53 : i32
      %ge3A = arith.constant 1 : i32
      %ge3A_55 = arith.cmpi sge, %add3A_54, %ge3A : i32
      %convert_element_type3A = arith.extui %ge3A_55 : i1 to i32
      %cond3A = arith.constant 0 : i32
      %cond3A_56 = arith.cmpi ne, %convert_element_type3A, %cond3A : i32
      scf.if %cond3A_56 {
        %dma_wait3A_137 = arith.constant 1 : i32
        %dma_wait3A_138 = arith.constant 0 : i32
        %dma_wait3A_139 = tpu.memref_slice %arg8[%dma_wait3A_137, %dma_wait3A_138] : memref<2x128xi32, #tpu.memory_space<vmem>> -> memref<1x128xi32, #tpu.memory_space<vmem>>
        %dma_wait3A_140 = tpu.memref_squeeze %dma_wait3A_139 : memref<1x128xi32, #tpu.memory_space<vmem>> -> memref<128xi32, #tpu.memory_space<vmem>>
        %dma_wait3A_141 = arith.constant 0 : i32
        %dma_wait3A_142 = arith.constant 0 : i32
        %dma_wait3A_143 = tpu.memref_slice %arg11[%dma_wait3A_141, %dma_wait3A_142] : memref<10112x128xf32, #tpu.memory_space<vmem_shared>> -> memref<10112x128xf32, #tpu.memory_space<vmem_shared>>
        tpu.wait_indirect_dma semaphore(%arg15 : memref<!tpu.dma_semaphore, #tpu.memory_space<semaphore_mem>>) src(%arg10 : memref<128x128xf32, #tpu.memory_space<vmem>>) dst(%dma_wait3A_143 : memref<10112x128xf32, #tpu.memory_space<vmem_shared>>)
      } else {
      }
      %add3A_57 = arith.constant 1 : i32
      %add3A_58 = arith.addi %add3A_54, %add3A_57 : i32
      %lt3A = arith.cmpi slt, %add3A_58, %select_n3A : i32
      %convert_element_type3A_59 = arith.extui %lt3A : i1 to i32
      %cond3A_60 = arith.constant 0 : i32
      %cond3A_61 = arith.cmpi ne, %convert_element_type3A_59, %cond3A_60 : i32
      scf.if %cond3A_61 {
        %add3A_137 = arith.constant 1 : i32
        %add3A_138 = arith.addi %add3A_54, %add3A_137 : i32
        %dma_start3A_139 = arith.constant 1 : i32
        %dma_start3A_140 = arith.constant 0 : i32
        %dma_start3A_141 = tpu.memref_slice %arg8[%dma_start3A_139, %dma_start3A_140] : memref<2x128xi32, #tpu.memory_space<vmem>> -> memref<1x128xi32, #tpu.memory_space<vmem>>
        %dma_start3A_142 = tpu.memref_squeeze %dma_start3A_141 : memref<1x128xi32, #tpu.memory_space<vmem>> -> memref<128xi32, #tpu.memory_space<vmem>>
        %dma_start3A_143 = arith.constant 0 : i32
        %dma_start3A_144 = tpu.memref_slice %arg5[%add3A, %add3A_138, %dma_start3A_143] : memref<32x128x128xi32, #tpu.memory_space<hbm>> -> memref<1x1x128xi32, #tpu.memory_space<hbm>>
        %dma_start3A_145 = tpu.memref_squeeze %dma_start3A_144 : memref<1x1x128xi32, #tpu.memory_space<hbm>> -> memref<128xi32, #tpu.memory_space<hbm>>
        %dma_start3A_146 = arith.constant 0 : i32
        %dma_start3A_147 = tpu.memref_slice %arg8[%dma_start3A_139, %dma_start3A_146] : memref<2x128xi32, #tpu.memory_space<vmem>> -> memref<1x128xi32, #tpu.memory_space<vmem>>
        %dma_start3A_148 = tpu.memref_squeeze %dma_start3A_147 : memref<1x128xi32, #tpu.memory_space<vmem>> -> memref<128xi32, #tpu.memory_space<vmem>>
        %dma_start3A_149 = arith.constant 0 : i32
        %dma_start3A_150 = tpu.memref_slice %arg5[%add3A, %add3A_138, %dma_start3A_149] : memref<32x128x128xi32, #tpu.memory_space<hbm>> -> memref<1x1x128xi32, #tpu.memory_space<hbm>>
        %dma_start3A_151 = tpu.memref_squeeze %dma_start3A_150 : memref<1x1x128xi32, #tpu.memory_space<hbm>> -> memref<128xi32, #tpu.memory_space<hbm>>
        tpu.enqueue_dma source(%dma_start3A_151 : memref<128xi32, #tpu.memory_space<hbm>>) target(%dma_start3A_148 : memref<128xi32, #tpu.memory_space<vmem>>) target_semaphore(%arg17 : memref<!tpu.dma_semaphore, #tpu.memory_space<semaphore_mem>>)
        %add3A_152 = arith.constant 1 : i32
        %add3A_153 = arith.addi %add3A_54, %add3A_152 : i32
        %mul3A_154 = arith.constant 128 : i32
        %mul3A_155 = arith.muli %add3A_153, %mul3A_154 : i32
        %multiple_of3A_156 = tpu.assume_multiple %mul3A_155, 8 : i32
        %dma_start3A_157 = tpu.memref_slice %arg7[%multiple_of3A_156] : memref<16384xi32, #tpu.memory_space<vmem>> -> memref<128xi32, #tpu.memory_space<vmem>>
        %dma_start3A_158 = arith.constant 0 : i32
        %dma_start3A_159 = arith.constant 0 : i32
        %dma_start3A_160 = tpu.memref_slice %arg2[%arg0, %dma_start3A_158, %dma_start3A_159] : memref<2x10112x128xf32, #tpu.memory_space<hbm>> -> memref<1x10112x128xf32, #tpu.memory_space<hbm>>
        %dma_start3A_161 = tpu.memref_squeeze %dma_start3A_160 : memref<1x10112x128xf32, #tpu.memory_space<hbm>> -> memref<10112x128xf32, #tpu.memory_space<hbm>>
        %dma_start3A_162 = arith.constant 0 : i32
        %dma_start3A_163 = arith.constant 0 : i32
        %dma_start3A_164 = tpu.memref_slice %dma_start3A_161[%dma_start3A_162, %dma_start3A_163] : memref<10112x128xf32, #tpu.memory_space<hbm>> -> memref<10112x128xf32, #tpu.memory_space<hbm>>
        tpu.enqueue_indirect_dma source(%dma_start3A_164 : memref<10112x128xf32, #tpu.memory_space<hbm>>) target(%arg10 : memref<128x128xf32, #tpu.memory_space<vmem>>) offsets(%dma_start3A_157 : memref<128xi32, #tpu.memory_space<vmem>>) semaphore(%arg13 : memref<!tpu.dma_semaphore, #tpu.memory_space<semaphore_mem>>)
      } else {
      }
      %mul3A_62 = arith.constant 128 : i32
      %mul3A_63 = arith.muli %add3A_54, %mul3A_62 : i32
      %multiple_of3A_64 = tpu.assume_multiple %mul3A_63, 8 : i32
      %dma_wait3A_65 = tpu.memref_slice %arg7[%multiple_of3A_64] : memref<16384xi32, #tpu.memory_space<vmem>> -> memref<128xi32, #tpu.memory_space<vmem>>
      %dma_wait3A_66 = arith.constant 0 : i32
      %dma_wait3A_67 = arith.constant 0 : i32
      %dma_wait3A_68 = tpu.memref_slice %arg2[%arg0, %dma_wait3A_66, %dma_wait3A_67] : memref<2x10112x128xf32, #tpu.memory_space<hbm>> -> memref<1x10112x128xf32, #tpu.memory_space<hbm>>
      %dma_wait3A_69 = tpu.memref_squeeze %dma_wait3A_68 : memref<1x10112x128xf32, #tpu.memory_space<hbm>> -> memref<10112x128xf32, #tpu.memory_space<hbm>>
      %dma_wait3A_70 = arith.constant 0 : i32
      %dma_wait3A_71 = arith.constant 0 : i32
      %dma_wait3A_72 = tpu.memref_slice %dma_wait3A_69[%dma_wait3A_70, %dma_wait3A_71] : memref<10112x128xf32, #tpu.memory_space<hbm>> -> memref<10112x128xf32, #tpu.memory_space<hbm>>
      tpu.wait_indirect_dma semaphore(%arg12 : memref<!tpu.dma_semaphore, #tpu.memory_space<semaphore_mem>>) src(%dma_wait3A_72 : memref<10112x128xf32, #tpu.memory_space<hbm>>) dst(%arg9 : memref<128x128xf32, #tpu.memory_space<vmem>>)
      %dma_wait3A_73 = arith.constant 0 : i32
      %dma_wait3A_74 = arith.constant 0 : i32
      %dma_wait3A_75 = tpu.memref_slice %arg8[%dma_wait3A_73, %dma_wait3A_74] : memref<2x128xi32, #tpu.memory_space<vmem>> -> memref<1x128xi32, #tpu.memory_space<vmem>>
      %dma_wait3A_76 = tpu.memref_squeeze %dma_wait3A_75 : memref<1x128xi32, #tpu.memory_space<vmem>> -> memref<128xi32, #tpu.memory_space<vmem>>
      %dma_wait3A_77 = arith.constant 0 : i32
      %dma_wait3A_78 = tpu.memref_slice %arg5[%add3A, %add3A_54, %dma_wait3A_77] : memref<32x128x128xi32, #tpu.memory_space<hbm>> -> memref<1x1x128xi32, #tpu.memory_space<hbm>>
      %dma_wait3A_79 = tpu.memref_squeeze %dma_wait3A_78 : memref<1x1x128xi32, #tpu.memory_space<hbm>> -> memref<128xi32, #tpu.memory_space<hbm>>
      %dma_wait3A_80 = arith.constant 0 : i32
      %dma_wait3A_81 = tpu.memref_slice %arg8[%dma_wait3A_73, %dma_wait3A_80] : memref<2x128xi32, #tpu.memory_space<vmem>> -> memref<1x128xi32, #tpu.memory_space<vmem>>
      %dma_wait3A_82 = tpu.memref_squeeze %dma_wait3A_81 : memref<1x128xi32, #tpu.memory_space<vmem>> -> memref<128xi32, #tpu.memory_space<vmem>>
      %dma_wait3A_83 = arith.constant 0 : i32
      %dma_wait3A_84 = tpu.memref_slice %arg5[%add3A, %add3A_54, %dma_wait3A_83] : memref<32x128x128xi32, #tpu.memory_space<hbm>> -> memref<1x1x128xi32, #tpu.memory_space<hbm>>
      %dma_wait3A_85 = tpu.memref_squeeze %dma_wait3A_84 : memref<1x1x128xi32, #tpu.memory_space<hbm>> -> memref<128xi32, #tpu.memory_space<hbm>>
      tpu.wait_dma2 semaphore(%arg16 : memref<!tpu.dma_semaphore, #tpu.memory_space<semaphore_mem>>) src(%dma_wait3A_85 : memref<128xi32, #tpu.memory_space<hbm>>) dst(%dma_wait3A_82 : memref<128xi32, #tpu.memory_space<vmem>>)
      %dma_start3A_86 = arith.constant 0 : i32
      %dma_start3A_87 = arith.constant 0 : i32
      %dma_start3A_88 = tpu.memref_slice %arg8[%dma_start3A_86, %dma_start3A_87] : memref<2x128xi32, #tpu.memory_space<vmem>> -> memref<1x128xi32, #tpu.memory_space<vmem>>
      %dma_start3A_89 = tpu.memref_squeeze %dma_start3A_88 : memref<1x128xi32, #tpu.memory_space<vmem>> -> memref<128xi32, #tpu.memory_space<vmem>>
      %dma_start3A_90 = arith.constant 0 : i32
      %dma_start3A_91 = arith.constant 0 : i32
      %dma_start3A_92 = tpu.memref_slice %arg11[%dma_start3A_90, %dma_start3A_91] : memref<10112x128xf32, #tpu.memory_space<vmem_shared>> -> memref<10112x128xf32, #tpu.memory_space<vmem_shared>>
      tpu.enqueue_indirect_dma source(%arg9 : memref<128x128xf32, #tpu.memory_space<vmem>>) target(%dma_start3A_92 : memref<10112x128xf32, #tpu.memory_space<vmem_shared>>) offsets(%dma_start3A_89 : memref<128xi32, #tpu.memory_space<vmem>>) semaphore(%arg14 : memref<!tpu.dma_semaphore, #tpu.memory_space<semaphore_mem>>) {add = true}
      %add3A_93 = arith.constant 1 : i32
      %add3A_94 = arith.addi %add3A_52, %add3A_93 : i32
      %ge3A_95 = arith.constant 1 : i32
      %ge3A_96 = arith.cmpi sge, %add3A_94, %ge3A_95 : i32
      %convert_element_type3A_97 = arith.extui %ge3A_96 : i1 to i32
      %cond3A_98 = arith.constant 0 : i32
      %cond3A_99 = arith.cmpi ne, %convert_element_type3A_97, %cond3A_98 : i32
      scf.if %cond3A_99 {
        %dma_wait3A_137 = arith.constant 0 : i32
        %dma_wait3A_138 = arith.constant 0 : i32
        %dma_wait3A_139 = tpu.memref_slice %arg8[%dma_wait3A_137, %dma_wait3A_138] : memref<2x128xi32, #tpu.memory_space<vmem>> -> memref<1x128xi32, #tpu.memory_space<vmem>>
        %dma_wait3A_140 = tpu.memref_squeeze %dma_wait3A_139 : memref<1x128xi32, #tpu.memory_space<vmem>> -> memref<128xi32, #tpu.memory_space<vmem>>
        %dma_wait3A_141 = arith.constant 0 : i32
        %dma_wait3A_142 = arith.constant 0 : i32
        %dma_wait3A_143 = tpu.memref_slice %arg11[%dma_wait3A_141, %dma_wait3A_142] : memref<10112x128xf32, #tpu.memory_space<vmem_shared>> -> memref<10112x128xf32, #tpu.memory_space<vmem_shared>>
        tpu.wait_indirect_dma semaphore(%arg14 : memref<!tpu.dma_semaphore, #tpu.memory_space<semaphore_mem>>) src(%arg9 : memref<128x128xf32, #tpu.memory_space<vmem>>) dst(%dma_wait3A_143 : memref<10112x128xf32, #tpu.memory_space<vmem_shared>>)
      } else {
      }
      %add3A_100 = arith.constant 1 : i32
      %add3A_101 = arith.addi %add3A_94, %add3A_100 : i32
      %lt3A_102 = arith.cmpi slt, %add3A_101, %select_n3A : i32
      %convert_element_type3A_103 = arith.extui %lt3A_102 : i1 to i32
      %cond3A_104 = arith.constant 0 : i32
      %cond3A_105 = arith.cmpi ne, %convert_element_type3A_103, %cond3A_104 : i32
      scf.if %cond3A_105 {
        %add3A_137 = arith.constant 1 : i32
        %add3A_138 = arith.addi %add3A_94, %add3A_137 : i32
        %dma_start3A_139 = arith.constant 0 : i32
        %dma_start3A_140 = arith.constant 0 : i32
        %dma_start3A_141 = tpu.memref_slice %arg8[%dma_start3A_139, %dma_start3A_140] : memref<2x128xi32, #tpu.memory_space<vmem>> -> memref<1x128xi32, #tpu.memory_space<vmem>>
        %dma_start3A_142 = tpu.memref_squeeze %dma_start3A_141 : memref<1x128xi32, #tpu.memory_space<vmem>> -> memref<128xi32, #tpu.memory_space<vmem>>
        %dma_start3A_143 = arith.constant 0 : i32
        %dma_start3A_144 = tpu.memref_slice %arg5[%add3A, %add3A_138, %dma_start3A_143] : memref<32x128x128xi32, #tpu.memory_space<hbm>> -> memref<1x1x128xi32, #tpu.memory_space<hbm>>
        %dma_start3A_145 = tpu.memref_squeeze %dma_start3A_144 : memref<1x1x128xi32, #tpu.memory_space<hbm>> -> memref<128xi32, #tpu.memory_space<hbm>>
        %dma_start3A_146 = arith.constant 0 : i32
        %dma_start3A_147 = tpu.memref_slice %arg8[%dma_start3A_139, %dma_start3A_146] : memref<2x128xi32, #tpu.memory_space<vmem>> -> memref<1x128xi32, #tpu.memory_space<vmem>>
        %dma_start3A_148 = tpu.memref_squeeze %dma_start3A_147 : memref<1x128xi32, #tpu.memory_space<vmem>> -> memref<128xi32, #tpu.memory_space<vmem>>
        %dma_start3A_149 = arith.constant 0 : i32
        %dma_start3A_150 = tpu.memref_slice %arg5[%add3A, %add3A_138, %dma_start3A_149] : memref<32x128x128xi32, #tpu.memory_space<hbm>> -> memref<1x1x128xi32, #tpu.memory_space<hbm>>
        %dma_start3A_151 = tpu.memref_squeeze %dma_start3A_150 : memref<1x1x128xi32, #tpu.memory_space<hbm>> -> memref<128xi32, #tpu.memory_space<hbm>>
        tpu.enqueue_dma source(%dma_start3A_151 : memref<128xi32, #tpu.memory_space<hbm>>) target(%dma_start3A_148 : memref<128xi32, #tpu.memory_space<vmem>>) target_semaphore(%arg16 : memref<!tpu.dma_semaphore, #tpu.memory_space<semaphore_mem>>)
        %add3A_152 = arith.constant 1 : i32
        %add3A_153 = arith.addi %add3A_94, %add3A_152 : i32
        %mul3A_154 = arith.constant 128 : i32
        %mul3A_155 = arith.muli %add3A_153, %mul3A_154 : i32
        %multiple_of3A_156 = tpu.assume_multiple %mul3A_155, 8 : i32
        %dma_start3A_157 = tpu.memref_slice %arg7[%multiple_of3A_156] : memref<16384xi32, #tpu.memory_space<vmem>> -> memref<128xi32, #tpu.memory_space<vmem>>
        %dma_start3A_158 = arith.constant 0 : i32
        %dma_start3A_159 = arith.constant 0 : i32
        %dma_start3A_160 = tpu.memref_slice %arg2[%arg0, %dma_start3A_158, %dma_start3A_159] : memref<2x10112x128xf32, #tpu.memory_space<hbm>> -> memref<1x10112x128xf32, #tpu.memory_space<hbm>>
        %dma_start3A_161 = tpu.memref_squeeze %dma_start3A_160 : memref<1x10112x128xf32, #tpu.memory_space<hbm>> -> memref<10112x128xf32, #tpu.memory_space<hbm>>
        %dma_start3A_162 = arith.constant 0 : i32
        %dma_start3A_163 = arith.constant 0 : i32
        %dma_start3A_164 = tpu.memref_slice %dma_start3A_161[%dma_start3A_162, %dma_start3A_163] : memref<10112x128xf32, #tpu.memory_space<hbm>> -> memref<10112x128xf32, #tpu.memory_space<hbm>>
        tpu.enqueue_indirect_dma source(%dma_start3A_164 : memref<10112x128xf32, #tpu.memory_space<hbm>>) target(%arg9 : memref<128x128xf32, #tpu.memory_space<vmem>>) offsets(%dma_start3A_157 : memref<128xi32, #tpu.memory_space<vmem>>) semaphore(%arg12 : memref<!tpu.dma_semaphore, #tpu.memory_space<semaphore_mem>>)
      } else {
      }
      %mul3A_106 = arith.constant 128 : i32
      %mul3A_107 = arith.muli %add3A_94, %mul3A_106 : i32
      %multiple_of3A_108 = tpu.assume_multiple %mul3A_107, 8 : i32
      %dma_wait3A_109 = tpu.memref_slice %arg7[%multiple_of3A_108] : memref<16384xi32, #tpu.memory_space<vmem>> -> memref<128xi32, #tpu.memory_space<vmem>>
      %dma_wait3A_110 = arith.constant 0 : i32
      %dma_wait3A_111 = arith.constant 0 : i32
      %dma_wait3A_112 = tpu.memref_slice %arg2[%arg0, %dma_wait3A_110, %dma_wait3A_111] : memref<2x10112x128xf32, #tpu.memory_space<hbm>> -> memref<1x10112x128xf32, #tpu.memory_space<hbm>>
      %dma_wait3A_113 = tpu.memref_squeeze %dma_wait3A_112 : memref<1x10112x128xf32, #tpu.memory_space<hbm>> -> memref<10112x128xf32, #tpu.memory_space<hbm>>
      %dma_wait3A_114 = arith.constant 0 : i32
      %dma_wait3A_115 = arith.constant 0 : i32
      %dma_wait3A_116 = tpu.memref_slice %dma_wait3A_113[%dma_wait3A_114, %dma_wait3A_115] : memref<10112x128xf32, #tpu.memory_space<hbm>> -> memref<10112x128xf32, #tpu.memory_space<hbm>>
      tpu.wait_indirect_dma semaphore(%arg13 : memref<!tpu.dma_semaphore, #tpu.memory_space<semaphore_mem>>) src(%dma_wait3A_116 : memref<10112x128xf32, #tpu.memory_space<hbm>>) dst(%arg10 : memref<128x128xf32, #tpu.memory_space<vmem>>)
      %dma_wait3A_117 = arith.constant 1 : i32
      %dma_wait3A_118 = arith.constant 0 : i32
      %dma_wait3A_119 = tpu.memref_slice %arg8[%dma_wait3A_117, %dma_wait3A_118] : memref<2x128xi32, #tpu.memory_space<vmem>> -> memref<1x128xi32, #tpu.memory_space<vmem>>
      %dma_wait3A_120 = tpu.memref_squeeze %dma_wait3A_119 : memref<1x128xi32, #tpu.memory_space<vmem>> -> memref<128xi32, #tpu.memory_space<vmem>>
      %dma_wait3A_121 = arith.constant 0 : i32
      %dma_wait3A_122 = tpu.memref_slice %arg5[%add3A, %add3A_94, %dma_wait3A_121] : memref<32x128x128xi32, #tpu.memory_space<hbm>> -> memref<1x1x128xi32, #tpu.memory_space<hbm>>
      %dma_wait3A_123 = tpu.memref_squeeze %dma_wait3A_122 : memref<1x1x128xi32, #tpu.memory_space<hbm>> -> memref<128xi32, #tpu.memory_space<hbm>>
      %dma_wait3A_124 = arith.constant 0 : i32
      %dma_wait3A_125 = tpu.memref_slice %arg8[%dma_wait3A_117, %dma_wait3A_124] : memref<2x128xi32, #tpu.memory_space<vmem>> -> memref<1x128xi32, #tpu.memory_space<vmem>>
      %dma_wait3A_126 = tpu.memref_squeeze %dma_wait3A_125 : memref<1x128xi32, #tpu.memory_space<vmem>> -> memref<128xi32, #tpu.memory_space<vmem>>
      %dma_wait3A_127 = arith.constant 0 : i32
      %dma_wait3A_128 = tpu.memref_slice %arg5[%add3A, %add3A_94, %dma_wait3A_127] : memref<32x128x128xi32, #tpu.memory_space<hbm>> -> memref<1x1x128xi32, #tpu.memory_space<hbm>>
      %dma_wait3A_129 = tpu.memref_squeeze %dma_wait3A_128 : memref<1x1x128xi32, #tpu.memory_space<hbm>> -> memref<128xi32, #tpu.memory_space<hbm>>
      tpu.wait_dma2 semaphore(%arg17 : memref<!tpu.dma_semaphore, #tpu.memory_space<semaphore_mem>>) src(%dma_wait3A_129 : memref<128xi32, #tpu.memory_space<hbm>>) dst(%dma_wait3A_126 : memref<128xi32, #tpu.memory_space<vmem>>)
      %dma_start3A_130 = arith.constant 1 : i32
      %dma_start3A_131 = arith.constant 0 : i32
      %dma_start3A_132 = tpu.memref_slice %arg8[%dma_start3A_130, %dma_start3A_131] : memref<2x128xi32, #tpu.memory_space<vmem>> -> memref<1x128xi32, #tpu.memory_space<vmem>>
      %dma_start3A_133 = tpu.memref_squeeze %dma_start3A_132 : memref<1x128xi32, #tpu.memory_space<vmem>> -> memref<128xi32, #tpu.memory_space<vmem>>
      %dma_start3A_134 = arith.constant 0 : i32
      %dma_start3A_135 = arith.constant 0 : i32
      %dma_start3A_136 = tpu.memref_slice %arg11[%dma_start3A_134, %dma_start3A_135] : memref<10112x128xf32, #tpu.memory_space<vmem_shared>> -> memref<10112x128xf32, #tpu.memory_space<vmem_shared>>
      tpu.enqueue_indirect_dma source(%arg10 : memref<128x128xf32, #tpu.memory_space<vmem>>) target(%dma_start3A_136 : memref<10112x128xf32, #tpu.memory_space<vmem_shared>>) offsets(%dma_start3A_133 : memref<128xi32, #tpu.memory_space<vmem>>) semaphore(%arg15 : memref<!tpu.dma_semaphore, #tpu.memory_space<semaphore_mem>>) {add = true}
    }
    %while3A_42 = arith.constant 1 : i32
    scf.for %while3A_50 = %while3A_40 to %while3A_36 step %while3A_42  : i32 {
      %mul3A_51 = arith.muli %while3A_50, %while3A : i32
      %add3A_52 = arith.addi %while3A_33, %mul3A_51 : i32
      %add3A_53 = arith.constant 0 : i32
      %add3A_54 = arith.addi %add3A_52, %add3A_53 : i32
      %ge3A = arith.constant 1 : i32
      %ge3A_55 = arith.cmpi sge, %add3A_54, %ge3A : i32
      %convert_element_type3A = arith.extui %ge3A_55 : i1 to i32
      %cond3A = arith.constant 0 : i32
      %cond3A_56 = arith.cmpi ne, %convert_element_type3A, %cond3A : i32
      scf.if %cond3A_56 {
        %dma_wait3A_137 = arith.constant 1 : i32
        %dma_wait3A_138 = arith.constant 0 : i32
        %dma_wait3A_139 = tpu.memref_slice %arg8[%dma_wait3A_137, %dma_wait3A_138] : memref<2x128xi32, #tpu.memory_space<vmem>> -> memref<1x128xi32, #tpu.memory_space<vmem>>
        %dma_wait3A_140 = tpu.memref_squeeze %dma_wait3A_139 : memref<1x128xi32, #tpu.memory_space<vmem>> -> memref<128xi32, #tpu.memory_space<vmem>>
        %dma_wait3A_141 = arith.constant 0 : i32
        %dma_wait3A_142 = arith.constant 0 : i32
        %dma_wait3A_143 = tpu.memref_slice %arg11[%dma_wait3A_141, %dma_wait3A_142] : memref<10112x128xf32, #tpu.memory_space<vmem_shared>> -> memref<10112x128xf32, #tpu.memory_space<vmem_shared>>
        tpu.wait_indirect_dma semaphore(%arg15 : memref<!tpu.dma_semaphore, #tpu.memory_space<semaphore_mem>>) src(%arg10 : memref<128x128xf32, #tpu.memory_space<vmem>>) dst(%dma_wait3A_143 : memref<10112x128xf32, #tpu.memory_space<vmem_shared>>)
      } else {
      }
      %add3A_57 = arith.constant 1 : i32
      %add3A_58 = arith.addi %add3A_54, %add3A_57 : i32
      %lt3A = arith.cmpi slt, %add3A_58, %select_n3A : i32
      %convert_element_type3A_59 = arith.extui %lt3A : i1 to i32
      %cond3A_60 = arith.constant 0 : i32
      %cond3A_61 = arith.cmpi ne, %convert_element_type3A_59, %cond3A_60 : i32
      scf.if %cond3A_61 {
        %add3A_137 = arith.constant 1 : i32
        %add3A_138 = arith.addi %add3A_54, %add3A_137 : i32
        %dma_start3A_139 = arith.constant 1 : i32
        %dma_start3A_140 = arith.constant 0 : i32
        %dma_start3A_141 = tpu.memref_slice %arg8[%dma_start3A_139, %dma_start3A_140] : memref<2x128xi32, #tpu.memory_space<vmem>> -> memref<1x128xi32, #tpu.memory_space<vmem>>
        %dma_start3A_142 = tpu.memref_squeeze %dma_start3A_141 : memref<1x128xi32, #tpu.memory_space<vmem>> -> memref<128xi32, #tpu.memory_space<vmem>>
        %dma_start3A_143 = arith.constant 0 : i32
        %dma_start3A_144 = tpu.memref_slice %arg5[%add3A, %add3A_138, %dma_start3A_143] : memref<32x128x128xi32, #tpu.memory_space<hbm>> -> memref<1x1x128xi32, #tpu.memory_space<hbm>>
        %dma_start3A_145 = tpu.memref_squeeze %dma_start3A_144 : memref<1x1x128xi32, #tpu.memory_space<hbm>> -> memref<128xi32, #tpu.memory_space<hbm>>
        %dma_start3A_146 = arith.constant 0 : i32
        %dma_start3A_147 = tpu.memref_slice %arg8[%dma_start3A_139, %dma_start3A_146] : memref<2x128xi32, #tpu.memory_space<vmem>> -> memref<1x128xi32, #tpu.memory_space<vmem>>
        %dma_start3A_148 = tpu.memref_squeeze %dma_start3A_147 : memref<1x128xi32, #tpu.memory_space<vmem>> -> memref<128xi32, #tpu.memory_space<vmem>>
        %dma_start3A_149 = arith.constant 0 : i32
        %dma_start3A_150 = tpu.memref_slice %arg5[%add3A, %add3A_138, %dma_start3A_149] : memref<32x128x128xi32, #tpu.memory_space<hbm>> -> memref<1x1x128xi32, #tpu.memory_space<hbm>>
        %dma_start3A_151 = tpu.memref_squeeze %dma_start3A_150 : memref<1x1x128xi32, #tpu.memory_space<hbm>> -> memref<128xi32, #tpu.memory_space<hbm>>
        tpu.enqueue_dma source(%dma_start3A_151 : memref<128xi32, #tpu.memory_space<hbm>>) target(%dma_start3A_148 : memref<128xi32, #tpu.memory_space<vmem>>) target_semaphore(%arg17 : memref<!tpu.dma_semaphore, #tpu.memory_space<semaphore_mem>>)
        %add3A_152 = arith.constant 1 : i32
        %add3A_153 = arith.addi %add3A_54, %add3A_152 : i32
        %mul3A_154 = arith.constant 128 : i32
        %mul3A_155 = arith.muli %add3A_153, %mul3A_154 : i32
        %multiple_of3A_156 = tpu.assume_multiple %mul3A_155, 8 : i32
        %dma_start3A_157 = tpu.memref_slice %arg7[%multiple_of3A_156] : memref<16384xi32, #tpu.memory_space<vmem>> -> memref<128xi32, #tpu.memory_space<vmem>>
        %dma_start3A_158 = arith.constant 0 : i32
        %dma_start3A_159 = arith.constant 0 : i32
        %dma_start3A_160 = tpu.memref_slice %arg2[%arg0, %dma_start3A_158, %dma_start3A_159] : memref<2x10112x128xf32, #tpu.memory_space<hbm>> -> memref<1x10112x128xf32, #tpu.memory_space<hbm>>
        %dma_start3A_161 = tpu.memref_squeeze %dma_start3A_160 : memref<1x10112x128xf32, #tpu.memory_space<hbm>> -> memref<10112x128xf32, #tpu.memory_space<hbm>>
        %dma_start3A_162 = arith.constant 0 : i32
        %dma_start3A_163 = arith.constant 0 : i32
        %dma_start3A_164 = tpu.memref_slice %dma_start3A_161[%dma_start3A_162, %dma_start3A_163] : memref<10112x128xf32, #tpu.memory_space<hbm>> -> memref<10112x128xf32, #tpu.memory_space<hbm>>
        tpu.enqueue_indirect_dma source(%dma_start3A_164 : memref<10112x128xf32, #tpu.memory_space<hbm>>) target(%arg10 : memref<128x128xf32, #tpu.memory_space<vmem>>) offsets(%dma_start3A_157 : memref<128xi32, #tpu.memory_space<vmem>>) semaphore(%arg13 : memref<!tpu.dma_semaphore, #tpu.memory_space<semaphore_mem>>)
      } else {
      }
      %mul3A_62 = arith.constant 128 : i32
      %mul3A_63 = arith.muli %add3A_54, %mul3A_62 : i32
      %multiple_of3A_64 = tpu.assume_multiple %mul3A_63, 8 : i32
      %dma_wait3A_65 = tpu.memref_slice %arg7[%multiple_of3A_64] : memref<16384xi32, #tpu.memory_space<vmem>> -> memref<128xi32, #tpu.memory_space<vmem>>
      %dma_wait3A_66 = arith.constant 0 : i32
      %dma_wait3A_67 = arith.constant 0 : i32
      %dma_wait3A_68 = tpu.memref_slice %arg2[%arg0, %dma_wait3A_66, %dma_wait3A_67] : memref<2x10112x128xf32, #tpu.memory_space<hbm>> -> memref<1x10112x128xf32, #tpu.memory_space<hbm>>
      %dma_wait3A_69 = tpu.memref_squeeze %dma_wait3A_68 : memref<1x10112x128xf32, #tpu.memory_space<hbm>> -> memref<10112x128xf32, #tpu.memory_space<hbm>>
      %dma_wait3A_70 = arith.constant 0 : i32
      %dma_wait3A_71 = arith.constant 0 : i32
      %dma_wait3A_72 = tpu.memref_slice %dma_wait3A_69[%dma_wait3A_70, %dma_wait3A_71] : memref<10112x128xf32, #tpu.memory_space<hbm>> -> memref<10112x128xf32, #tpu.memory_space<hbm>>
      tpu.wait_indirect_dma semaphore(%arg12 : memref<!tpu.dma_semaphore, #tpu.memory_space<semaphore_mem>>) src(%dma_wait3A_72 : memref<10112x128xf32, #tpu.memory_space<hbm>>) dst(%arg9 : memref<128x128xf32, #tpu.memory_space<vmem>>)
      %dma_wait3A_73 = arith.constant 0 : i32
      %dma_wait3A_74 = arith.constant 0 : i32
      %dma_wait3A_75 = tpu.memref_slice %arg8[%dma_wait3A_73, %dma_wait3A_74] : memref<2x128xi32, #tpu.memory_space<vmem>> -> memref<1x128xi32, #tpu.memory_space<vmem>>
      %dma_wait3A_76 = tpu.memref_squeeze %dma_wait3A_75 : memref<1x128xi32, #tpu.memory_space<vmem>> -> memref<128xi32, #tpu.memory_space<vmem>>
      %dma_wait3A_77 = arith.constant 0 : i32
      %dma_wait3A_78 = tpu.memref_slice %arg5[%add3A, %add3A_54, %dma_wait3A_77] : memref<32x128x128xi32, #tpu.memory_space<hbm>> -> memref<1x1x128xi32, #tpu.memory_space<hbm>>
      %dma_wait3A_79 = tpu.memref_squeeze %dma_wait3A_78 : memref<1x1x128xi32, #tpu.memory_space<hbm>> -> memref<128xi32, #tpu.memory_space<hbm>>
      %dma_wait3A_80 = arith.constant 0 : i32
      %dma_wait3A_81 = tpu.memref_slice %arg8[%dma_wait3A_73, %dma_wait3A_80] : memref<2x128xi32, #tpu.memory_space<vmem>> -> memref<1x128xi32, #tpu.memory_space<vmem>>
      %dma_wait3A_82 = tpu.memref_squeeze %dma_wait3A_81 : memref<1x128xi32, #tpu.memory_space<vmem>> -> memref<128xi32, #tpu.memory_space<vmem>>
      %dma_wait3A_83 = arith.constant 0 : i32
      %dma_wait3A_84 = tpu.memref_slice %arg5[%add3A, %add3A_54, %dma_wait3A_83] : memref<32x128x128xi32, #tpu.memory_space<hbm>> -> memref<1x1x128xi32, #tpu.memory_space<hbm>>
      %dma_wait3A_85 = tpu.memref_squeeze %dma_wait3A_84 : memref<1x1x128xi32, #tpu.memory_space<hbm>> -> memref<128xi32, #tpu.memory_space<hbm>>
      tpu.wait_dma2 semaphore(%arg16 : memref<!tpu.dma_semaphore, #tpu.memory_space<semaphore_mem>>) src(%dma_wait3A_85 : memref<128xi32, #tpu.memory_space<hbm>>) dst(%dma_wait3A_82 : memref<128xi32, #tpu.memory_space<vmem>>)
      %dma_start3A_86 = arith.constant 0 : i32
      %dma_start3A_87 = arith.constant 0 : i32
      %dma_start3A_88 = tpu.memref_slice %arg8[%dma_start3A_86, %dma_start3A_87] : memref<2x128xi32, #tpu.memory_space<vmem>> -> memref<1x128xi32, #tpu.memory_space<vmem>>
      %dma_start3A_89 = tpu.memref_squeeze %dma_start3A_88 : memref<1x128xi32, #tpu.memory_space<vmem>> -> memref<128xi32, #tpu.memory_space<vmem>>
      %dma_start3A_90 = arith.constant 0 : i32
      %dma_start3A_91 = arith.constant 0 : i32
      %dma_start3A_92 = tpu.memref_slice %arg11[%dma_start3A_90, %dma_start3A_91] : memref<10112x128xf32, #tpu.memory_space<vmem_shared>> -> memref<10112x128xf32, #tpu.memory_space<vmem_shared>>
      tpu.enqueue_indirect_dma source(%arg9 : memref<128x128xf32, #tpu.memory_space<vmem>>) target(%dma_start3A_92 : memref<10112x128xf32, #tpu.memory_space<vmem_shared>>) offsets(%dma_start3A_89 : memref<128xi32, #tpu.memory_space<vmem>>) semaphore(%arg14 : memref<!tpu.dma_semaphore, #tpu.memory_space<semaphore_mem>>) {add = true}
      %add3A_93 = arith.constant 1 : i32
      %add3A_94 = arith.addi %add3A_52, %add3A_93 : i32
      %ge3A_95 = arith.constant 1 : i32
      %ge3A_96 = arith.cmpi sge, %add3A_94, %ge3A_95 : i32
      %convert_element_type3A_97 = arith.extui %ge3A_96 : i1 to i32
      %cond3A_98 = arith.constant 0 : i32
      %cond3A_99 = arith.cmpi ne, %convert_element_type3A_97, %cond3A_98 : i32
      scf.if %cond3A_99 {
        %dma_wait3A_137 = arith.constant 0 : i32
        %dma_wait3A_138 = arith.constant 0 : i32
        %dma_wait3A_139 = tpu.memref_slice %arg8[%dma_wait3A_137, %dma_wait3A_138] : memref<2x128xi32, #tpu.memory_space<vmem>> -> memref<1x128xi32, #tpu.memory_space<vmem>>
        %dma_wait3A_140 = tpu.memref_squeeze %dma_wait3A_139 : memref<1x128xi32, #tpu.memory_space<vmem>> -> memref<128xi32, #tpu.memory_space<vmem>>
        %dma_wait3A_141 = arith.constant 0 : i32
        %dma_wait3A_142 = arith.constant 0 : i32
        %dma_wait3A_143 = tpu.memref_slice %arg11[%dma_wait3A_141, %dma_wait3A_142] : memref<10112x128xf32, #tpu.memory_space<vmem_shared>> -> memref<10112x128xf32, #tpu.memory_space<vmem_shared>>
        tpu.wait_indirect_dma semaphore(%arg14 : memref<!tpu.dma_semaphore, #tpu.memory_space<semaphore_mem>>) src(%arg9 : memref<128x128xf32, #tpu.memory_space<vmem>>) dst(%dma_wait3A_143 : memref<10112x128xf32, #tpu.memory_space<vmem_shared>>)
      } else {
      }
      %add3A_100 = arith.constant 1 : i32
      %add3A_101 = arith.addi %add3A_94, %add3A_100 : i32
      %lt3A_102 = arith.cmpi slt, %add3A_101, %select_n3A : i32
      %convert_element_type3A_103 = arith.extui %lt3A_102 : i1 to i32
      %cond3A_104 = arith.constant 0 : i32
      %cond3A_105 = arith.cmpi ne, %convert_element_type3A_103, %cond3A_104 : i32
      scf.if %cond3A_105 {
        %add3A_137 = arith.constant 1 : i32
        %add3A_138 = arith.addi %add3A_94, %add3A_137 : i32
        %dma_start3A_139 = arith.constant 0 : i32
        %dma_start3A_140 = arith.constant 0 : i32
        %dma_start3A_141 = tpu.memref_slice %arg8[%dma_start3A_139, %dma_start3A_140] : memref<2x128xi32, #tpu.memory_space<vmem>> -> memref<1x128xi32, #tpu.memory_space<vmem>>
        %dma_start3A_142 = tpu.memref_squeeze %dma_start3A_141 : memref<1x128xi32, #tpu.memory_space<vmem>> -> memref<128xi32, #tpu.memory_space<vmem>>
        %dma_start3A_143 = arith.constant 0 : i32
        %dma_start3A_144 = tpu.memref_slice %arg5[%add3A, %add3A_138, %dma_start3A_143] : memref<32x128x128xi32, #tpu.memory_space<hbm>> -> memref<1x1x128xi32, #tpu.memory_space<hbm>>
        %dma_start3A_145 = tpu.memref_squeeze %dma_start3A_144 : memref<1x1x128xi32, #tpu.memory_space<hbm>> -> memref<128xi32, #tpu.memory_space<hbm>>
        %dma_start3A_146 = arith.constant 0 : i32
        %dma_start3A_147 = tpu.memref_slice %arg8[%dma_start3A_139, %dma_start3A_146] : memref<2x128xi32, #tpu.memory_space<vmem>> -> memref<1x128xi32, #tpu.memory_space<vmem>>
        %dma_start3A_148 = tpu.memref_squeeze %dma_start3A_147 : memref<1x128xi32, #tpu.memory_space<vmem>> -> memref<128xi32, #tpu.memory_space<vmem>>
        %dma_start3A_149 = arith.constant 0 : i32
        %dma_start3A_150 = tpu.memref_slice %arg5[%add3A, %add3A_138, %dma_start3A_149] : memref<32x128x128xi32, #tpu.memory_space<hbm>> -> memref<1x1x128xi32, #tpu.memory_space<hbm>>
        %dma_start3A_151 = tpu.memref_squeeze %dma_start3A_150 : memref<1x1x128xi32, #tpu.memory_space<hbm>> -> memref<128xi32, #tpu.memory_space<hbm>>
        tpu.enqueue_dma source(%dma_start3A_151 : memref<128xi32, #tpu.memory_space<hbm>>) target(%dma_start3A_148 : memref<128xi32, #tpu.memory_space<vmem>>) target_semaphore(%arg16 : memref<!tpu.dma_semaphore, #tpu.memory_space<semaphore_mem>>)
        %add3A_152 = arith.constant 1 : i32
        %add3A_153 = arith.addi %add3A_94, %add3A_152 : i32
        %mul3A_154 = arith.constant 128 : i32
        %mul3A_155 = arith.muli %add3A_153, %mul3A_154 : i32
        %multiple_of3A_156 = tpu.assume_multiple %mul3A_155, 8 : i32
        %dma_start3A_157 = tpu.memref_slice %arg7[%multiple_of3A_156] : memref<16384xi32, #tpu.memory_space<vmem>> -> memref<128xi32, #tpu.memory_space<vmem>>
        %dma_start3A_158 = arith.constant 0 : i32
        %dma_start3A_159 = arith.constant 0 : i32
        %dma_start3A_160 = tpu.memref_slice %arg2[%arg0, %dma_start3A_158, %dma_start3A_159] : memref<2x10112x128xf32, #tpu.memory_space<hbm>> -> memref<1x10112x128xf32, #tpu.memory_space<hbm>>
        %dma_start3A_161 = tpu.memref_squeeze %dma_start3A_160 : memref<1x10112x128xf32, #tpu.memory_space<hbm>> -> memref<10112x128xf32, #tpu.memory_space<hbm>>
        %dma_start3A_162 = arith.constant 0 : i32
        %dma_start3A_163 = arith.constant 0 : i32
        %dma_start3A_164 = tpu.memref_slice %dma_start3A_161[%dma_start3A_162, %dma_start3A_163] : memref<10112x128xf32, #tpu.memory_space<hbm>> -> memref<10112x128xf32, #tpu.memory_space<hbm>>
        tpu.enqueue_indirect_dma source(%dma_start3A_164 : memref<10112x128xf32, #tpu.memory_space<hbm>>) target(%arg9 : memref<128x128xf32, #tpu.memory_space<vmem>>) offsets(%dma_start3A_157 : memref<128xi32, #tpu.memory_space<vmem>>) semaphore(%arg12 : memref<!tpu.dma_semaphore, #tpu.memory_space<semaphore_mem>>)
      } else {
      }
      %mul3A_106 = arith.constant 128 : i32
      %mul3A_107 = arith.muli %add3A_94, %mul3A_106 : i32
      %multiple_of3A_108 = tpu.assume_multiple %mul3A_107, 8 : i32
      %dma_wait3A_109 = tpu.memref_slice %arg7[%multiple_of3A_108] : memref<16384xi32, #tpu.memory_space<vmem>> -> memref<128xi32, #tpu.memory_space<vmem>>
      %dma_wait3A_110 = arith.constant 0 : i32
      %dma_wait3A_111 = arith.constant 0 : i32
      %dma_wait3A_112 = tpu.memref_slice %arg2[%arg0, %dma_wait3A_110, %dma_wait3A_111] : memref<2x10112x128xf32, #tpu.memory_space<hbm>> -> memref<1x10112x128xf32, #tpu.memory_space<hbm>>
      %dma_wait3A_113 = tpu.memref_squeeze %dma_wait3A_112 : memref<1x10112x128xf32, #tpu.memory_space<hbm>> -> memref<10112x128xf32, #tpu.memory_space<hbm>>
      %dma_wait3A_114 = arith.constant 0 : i32
      %dma_wait3A_115 = arith.constant 0 : i32
      %dma_wait3A_116 = tpu.memref_slice %dma_wait3A_113[%dma_wait3A_114, %dma_wait3A_115] : memref<10112x128xf32, #tpu.memory_space<hbm>> -> memref<10112x128xf32, #tpu.memory_space<hbm>>
      tpu.wait_indirect_dma semaphore(%arg13 : memref<!tpu.dma_semaphore, #tpu.memory_space<semaphore_mem>>) src(%dma_wait3A_116 : memref<10112x128xf32, #tpu.memory_space<hbm>>) dst(%arg10 : memref<128x128xf32, #tpu.memory_space<vmem>>)
      %dma_wait3A_117 = arith.constant 1 : i32
      %dma_wait3A_118 = arith.constant 0 : i32
      %dma_wait3A_119 = tpu.memref_slice %arg8[%dma_wait3A_117, %dma_wait3A_118] : memref<2x128xi32, #tpu.memory_space<vmem>> -> memref<1x128xi32, #tpu.memory_space<vmem>>
      %dma_wait3A_120 = tpu.memref_squeeze %dma_wait3A_119 : memref<1x128xi32, #tpu.memory_space<vmem>> -> memref<128xi32, #tpu.memory_space<vmem>>
      %dma_wait3A_121 = arith.constant 0 : i32
      %dma_wait3A_122 = tpu.memref_slice %arg5[%add3A, %add3A_94, %dma_wait3A_121] : memref<32x128x128xi32, #tpu.memory_space<hbm>> -> memref<1x1x128xi32, #tpu.memory_space<hbm>>
      %dma_wait3A_123 = tpu.memref_squeeze %dma_wait3A_122 : memref<1x1x128xi32, #tpu.memory_space<hbm>> -> memref<128xi32, #tpu.memory_space<hbm>>
      %dma_wait3A_124 = arith.constant 0 : i32
      %dma_wait3A_125 = tpu.memref_slice %arg8[%dma_wait3A_117, %dma_wait3A_124] : memref<2x128xi32, #tpu.memory_space<vmem>> -> memref<1x128xi32, #tpu.memory_space<vmem>>
      %dma_wait3A_126 = tpu.memref_squeeze %dma_wait3A_125 : memref<1x128xi32, #tpu.memory_space<vmem>> -> memref<128xi32, #tpu.memory_space<vmem>>
      %dma_wait3A_127 = arith.constant 0 : i32
      %dma_wait3A_128 = tpu.memref_slice %arg5[%add3A, %add3A_94, %dma_wait3A_127] : memref<32x128x128xi32, #tpu.memory_space<hbm>> -> memref<1x1x128xi32, #tpu.memory_space<hbm>>
      %dma_wait3A_129 = tpu.memref_squeeze %dma_wait3A_128 : memref<1x1x128xi32, #tpu.memory_space<hbm>> -> memref<128xi32, #tpu.memory_space<hbm>>
      tpu.wait_dma2 semaphore(%arg17 : memref<!tpu.dma_semaphore, #tpu.memory_space<semaphore_mem>>) src(%dma_wait3A_129 : memref<128xi32, #tpu.memory_space<hbm>>) dst(%dma_wait3A_126 : memref<128xi32, #tpu.memory_space<vmem>>)
      %dma_start3A_130 = arith.constant 1 : i32
      %dma_start3A_131 = arith.constant 0 : i32
      %dma_start3A_132 = tpu.memref_slice %arg8[%dma_start3A_130, %dma_start3A_131] : memref<2x128xi32, #tpu.memory_space<vmem>> -> memref<1x128xi32, #tpu.memory_space<vmem>>
      %dma_start3A_133 = tpu.memref_squeeze %dma_start3A_132 : memref<1x128xi32, #tpu.memory_space<vmem>> -> memref<128xi32, #tpu.memory_space<vmem>>
      %dma_start3A_134 = arith.constant 0 : i32
      %dma_start3A_135 = arith.constant 0 : i32
      %dma_start3A_136 = tpu.memref_slice %arg11[%dma_start3A_134, %dma_start3A_135] : memref<10112x128xf32, #tpu.memory_space<vmem_shared>> -> memref<10112x128xf32, #tpu.memory_space<vmem_shared>>
      tpu.enqueue_indirect_dma source(%arg10 : memref<128x128xf32, #tpu.memory_space<vmem>>) target(%dma_start3A_136 : memref<10112x128xf32, #tpu.memory_space<vmem_shared>>) offsets(%dma_start3A_133 : memref<128xi32, #tpu.memory_space<vmem>>) semaphore(%arg15 : memref<!tpu.dma_semaphore, #tpu.memory_space<semaphore_mem>>) {add = true}
    }
    %dma_wait3A = arith.constant 1 : i32
    %dma_wait3A_43 = arith.constant 0 : i32
    %dma_wait3A_44 = tpu.memref_slice %arg8[%dma_wait3A, %dma_wait3A_43] : memref<2x128xi32, #tpu.memory_space<vmem>> -> memref<1x128xi32, #tpu.memory_space<vmem>>
    %dma_wait3A_45 = tpu.memref_squeeze %dma_wait3A_44 : memref<1x128xi32, #tpu.memory_space<vmem>> -> memref<128xi32, #tpu.memory_space<vmem>>
    %dma_wait3A_46 = arith.constant 0 : i32
    %dma_wait3A_47 = arith.constant 0 : i32
    %dma_wait3A_48 = tpu.memref_slice %arg11[%dma_wait3A_46, %dma_wait3A_47] : memref<10112x128xf32, #tpu.memory_space<vmem_shared>> -> memref<10112x128xf32, #tpu.memory_space<vmem_shared>>
    tpu.wait_indirect_dma semaphore(%arg15 : memref<!tpu.dma_semaphore, #tpu.memory_space<semaphore_mem>>) src(%arg10 : memref<128x128xf32, #tpu.memory_space<vmem>>) dst(%dma_wait3A_48 : memref<10112x128xf32, #tpu.memory_space<vmem_shared>>)
    %barrier3A_49 = arith.constant 0 : index
    tpu.barrier barrier_id(%barrier3A_49)
    "tpu.region"() ({
      %run_scoped3A = tpu.sem_alloc : memref<!tpu.dma_semaphore, #tpu.memory_space<semaphore_mem>>
      %dma_start3A_50 = arith.constant 0 : i32
      %dma_start3A_51 = tpu.memref_slice %arg6[%arg0, %mul3A_2, %dma_start3A_50] : memref<2x10112x128xf32, #tpu.memory_space<hbm>> -> memref<1x632x128xf32, #tpu.memory_space<hbm>>
      %dma_start3A_52 = tpu.memref_squeeze %dma_start3A_51 : memref<1x632x128xf32, #tpu.memory_space<hbm>> -> memref<632x128xf32, #tpu.memory_space<hbm>>
      %dma_start3A_53 = arith.constant 0 : i32
      %dma_start3A_54 = tpu.memref_slice %arg11[%mul3A_2, %dma_start3A_53] : memref<10112x128xf32, #tpu.memory_space<vmem_shared>> -> memref<632x128xf32, #tpu.memory_space<vmem_shared>>
      tpu.enqueue_dma source(%dma_start3A_54 : memref<632x128xf32, #tpu.memory_space<vmem_shared>>) target(%dma_start3A_52 : memref<632x128xf32, #tpu.memory_space<hbm>>) target_semaphore(%run_scoped3A : memref<!tpu.dma_semaphore, #tpu.memory_space<semaphore_mem>>)
      %dma_wait3A_55 = arith.constant 0 : i32
      %dma_wait3A_56 = tpu.memref_slice %arg6[%arg0, %mul3A_2, %dma_wait3A_55] : memref<2x10112x128xf32, #tpu.memory_space<hbm>> -> memref<1x632x128xf32, #tpu.memory_space<hbm>>
      %dma_wait3A_57 = tpu.memref_squeeze %dma_wait3A_56 : memref<1x632x128xf32, #tpu.memory_space<hbm>> -> memref<632x128xf32, #tpu.memory_space<hbm>>
      %dma_wait3A_58 = arith.constant 0 : i32
      %dma_wait3A_59 = tpu.memref_slice %arg11[%mul3A_2, %dma_wait3A_58] : memref<10112x128xf32, #tpu.memory_space<vmem_shared>> -> memref<632x128xf32, #tpu.memory_space<vmem_shared>>
      tpu.wait_dma2 semaphore(%run_scoped3A : memref<!tpu.dma_semaphore, #tpu.memory_space<semaphore_mem>>) src(%dma_wait3A_59 : memref<632x128xf32, #tpu.memory_space<vmem_shared>>) dst(%dma_wait3A_57 : memref<632x128xf32, #tpu.memory_space<hbm>>)
      tpu.yield
    }) : () -> ()
    return
  }
}

#map = affine_map<(d0, d1) -> (0, 0, 0)>
#map1 = affine_map<(d0, d1) -> (0, 0)>
module attributes {stable_mosaic.version = 14 : i64} {
  func.func @_sc_agg_body(%arg0: i32, %arg1: i32, %arg2: memref<2x10112x128xf32, #tpu.memory_space<hbm>>, %arg3: memref<10112x128xf32, #tpu.memory_space<hbm>>, %arg4: memref<32x16384xi32, #tpu.memory_space<hbm>>, %arg5: memref<32x128x128xi32, #tpu.memory_space<hbm>>, %arg6: memref<2x10112x128xf32, #tpu.memory_space<hbm>>, %arg7: memref<16384xi32, #tpu.memory_space<vmem>>, %arg8: memref<2x128xi32, #tpu.memory_space<vmem>>, %arg9: memref<128x128xf32, #tpu.memory_space<vmem>>, %arg10: memref<128x128xf32, #tpu.memory_space<vmem>>, %arg11: memref<10112x128xf32, #tpu.memory_space<vmem_shared>>, %arg12: memref<!tpu.dma_semaphore, #tpu.memory_space<semaphore_mem>>, %arg13: memref<!tpu.dma_semaphore, #tpu.memory_space<semaphore_mem>>, %arg14: memref<!tpu.dma_semaphore, #tpu.memory_space<semaphore_mem>>, %arg15: memref<!tpu.dma_semaphore, #tpu.memory_space<semaphore_mem>>, %arg16: memref<!tpu.dma_semaphore, #tpu.memory_space<semaphore_mem>>, %arg17: memref<!tpu.dma_semaphore, #tpu.memory_space<semaphore_mem>>) attributes {dimension_semantics = [#tpu.dimension_semantics<core_parallel>, #tpu.dimension_semantics<subcore_parallel>], iteration_bounds = array<i64: 2, 16>, scalar_prefetch = 0 : i64, scratch_operands = 11 : i64, tpu.core_type = #tpu.core_type<sc_vector_subcore>, window_params = [{transform_indices = #map}, {transform_indices = #map1}, {transform_indices = #map1}, {transform_indices = #map}, {transform_indices = #map}]} {
    %mul3A = arith.constant 2 : i32
    %mul3A_0 = arith.muli %arg1, %mul3A : i32
    %add3A = arith.addi %mul3A_0, %arg0 : i32
    %mul3A_1 = arith.constant 632 : i32
    %mul3A_2 = arith.muli %arg1, %mul3A_1 : i32
    %eq3A = arith.constant 0 : i32
    %eq3A_3 = arith.cmpi eq, %arg0, %eq3A : i32
    %jit3A = arith.constant 128 : i32
    %jit3A_4 = arith.constant 32 : i32
    %select_n3A = arith.select %eq3A_3, %jit3A, %jit3A_4 : i32
    "tpu.region"() ({
      %run_scoped3A = tpu.sem_alloc : memref<!tpu.dma_semaphore, #tpu.memory_space<semaphore_mem>>
      %dma_start3A_50 = arith.constant 0 : i32
      %dma_start3A_51 = tpu.memref_slice %arg11[%mul3A_2, %dma_start3A_50] : memref<10112x128xf32, #tpu.memory_space<vmem_shared>> -> memref<632x128xf32, #tpu.memory_space<vmem_shared>>
      %dma_start3A_52 = arith.constant 0 : i32
      %dma_start3A_53 = tpu.memref_slice %arg3[%mul3A_2, %dma_start3A_52] : memref<10112x128xf32, #tpu.memory_space<hbm>> -> memref<632x128xf32, #tpu.memory_space<hbm>>
      tpu.enqueue_dma source(%dma_start3A_53 : memref<632x128xf32, #tpu.memory_space<hbm>>) target(%dma_start3A_51 : memref<632x128xf32, #tpu.memory_space<vmem_shared>>) target_semaphore(%run_scoped3A : memref<!tpu.dma_semaphore, #tpu.memory_space<semaphore_mem>>)
      %dma_wait3A_54 = arith.constant 0 : i32
      %dma_wait3A_55 = tpu.memref_slice %arg11[%mul3A_2, %dma_wait3A_54] : memref<10112x128xf32, #tpu.memory_space<vmem_shared>> -> memref<632x128xf32, #tpu.memory_space<vmem_shared>>
      %dma_wait3A_56 = arith.constant 0 : i32
      %dma_wait3A_57 = tpu.memref_slice %arg3[%mul3A_2, %dma_wait3A_56] : memref<10112x128xf32, #tpu.memory_space<hbm>> -> memref<632x128xf32, #tpu.memory_space<hbm>>
      tpu.wait_dma2 semaphore(%run_scoped3A : memref<!tpu.dma_semaphore, #tpu.memory_space<semaphore_mem>>) src(%dma_wait3A_57 : memref<632x128xf32, #tpu.memory_space<hbm>>) dst(%dma_wait3A_55 : memref<632x128xf32, #tpu.memory_space<vmem_shared>>)
      tpu.yield
    }) : () -> ()
    "tpu.region"() ({
      %run_scoped3A = tpu.sem_alloc : memref<!tpu.dma_semaphore, #tpu.memory_space<semaphore_mem>>
      %dma_start3A_50 = arith.constant 0 : i32
      %dma_start3A_51 = tpu.memref_slice %arg4[%add3A, %dma_start3A_50] : memref<32x16384xi32, #tpu.memory_space<hbm>> -> memref<1x16384xi32, #tpu.memory_space<hbm>>
      %dma_start3A_52 = tpu.memref_squeeze %dma_start3A_51 : memref<1x16384xi32, #tpu.memory_space<hbm>> -> memref<16384xi32, #tpu.memory_space<hbm>>
      %dma_start3A_53 = arith.constant 0 : i32
      %dma_start3A_54 = tpu.memref_slice %arg4[%add3A, %dma_start3A_53] : memref<32x16384xi32, #tpu.memory_space<hbm>> -> memref<1x16384xi32, #tpu.memory_space<hbm>>
      %dma_start3A_55 = tpu.memref_squeeze %dma_start3A_54 : memref<1x16384xi32, #tpu.memory_space<hbm>> -> memref<16384xi32, #tpu.memory_space<hbm>>
      tpu.enqueue_dma source(%dma_start3A_55 : memref<16384xi32, #tpu.memory_space<hbm>>) target(%arg7 : memref<16384xi32, #tpu.memory_space<vmem>>) target_semaphore(%run_scoped3A : memref<!tpu.dma_semaphore, #tpu.memory_space<semaphore_mem>>)
      %dma_wait3A_56 = arith.constant 0 : i32
      %dma_wait3A_57 = tpu.memref_slice %arg4[%add3A, %dma_wait3A_56] : memref<32x16384xi32, #tpu.memory_space<hbm>> -> memref<1x16384xi32, #tpu.memory_space<hbm>>
      %dma_wait3A_58 = tpu.memref_squeeze %dma_wait3A_57 : memref<1x16384xi32, #tpu.memory_space<hbm>> -> memref<16384xi32, #tpu.memory_space<hbm>>
      %dma_wait3A_59 = arith.constant 0 : i32
      %dma_wait3A_60 = tpu.memref_slice %arg4[%add3A, %dma_wait3A_59] : memref<32x16384xi32, #tpu.memory_space<hbm>> -> memref<1x16384xi32, #tpu.memory_space<hbm>>
      %dma_wait3A_61 = tpu.memref_squeeze %dma_wait3A_60 : memref<1x16384xi32, #tpu.memory_space<hbm>> -> memref<16384xi32, #tpu.memory_space<hbm>>
      tpu.wait_dma2 semaphore(%run_scoped3A : memref<!tpu.dma_semaphore, #tpu.memory_space<semaphore_mem>>) src(%dma_wait3A_61 : memref<16384xi32, #tpu.memory_space<hbm>>) dst(%arg7 : memref<16384xi32, #tpu.memory_space<vmem>>)
      tpu.yield
    }) : () -> ()
    %barrier3A = arith.constant 0 : index
    tpu.barrier barrier_id(%barrier3A)
    %dma_start3A = arith.constant 0 : i32
    %dma_start3A_5 = arith.constant 0 : i32
    %dma_start3A_6 = arith.constant 0 : i32
    %dma_start3A_7 = tpu.memref_slice %arg8[%dma_start3A_5, %dma_start3A_6] : memref<2x128xi32, #tpu.memory_space<vmem>> -> memref<1x128xi32, #tpu.memory_space<vmem>>
    %dma_start3A_8 = tpu.memref_squeeze %dma_start3A_7 : memref<1x128xi32, #tpu.memory_space<vmem>> -> memref<128xi32, #tpu.memory_space<vmem>>
    %dma_start3A_9 = arith.constant 0 : i32
    %dma_start3A_10 = tpu.memref_slice %arg5[%add3A, %dma_start3A, %dma_start3A_9] : memref<32x128x128xi32, #tpu.memory_space<hbm>> -> memref<1x1x128xi32, #tpu.memory_space<hbm>>
    %dma_start3A_11 = tpu.memref_squeeze %dma_start3A_10 : memref<1x1x128xi32, #tpu.memory_space<hbm>> -> memref<128xi32, #tpu.memory_space<hbm>>
    %dma_start3A_12 = arith.constant 0 : i32
    %dma_start3A_13 = tpu.memref_slice %arg8[%dma_start3A_5, %dma_start3A_12] : memref<2x128xi32, #tpu.memory_space<vmem>> -> memref<1x128xi32, #tpu.memory_space<vmem>>
    %dma_start3A_14 = tpu.memref_squeeze %dma_start3A_13 : memref<1x128xi32, #tpu.memory_space<vmem>> -> memref<128xi32, #tpu.memory_space<vmem>>
    %dma_start3A_15 = arith.constant 0 : i32
    %dma_start3A_16 = tpu.memref_slice %arg5[%add3A, %dma_start3A, %dma_start3A_15] : memref<32x128x128xi32, #tpu.memory_space<hbm>> -> memref<1x1x128xi32, #tpu.memory_space<hbm>>
    %dma_start3A_17 = tpu.memref_squeeze %dma_start3A_16 : memref<1x1x128xi32, #tpu.memory_space<hbm>> -> memref<128xi32, #tpu.memory_space<hbm>>
    tpu.enqueue_dma source(%dma_start3A_17 : memref<128xi32, #tpu.memory_space<hbm>>) target(%dma_start3A_14 : memref<128xi32, #tpu.memory_space<vmem>>) target_semaphore(%arg16 : memref<!tpu.dma_semaphore, #tpu.memory_space<semaphore_mem>>)
    %multiple_of3A = arith.constant 0 : i32
    %multiple_of3A_18 = tpu.assume_multiple %multiple_of3A, 8 : i32
    %dma_start3A_19 = tpu.memref_slice %arg7[%multiple_of3A_18] : memref<16384xi32, #tpu.memory_space<vmem>> -> memref<128xi32, #tpu.memory_space<vmem>>
    %dma_start3A_20 = arith.constant 0 : i32
    %dma_start3A_21 = arith.constant 0 : i32
    %dma_start3A_22 = tpu.memref_slice %arg2[%arg0, %dma_start3A_20, %dma_start3A_21] : memref<2x10112x128xf32, #tpu.memory_space<hbm>> -> memref<1x10112x128xf32, #tpu.memory_space<hbm>>
    %dma_start3A_23 = tpu.memref_squeeze %dma_start3A_22 : memref<1x10112x128xf32, #tpu.memory_space<hbm>> -> memref<10112x128xf32, #tpu.memory_space<hbm>>
    %dma_start3A_24 = arith.constant 0 : i32
    %dma_start3A_25 = arith.constant 0 : i32
    %dma_start3A_26 = tpu.memref_slice %dma_start3A_23[%dma_start3A_24, %dma_start3A_25] : memref<10112x128xf32, #tpu.memory_space<hbm>> -> memref<10112x128xf32, #tpu.memory_space<hbm>>
    tpu.enqueue_indirect_dma source(%dma_start3A_26 : memref<10112x128xf32, #tpu.memory_space<hbm>>) target(%arg9 : memref<128x128xf32, #tpu.memory_space<vmem>>) offsets(%dma_start3A_19 : memref<128xi32, #tpu.memory_space<vmem>>) semaphore(%arg12 : memref<!tpu.dma_semaphore, #tpu.memory_space<semaphore_mem>>)
    %sub3A = arith.constant 0 : i32
    %sub3A_27 = arith.subi %select_n3A, %sub3A : i32
    %sub3A_28 = arith.constant 2 : i32
    %sub3A_29 = arith.constant 1 : i32
    %sub3A_30 = arith.subi %sub3A_28, %sub3A_29 : i32
    %add3A_31 = arith.addi %sub3A_27, %sub3A_30 : i32
    %div3A = arith.constant 2 : i32
    %div3A_32 = arith.divsi %add3A_31, %div3A : i32
    %while3A = arith.constant 2 : i32
    %while3A_33 = arith.constant 0 : i32
    %while3A_34 = arith.constant 0 : i32
    %while3A_35 = arith.subi %div3A_32, %while3A_34 : i32
    %while3A_36 = arith.addi %while3A_34, %while3A_35 : i32
    %while3A_37 = arith.constant 1 : i32
    %while3A_38 = arith.divsi %while3A_35, %while3A_37 : i32
    %while3A_39 = arith.muli %while3A_38, %while3A_37 : i32
    %while3A_40 = arith.addi %while3A_34, %while3A_39 : i32
    %while3A_41 = arith.constant 1 : i32
    scf.for %while3A_50 = %while3A_34 to %while3A_40 step %while3A_41  : i32 {
      %mul3A_51 = arith.muli %while3A_50, %while3A : i32
      %add3A_52 = arith.addi %while3A_33, %mul3A_51 : i32
      %add3A_53 = arith.constant 0 : i32
      %add3A_54 = arith.addi %add3A_52, %add3A_53 : i32
      %ge3A = arith.constant 1 : i32
      %ge3A_55 = arith.cmpi sge, %add3A_54, %ge3A : i32
      %convert_element_type3A = arith.extui %ge3A_55 : i1 to i32
      %cond3A = arith.constant 0 : i32
      %cond3A_56 = arith.cmpi ne, %convert_element_type3A, %cond3A : i32
      scf.if %cond3A_56 {
        %dma_wait3A_137 = arith.constant 1 : i32
        %dma_wait3A_138 = arith.constant 0 : i32
        %dma_wait3A_139 = tpu.memref_slice %arg8[%dma_wait3A_137, %dma_wait3A_138] : memref<2x128xi32, #tpu.memory_space<vmem>> -> memref<1x128xi32, #tpu.memory_space<vmem>>
        %dma_wait3A_140 = tpu.memref_squeeze %dma_wait3A_139 : memref<1x128xi32, #tpu.memory_space<vmem>> -> memref<128xi32, #tpu.memory_space<vmem>>
        %dma_wait3A_141 = arith.constant 0 : i32
        %dma_wait3A_142 = arith.constant 0 : i32
        %dma_wait3A_143 = tpu.memref_slice %arg11[%dma_wait3A_141, %dma_wait3A_142] : memref<10112x128xf32, #tpu.memory_space<vmem_shared>> -> memref<10112x128xf32, #tpu.memory_space<vmem_shared>>
        tpu.wait_indirect_dma semaphore(%arg15 : memref<!tpu.dma_semaphore, #tpu.memory_space<semaphore_mem>>) src(%arg10 : memref<128x128xf32, #tpu.memory_space<vmem>>) dst(%dma_wait3A_143 : memref<10112x128xf32, #tpu.memory_space<vmem_shared>>)
      } else {
      }
      %add3A_57 = arith.constant 1 : i32
      %add3A_58 = arith.addi %add3A_54, %add3A_57 : i32
      %lt3A = arith.cmpi slt, %add3A_58, %select_n3A : i32
      %convert_element_type3A_59 = arith.extui %lt3A : i1 to i32
      %cond3A_60 = arith.constant 0 : i32
      %cond3A_61 = arith.cmpi ne, %convert_element_type3A_59, %cond3A_60 : i32
      scf.if %cond3A_61 {
        %add3A_137 = arith.constant 1 : i32
        %add3A_138 = arith.addi %add3A_54, %add3A_137 : i32
        %dma_start3A_139 = arith.constant 1 : i32
        %dma_start3A_140 = arith.constant 0 : i32
        %dma_start3A_141 = tpu.memref_slice %arg8[%dma_start3A_139, %dma_start3A_140] : memref<2x128xi32, #tpu.memory_space<vmem>> -> memref<1x128xi32, #tpu.memory_space<vmem>>
        %dma_start3A_142 = tpu.memref_squeeze %dma_start3A_141 : memref<1x128xi32, #tpu.memory_space<vmem>> -> memref<128xi32, #tpu.memory_space<vmem>>
        %dma_start3A_143 = arith.constant 0 : i32
        %dma_start3A_144 = tpu.memref_slice %arg5[%add3A, %add3A_138, %dma_start3A_143] : memref<32x128x128xi32, #tpu.memory_space<hbm>> -> memref<1x1x128xi32, #tpu.memory_space<hbm>>
        %dma_start3A_145 = tpu.memref_squeeze %dma_start3A_144 : memref<1x1x128xi32, #tpu.memory_space<hbm>> -> memref<128xi32, #tpu.memory_space<hbm>>
        %dma_start3A_146 = arith.constant 0 : i32
        %dma_start3A_147 = tpu.memref_slice %arg8[%dma_start3A_139, %dma_start3A_146] : memref<2x128xi32, #tpu.memory_space<vmem>> -> memref<1x128xi32, #tpu.memory_space<vmem>>
        %dma_start3A_148 = tpu.memref_squeeze %dma_start3A_147 : memref<1x128xi32, #tpu.memory_space<vmem>> -> memref<128xi32, #tpu.memory_space<vmem>>
        %dma_start3A_149 = arith.constant 0 : i32
        %dma_start3A_150 = tpu.memref_slice %arg5[%add3A, %add3A_138, %dma_start3A_149] : memref<32x128x128xi32, #tpu.memory_space<hbm>> -> memref<1x1x128xi32, #tpu.memory_space<hbm>>
        %dma_start3A_151 = tpu.memref_squeeze %dma_start3A_150 : memref<1x1x128xi32, #tpu.memory_space<hbm>> -> memref<128xi32, #tpu.memory_space<hbm>>
        tpu.enqueue_dma source(%dma_start3A_151 : memref<128xi32, #tpu.memory_space<hbm>>) target(%dma_start3A_148 : memref<128xi32, #tpu.memory_space<vmem>>) target_semaphore(%arg17 : memref<!tpu.dma_semaphore, #tpu.memory_space<semaphore_mem>>)
        %add3A_152 = arith.constant 1 : i32
        %add3A_153 = arith.addi %add3A_54, %add3A_152 : i32
        %mul3A_154 = arith.constant 128 : i32
        %mul3A_155 = arith.muli %add3A_153, %mul3A_154 : i32
        %multiple_of3A_156 = tpu.assume_multiple %mul3A_155, 8 : i32
        %dma_start3A_157 = tpu.memref_slice %arg7[%multiple_of3A_156] : memref<16384xi32, #tpu.memory_space<vmem>> -> memref<128xi32, #tpu.memory_space<vmem>>
        %dma_start3A_158 = arith.constant 0 : i32
        %dma_start3A_159 = arith.constant 0 : i32
        %dma_start3A_160 = tpu.memref_slice %arg2[%arg0, %dma_start3A_158, %dma_start3A_159] : memref<2x10112x128xf32, #tpu.memory_space<hbm>> -> memref<1x10112x128xf32, #tpu.memory_space<hbm>>
        %dma_start3A_161 = tpu.memref_squeeze %dma_start3A_160 : memref<1x10112x128xf32, #tpu.memory_space<hbm>> -> memref<10112x128xf32, #tpu.memory_space<hbm>>
        %dma_start3A_162 = arith.constant 0 : i32
        %dma_start3A_163 = arith.constant 0 : i32
        %dma_start3A_164 = tpu.memref_slice %dma_start3A_161[%dma_start3A_162, %dma_start3A_163] : memref<10112x128xf32, #tpu.memory_space<hbm>> -> memref<10112x128xf32, #tpu.memory_space<hbm>>
        tpu.enqueue_indirect_dma source(%dma_start3A_164 : memref<10112x128xf32, #tpu.memory_space<hbm>>) target(%arg10 : memref<128x128xf32, #tpu.memory_space<vmem>>) offsets(%dma_start3A_157 : memref<128xi32, #tpu.memory_space<vmem>>) semaphore(%arg13 : memref<!tpu.dma_semaphore, #tpu.memory_space<semaphore_mem>>)
      } else {
      }
      %mul3A_62 = arith.constant 128 : i32
      %mul3A_63 = arith.muli %add3A_54, %mul3A_62 : i32
      %multiple_of3A_64 = tpu.assume_multiple %mul3A_63, 8 : i32
      %dma_wait3A_65 = tpu.memref_slice %arg7[%multiple_of3A_64] : memref<16384xi32, #tpu.memory_space<vmem>> -> memref<128xi32, #tpu.memory_space<vmem>>
      %dma_wait3A_66 = arith.constant 0 : i32
      %dma_wait3A_67 = arith.constant 0 : i32
      %dma_wait3A_68 = tpu.memref_slice %arg2[%arg0, %dma_wait3A_66, %dma_wait3A_67] : memref<2x10112x128xf32, #tpu.memory_space<hbm>> -> memref<1x10112x128xf32, #tpu.memory_space<hbm>>
      %dma_wait3A_69 = tpu.memref_squeeze %dma_wait3A_68 : memref<1x10112x128xf32, #tpu.memory_space<hbm>> -> memref<10112x128xf32, #tpu.memory_space<hbm>>
      %dma_wait3A_70 = arith.constant 0 : i32
      %dma_wait3A_71 = arith.constant 0 : i32
      %dma_wait3A_72 = tpu.memref_slice %dma_wait3A_69[%dma_wait3A_70, %dma_wait3A_71] : memref<10112x128xf32, #tpu.memory_space<hbm>> -> memref<10112x128xf32, #tpu.memory_space<hbm>>
      tpu.wait_indirect_dma semaphore(%arg12 : memref<!tpu.dma_semaphore, #tpu.memory_space<semaphore_mem>>) src(%dma_wait3A_72 : memref<10112x128xf32, #tpu.memory_space<hbm>>) dst(%arg9 : memref<128x128xf32, #tpu.memory_space<vmem>>)
      %dma_wait3A_73 = arith.constant 0 : i32
      %dma_wait3A_74 = arith.constant 0 : i32
      %dma_wait3A_75 = tpu.memref_slice %arg8[%dma_wait3A_73, %dma_wait3A_74] : memref<2x128xi32, #tpu.memory_space<vmem>> -> memref<1x128xi32, #tpu.memory_space<vmem>>
      %dma_wait3A_76 = tpu.memref_squeeze %dma_wait3A_75 : memref<1x128xi32, #tpu.memory_space<vmem>> -> memref<128xi32, #tpu.memory_space<vmem>>
      %dma_wait3A_77 = arith.constant 0 : i32
      %dma_wait3A_78 = tpu.memref_slice %arg5[%add3A, %add3A_54, %dma_wait3A_77] : memref<32x128x128xi32, #tpu.memory_space<hbm>> -> memref<1x1x128xi32, #tpu.memory_space<hbm>>
      %dma_wait3A_79 = tpu.memref_squeeze %dma_wait3A_78 : memref<1x1x128xi32, #tpu.memory_space<hbm>> -> memref<128xi32, #tpu.memory_space<hbm>>
      %dma_wait3A_80 = arith.constant 0 : i32
      %dma_wait3A_81 = tpu.memref_slice %arg8[%dma_wait3A_73, %dma_wait3A_80] : memref<2x128xi32, #tpu.memory_space<vmem>> -> memref<1x128xi32, #tpu.memory_space<vmem>>
      %dma_wait3A_82 = tpu.memref_squeeze %dma_wait3A_81 : memref<1x128xi32, #tpu.memory_space<vmem>> -> memref<128xi32, #tpu.memory_space<vmem>>
      %dma_wait3A_83 = arith.constant 0 : i32
      %dma_wait3A_84 = tpu.memref_slice %arg5[%add3A, %add3A_54, %dma_wait3A_83] : memref<32x128x128xi32, #tpu.memory_space<hbm>> -> memref<1x1x128xi32, #tpu.memory_space<hbm>>
      %dma_wait3A_85 = tpu.memref_squeeze %dma_wait3A_84 : memref<1x1x128xi32, #tpu.memory_space<hbm>> -> memref<128xi32, #tpu.memory_space<hbm>>
      tpu.wait_dma2 semaphore(%arg16 : memref<!tpu.dma_semaphore, #tpu.memory_space<semaphore_mem>>) src(%dma_wait3A_85 : memref<128xi32, #tpu.memory_space<hbm>>) dst(%dma_wait3A_82 : memref<128xi32, #tpu.memory_space<vmem>>)
      %dma_start3A_86 = arith.constant 0 : i32
      %dma_start3A_87 = arith.constant 0 : i32
      %dma_start3A_88 = tpu.memref_slice %arg8[%dma_start3A_86, %dma_start3A_87] : memref<2x128xi32, #tpu.memory_space<vmem>> -> memref<1x128xi32, #tpu.memory_space<vmem>>
      %dma_start3A_89 = tpu.memref_squeeze %dma_start3A_88 : memref<1x128xi32, #tpu.memory_space<vmem>> -> memref<128xi32, #tpu.memory_space<vmem>>
      %dma_start3A_90 = arith.constant 0 : i32
      %dma_start3A_91 = arith.constant 0 : i32
      %dma_start3A_92 = tpu.memref_slice %arg11[%dma_start3A_90, %dma_start3A_91] : memref<10112x128xf32, #tpu.memory_space<vmem_shared>> -> memref<10112x128xf32, #tpu.memory_space<vmem_shared>>
      tpu.enqueue_indirect_dma source(%arg9 : memref<128x128xf32, #tpu.memory_space<vmem>>) target(%dma_start3A_92 : memref<10112x128xf32, #tpu.memory_space<vmem_shared>>) offsets(%dma_start3A_89 : memref<128xi32, #tpu.memory_space<vmem>>) semaphore(%arg14 : memref<!tpu.dma_semaphore, #tpu.memory_space<semaphore_mem>>) {add = true}
      %add3A_93 = arith.constant 1 : i32
      %add3A_94 = arith.addi %add3A_52, %add3A_93 : i32
      %ge3A_95 = arith.constant 1 : i32
      %ge3A_96 = arith.cmpi sge, %add3A_94, %ge3A_95 : i32
      %convert_element_type3A_97 = arith.extui %ge3A_96 : i1 to i32
      %cond3A_98 = arith.constant 0 : i32
      %cond3A_99 = arith.cmpi ne, %convert_element_type3A_97, %cond3A_98 : i32
      scf.if %cond3A_99 {
        %dma_wait3A_137 = arith.constant 0 : i32
        %dma_wait3A_138 = arith.constant 0 : i32
        %dma_wait3A_139 = tpu.memref_slice %arg8[%dma_wait3A_137, %dma_wait3A_138] : memref<2x128xi32, #tpu.memory_space<vmem>> -> memref<1x128xi32, #tpu.memory_space<vmem>>
        %dma_wait3A_140 = tpu.memref_squeeze %dma_wait3A_139 : memref<1x128xi32, #tpu.memory_space<vmem>> -> memref<128xi32, #tpu.memory_space<vmem>>
        %dma_wait3A_141 = arith.constant 0 : i32
        %dma_wait3A_142 = arith.constant 0 : i32
        %dma_wait3A_143 = tpu.memref_slice %arg11[%dma_wait3A_141, %dma_wait3A_142] : memref<10112x128xf32, #tpu.memory_space<vmem_shared>> -> memref<10112x128xf32, #tpu.memory_space<vmem_shared>>
        tpu.wait_indirect_dma semaphore(%arg14 : memref<!tpu.dma_semaphore, #tpu.memory_space<semaphore_mem>>) src(%arg9 : memref<128x128xf32, #tpu.memory_space<vmem>>) dst(%dma_wait3A_143 : memref<10112x128xf32, #tpu.memory_space<vmem_shared>>)
      } else {
      }
      %add3A_100 = arith.constant 1 : i32
      %add3A_101 = arith.addi %add3A_94, %add3A_100 : i32
      %lt3A_102 = arith.cmpi slt, %add3A_101, %select_n3A : i32
      %convert_element_type3A_103 = arith.extui %lt3A_102 : i1 to i32
      %cond3A_104 = arith.constant 0 : i32
      %cond3A_105 = arith.cmpi ne, %convert_element_type3A_103, %cond3A_104 : i32
      scf.if %cond3A_105 {
        %add3A_137 = arith.constant 1 : i32
        %add3A_138 = arith.addi %add3A_94, %add3A_137 : i32
        %dma_start3A_139 = arith.constant 0 : i32
        %dma_start3A_140 = arith.constant 0 : i32
        %dma_start3A_141 = tpu.memref_slice %arg8[%dma_start3A_139, %dma_start3A_140] : memref<2x128xi32, #tpu.memory_space<vmem>> -> memref<1x128xi32, #tpu.memory_space<vmem>>
        %dma_start3A_142 = tpu.memref_squeeze %dma_start3A_141 : memref<1x128xi32, #tpu.memory_space<vmem>> -> memref<128xi32, #tpu.memory_space<vmem>>
        %dma_start3A_143 = arith.constant 0 : i32
        %dma_start3A_144 = tpu.memref_slice %arg5[%add3A, %add3A_138, %dma_start3A_143] : memref<32x128x128xi32, #tpu.memory_space<hbm>> -> memref<1x1x128xi32, #tpu.memory_space<hbm>>
        %dma_start3A_145 = tpu.memref_squeeze %dma_start3A_144 : memref<1x1x128xi32, #tpu.memory_space<hbm>> -> memref<128xi32, #tpu.memory_space<hbm>>
        %dma_start3A_146 = arith.constant 0 : i32
        %dma_start3A_147 = tpu.memref_slice %arg8[%dma_start3A_139, %dma_start3A_146] : memref<2x128xi32, #tpu.memory_space<vmem>> -> memref<1x128xi32, #tpu.memory_space<vmem>>
        %dma_start3A_148 = tpu.memref_squeeze %dma_start3A_147 : memref<1x128xi32, #tpu.memory_space<vmem>> -> memref<128xi32, #tpu.memory_space<vmem>>
        %dma_start3A_149 = arith.constant 0 : i32
        %dma_start3A_150 = tpu.memref_slice %arg5[%add3A, %add3A_138, %dma_start3A_149] : memref<32x128x128xi32, #tpu.memory_space<hbm>> -> memref<1x1x128xi32, #tpu.memory_space<hbm>>
        %dma_start3A_151 = tpu.memref_squeeze %dma_start3A_150 : memref<1x1x128xi32, #tpu.memory_space<hbm>> -> memref<128xi32, #tpu.memory_space<hbm>>
        tpu.enqueue_dma source(%dma_start3A_151 : memref<128xi32, #tpu.memory_space<hbm>>) target(%dma_start3A_148 : memref<128xi32, #tpu.memory_space<vmem>>) target_semaphore(%arg16 : memref<!tpu.dma_semaphore, #tpu.memory_space<semaphore_mem>>)
        %add3A_152 = arith.constant 1 : i32
        %add3A_153 = arith.addi %add3A_94, %add3A_152 : i32
        %mul3A_154 = arith.constant 128 : i32
        %mul3A_155 = arith.muli %add3A_153, %mul3A_154 : i32
        %multiple_of3A_156 = tpu.assume_multiple %mul3A_155, 8 : i32
        %dma_start3A_157 = tpu.memref_slice %arg7[%multiple_of3A_156] : memref<16384xi32, #tpu.memory_space<vmem>> -> memref<128xi32, #tpu.memory_space<vmem>>
        %dma_start3A_158 = arith.constant 0 : i32
        %dma_start3A_159 = arith.constant 0 : i32
        %dma_start3A_160 = tpu.memref_slice %arg2[%arg0, %dma_start3A_158, %dma_start3A_159] : memref<2x10112x128xf32, #tpu.memory_space<hbm>> -> memref<1x10112x128xf32, #tpu.memory_space<hbm>>
        %dma_start3A_161 = tpu.memref_squeeze %dma_start3A_160 : memref<1x10112x128xf32, #tpu.memory_space<hbm>> -> memref<10112x128xf32, #tpu.memory_space<hbm>>
        %dma_start3A_162 = arith.constant 0 : i32
        %dma_start3A_163 = arith.constant 0 : i32
        %dma_start3A_164 = tpu.memref_slice %dma_start3A_161[%dma_start3A_162, %dma_start3A_163] : memref<10112x128xf32, #tpu.memory_space<hbm>> -> memref<10112x128xf32, #tpu.memory_space<hbm>>
        tpu.enqueue_indirect_dma source(%dma_start3A_164 : memref<10112x128xf32, #tpu.memory_space<hbm>>) target(%arg9 : memref<128x128xf32, #tpu.memory_space<vmem>>) offsets(%dma_start3A_157 : memref<128xi32, #tpu.memory_space<vmem>>) semaphore(%arg12 : memref<!tpu.dma_semaphore, #tpu.memory_space<semaphore_mem>>)
      } else {
      }
      %mul3A_106 = arith.constant 128 : i32
      %mul3A_107 = arith.muli %add3A_94, %mul3A_106 : i32
      %multiple_of3A_108 = tpu.assume_multiple %mul3A_107, 8 : i32
      %dma_wait3A_109 = tpu.memref_slice %arg7[%multiple_of3A_108] : memref<16384xi32, #tpu.memory_space<vmem>> -> memref<128xi32, #tpu.memory_space<vmem>>
      %dma_wait3A_110 = arith.constant 0 : i32
      %dma_wait3A_111 = arith.constant 0 : i32
      %dma_wait3A_112 = tpu.memref_slice %arg2[%arg0, %dma_wait3A_110, %dma_wait3A_111] : memref<2x10112x128xf32, #tpu.memory_space<hbm>> -> memref<1x10112x128xf32, #tpu.memory_space<hbm>>
      %dma_wait3A_113 = tpu.memref_squeeze %dma_wait3A_112 : memref<1x10112x128xf32, #tpu.memory_space<hbm>> -> memref<10112x128xf32, #tpu.memory_space<hbm>>
      %dma_wait3A_114 = arith.constant 0 : i32
      %dma_wait3A_115 = arith.constant 0 : i32
      %dma_wait3A_116 = tpu.memref_slice %dma_wait3A_113[%dma_wait3A_114, %dma_wait3A_115] : memref<10112x128xf32, #tpu.memory_space<hbm>> -> memref<10112x128xf32, #tpu.memory_space<hbm>>
      tpu.wait_indirect_dma semaphore(%arg13 : memref<!tpu.dma_semaphore, #tpu.memory_space<semaphore_mem>>) src(%dma_wait3A_116 : memref<10112x128xf32, #tpu.memory_space<hbm>>) dst(%arg10 : memref<128x128xf32, #tpu.memory_space<vmem>>)
      %dma_wait3A_117 = arith.constant 1 : i32
      %dma_wait3A_118 = arith.constant 0 : i32
      %dma_wait3A_119 = tpu.memref_slice %arg8[%dma_wait3A_117, %dma_wait3A_118] : memref<2x128xi32, #tpu.memory_space<vmem>> -> memref<1x128xi32, #tpu.memory_space<vmem>>
      %dma_wait3A_120 = tpu.memref_squeeze %dma_wait3A_119 : memref<1x128xi32, #tpu.memory_space<vmem>> -> memref<128xi32, #tpu.memory_space<vmem>>
      %dma_wait3A_121 = arith.constant 0 : i32
      %dma_wait3A_122 = tpu.memref_slice %arg5[%add3A, %add3A_94, %dma_wait3A_121] : memref<32x128x128xi32, #tpu.memory_space<hbm>> -> memref<1x1x128xi32, #tpu.memory_space<hbm>>
      %dma_wait3A_123 = tpu.memref_squeeze %dma_wait3A_122 : memref<1x1x128xi32, #tpu.memory_space<hbm>> -> memref<128xi32, #tpu.memory_space<hbm>>
      %dma_wait3A_124 = arith.constant 0 : i32
      %dma_wait3A_125 = tpu.memref_slice %arg8[%dma_wait3A_117, %dma_wait3A_124] : memref<2x128xi32, #tpu.memory_space<vmem>> -> memref<1x128xi32, #tpu.memory_space<vmem>>
      %dma_wait3A_126 = tpu.memref_squeeze %dma_wait3A_125 : memref<1x128xi32, #tpu.memory_space<vmem>> -> memref<128xi32, #tpu.memory_space<vmem>>
      %dma_wait3A_127 = arith.constant 0 : i32
      %dma_wait3A_128 = tpu.memref_slice %arg5[%add3A, %add3A_94, %dma_wait3A_127] : memref<32x128x128xi32, #tpu.memory_space<hbm>> -> memref<1x1x128xi32, #tpu.memory_space<hbm>>
      %dma_wait3A_129 = tpu.memref_squeeze %dma_wait3A_128 : memref<1x1x128xi32, #tpu.memory_space<hbm>> -> memref<128xi32, #tpu.memory_space<hbm>>
      tpu.wait_dma2 semaphore(%arg17 : memref<!tpu.dma_semaphore, #tpu.memory_space<semaphore_mem>>) src(%dma_wait3A_129 : memref<128xi32, #tpu.memory_space<hbm>>) dst(%dma_wait3A_126 : memref<128xi32, #tpu.memory_space<vmem>>)
      %dma_start3A_130 = arith.constant 1 : i32
      %dma_start3A_131 = arith.constant 0 : i32
      %dma_start3A_132 = tpu.memref_slice %arg8[%dma_start3A_130, %dma_start3A_131] : memref<2x128xi32, #tpu.memory_space<vmem>> -> memref<1x128xi32, #tpu.memory_space<vmem>>
      %dma_start3A_133 = tpu.memref_squeeze %dma_start3A_132 : memref<1x128xi32, #tpu.memory_space<vmem>> -> memref<128xi32, #tpu.memory_space<vmem>>
      %dma_start3A_134 = arith.constant 0 : i32
      %dma_start3A_135 = arith.constant 0 : i32
      %dma_start3A_136 = tpu.memref_slice %arg11[%dma_start3A_134, %dma_start3A_135] : memref<10112x128xf32, #tpu.memory_space<vmem_shared>> -> memref<10112x128xf32, #tpu.memory_space<vmem_shared>>
      tpu.enqueue_indirect_dma source(%arg10 : memref<128x128xf32, #tpu.memory_space<vmem>>) target(%dma_start3A_136 : memref<10112x128xf32, #tpu.memory_space<vmem_shared>>) offsets(%dma_start3A_133 : memref<128xi32, #tpu.memory_space<vmem>>) semaphore(%arg15 : memref<!tpu.dma_semaphore, #tpu.memory_space<semaphore_mem>>) {add = true}
    }
    %while3A_42 = arith.constant 1 : i32
    scf.for %while3A_50 = %while3A_40 to %while3A_36 step %while3A_42  : i32 {
      %mul3A_51 = arith.muli %while3A_50, %while3A : i32
      %add3A_52 = arith.addi %while3A_33, %mul3A_51 : i32
      %add3A_53 = arith.constant 0 : i32
      %add3A_54 = arith.addi %add3A_52, %add3A_53 : i32
      %ge3A = arith.constant 1 : i32
      %ge3A_55 = arith.cmpi sge, %add3A_54, %ge3A : i32
      %convert_element_type3A = arith.extui %ge3A_55 : i1 to i32
      %cond3A = arith.constant 0 : i32
      %cond3A_56 = arith.cmpi ne, %convert_element_type3A, %cond3A : i32
      scf.if %cond3A_56 {
        %dma_wait3A_137 = arith.constant 1 : i32
        %dma_wait3A_138 = arith.constant 0 : i32
        %dma_wait3A_139 = tpu.memref_slice %arg8[%dma_wait3A_137, %dma_wait3A_138] : memref<2x128xi32, #tpu.memory_space<vmem>> -> memref<1x128xi32, #tpu.memory_space<vmem>>
        %dma_wait3A_140 = tpu.memref_squeeze %dma_wait3A_139 : memref<1x128xi32, #tpu.memory_space<vmem>> -> memref<128xi32, #tpu.memory_space<vmem>>
        %dma_wait3A_141 = arith.constant 0 : i32
        %dma_wait3A_142 = arith.constant 0 : i32
        %dma_wait3A_143 = tpu.memref_slice %arg11[%dma_wait3A_141, %dma_wait3A_142] : memref<10112x128xf32, #tpu.memory_space<vmem_shared>> -> memref<10112x128xf32, #tpu.memory_space<vmem_shared>>
        tpu.wait_indirect_dma semaphore(%arg15 : memref<!tpu.dma_semaphore, #tpu.memory_space<semaphore_mem>>) src(%arg10 : memref<128x128xf32, #tpu.memory_space<vmem>>) dst(%dma_wait3A_143 : memref<10112x128xf32, #tpu.memory_space<vmem_shared>>)
      } else {
      }
      %add3A_57 = arith.constant 1 : i32
      %add3A_58 = arith.addi %add3A_54, %add3A_57 : i32
      %lt3A = arith.cmpi slt, %add3A_58, %select_n3A : i32
      %convert_element_type3A_59 = arith.extui %lt3A : i1 to i32
      %cond3A_60 = arith.constant 0 : i32
      %cond3A_61 = arith.cmpi ne, %convert_element_type3A_59, %cond3A_60 : i32
      scf.if %cond3A_61 {
        %add3A_137 = arith.constant 1 : i32
        %add3A_138 = arith.addi %add3A_54, %add3A_137 : i32
        %dma_start3A_139 = arith.constant 1 : i32
        %dma_start3A_140 = arith.constant 0 : i32
        %dma_start3A_141 = tpu.memref_slice %arg8[%dma_start3A_139, %dma_start3A_140] : memref<2x128xi32, #tpu.memory_space<vmem>> -> memref<1x128xi32, #tpu.memory_space<vmem>>
        %dma_start3A_142 = tpu.memref_squeeze %dma_start3A_141 : memref<1x128xi32, #tpu.memory_space<vmem>> -> memref<128xi32, #tpu.memory_space<vmem>>
        %dma_start3A_143 = arith.constant 0 : i32
        %dma_start3A_144 = tpu.memref_slice %arg5[%add3A, %add3A_138, %dma_start3A_143] : memref<32x128x128xi32, #tpu.memory_space<hbm>> -> memref<1x1x128xi32, #tpu.memory_space<hbm>>
        %dma_start3A_145 = tpu.memref_squeeze %dma_start3A_144 : memref<1x1x128xi32, #tpu.memory_space<hbm>> -> memref<128xi32, #tpu.memory_space<hbm>>
        %dma_start3A_146 = arith.constant 0 : i32
        %dma_start3A_147 = tpu.memref_slice %arg8[%dma_start3A_139, %dma_start3A_146] : memref<2x128xi32, #tpu.memory_space<vmem>> -> memref<1x128xi32, #tpu.memory_space<vmem>>
        %dma_start3A_148 = tpu.memref_squeeze %dma_start3A_147 : memref<1x128xi32, #tpu.memory_space<vmem>> -> memref<128xi32, #tpu.memory_space<vmem>>
        %dma_start3A_149 = arith.constant 0 : i32
        %dma_start3A_150 = tpu.memref_slice %arg5[%add3A, %add3A_138, %dma_start3A_149] : memref<32x128x128xi32, #tpu.memory_space<hbm>> -> memref<1x1x128xi32, #tpu.memory_space<hbm>>
        %dma_start3A_151 = tpu.memref_squeeze %dma_start3A_150 : memref<1x1x128xi32, #tpu.memory_space<hbm>> -> memref<128xi32, #tpu.memory_space<hbm>>
        tpu.enqueue_dma source(%dma_start3A_151 : memref<128xi32, #tpu.memory_space<hbm>>) target(%dma_start3A_148 : memref<128xi32, #tpu.memory_space<vmem>>) target_semaphore(%arg17 : memref<!tpu.dma_semaphore, #tpu.memory_space<semaphore_mem>>)
        %add3A_152 = arith.constant 1 : i32
        %add3A_153 = arith.addi %add3A_54, %add3A_152 : i32
        %mul3A_154 = arith.constant 128 : i32
        %mul3A_155 = arith.muli %add3A_153, %mul3A_154 : i32
        %multiple_of3A_156 = tpu.assume_multiple %mul3A_155, 8 : i32
        %dma_start3A_157 = tpu.memref_slice %arg7[%multiple_of3A_156] : memref<16384xi32, #tpu.memory_space<vmem>> -> memref<128xi32, #tpu.memory_space<vmem>>
        %dma_start3A_158 = arith.constant 0 : i32
        %dma_start3A_159 = arith.constant 0 : i32
        %dma_start3A_160 = tpu.memref_slice %arg2[%arg0, %dma_start3A_158, %dma_start3A_159] : memref<2x10112x128xf32, #tpu.memory_space<hbm>> -> memref<1x10112x128xf32, #tpu.memory_space<hbm>>
        %dma_start3A_161 = tpu.memref_squeeze %dma_start3A_160 : memref<1x10112x128xf32, #tpu.memory_space<hbm>> -> memref<10112x128xf32, #tpu.memory_space<hbm>>
        %dma_start3A_162 = arith.constant 0 : i32
        %dma_start3A_163 = arith.constant 0 : i32
        %dma_start3A_164 = tpu.memref_slice %dma_start3A_161[%dma_start3A_162, %dma_start3A_163] : memref<10112x128xf32, #tpu.memory_space<hbm>> -> memref<10112x128xf32, #tpu.memory_space<hbm>>
        tpu.enqueue_indirect_dma source(%dma_start3A_164 : memref<10112x128xf32, #tpu.memory_space<hbm>>) target(%arg10 : memref<128x128xf32, #tpu.memory_space<vmem>>) offsets(%dma_start3A_157 : memref<128xi32, #tpu.memory_space<vmem>>) semaphore(%arg13 : memref<!tpu.dma_semaphore, #tpu.memory_space<semaphore_mem>>)
      } else {
      }
      %mul3A_62 = arith.constant 128 : i32
      %mul3A_63 = arith.muli %add3A_54, %mul3A_62 : i32
      %multiple_of3A_64 = tpu.assume_multiple %mul3A_63, 8 : i32
      %dma_wait3A_65 = tpu.memref_slice %arg7[%multiple_of3A_64] : memref<16384xi32, #tpu.memory_space<vmem>> -> memref<128xi32, #tpu.memory_space<vmem>>
      %dma_wait3A_66 = arith.constant 0 : i32
      %dma_wait3A_67 = arith.constant 0 : i32
      %dma_wait3A_68 = tpu.memref_slice %arg2[%arg0, %dma_wait3A_66, %dma_wait3A_67] : memref<2x10112x128xf32, #tpu.memory_space<hbm>> -> memref<1x10112x128xf32, #tpu.memory_space<hbm>>
      %dma_wait3A_69 = tpu.memref_squeeze %dma_wait3A_68 : memref<1x10112x128xf32, #tpu.memory_space<hbm>> -> memref<10112x128xf32, #tpu.memory_space<hbm>>
      %dma_wait3A_70 = arith.constant 0 : i32
      %dma_wait3A_71 = arith.constant 0 : i32
      %dma_wait3A_72 = tpu.memref_slice %dma_wait3A_69[%dma_wait3A_70, %dma_wait3A_71] : memref<10112x128xf32, #tpu.memory_space<hbm>> -> memref<10112x128xf32, #tpu.memory_space<hbm>>
      tpu.wait_indirect_dma semaphore(%arg12 : memref<!tpu.dma_semaphore, #tpu.memory_space<semaphore_mem>>) src(%dma_wait3A_72 : memref<10112x128xf32, #tpu.memory_space<hbm>>) dst(%arg9 : memref<128x128xf32, #tpu.memory_space<vmem>>)
      %dma_wait3A_73 = arith.constant 0 : i32
      %dma_wait3A_74 = arith.constant 0 : i32
      %dma_wait3A_75 = tpu.memref_slice %arg8[%dma_wait3A_73, %dma_wait3A_74] : memref<2x128xi32, #tpu.memory_space<vmem>> -> memref<1x128xi32, #tpu.memory_space<vmem>>
      %dma_wait3A_76 = tpu.memref_squeeze %dma_wait3A_75 : memref<1x128xi32, #tpu.memory_space<vmem>> -> memref<128xi32, #tpu.memory_space<vmem>>
      %dma_wait3A_77 = arith.constant 0 : i32
      %dma_wait3A_78 = tpu.memref_slice %arg5[%add3A, %add3A_54, %dma_wait3A_77] : memref<32x128x128xi32, #tpu.memory_space<hbm>> -> memref<1x1x128xi32, #tpu.memory_space<hbm>>
      %dma_wait3A_79 = tpu.memref_squeeze %dma_wait3A_78 : memref<1x1x128xi32, #tpu.memory_space<hbm>> -> memref<128xi32, #tpu.memory_space<hbm>>
      %dma_wait3A_80 = arith.constant 0 : i32
      %dma_wait3A_81 = tpu.memref_slice %arg8[%dma_wait3A_73, %dma_wait3A_80] : memref<2x128xi32, #tpu.memory_space<vmem>> -> memref<1x128xi32, #tpu.memory_space<vmem>>
      %dma_wait3A_82 = tpu.memref_squeeze %dma_wait3A_81 : memref<1x128xi32, #tpu.memory_space<vmem>> -> memref<128xi32, #tpu.memory_space<vmem>>
      %dma_wait3A_83 = arith.constant 0 : i32
      %dma_wait3A_84 = tpu.memref_slice %arg5[%add3A, %add3A_54, %dma_wait3A_83] : memref<32x128x128xi32, #tpu.memory_space<hbm>> -> memref<1x1x128xi32, #tpu.memory_space<hbm>>
      %dma_wait3A_85 = tpu.memref_squeeze %dma_wait3A_84 : memref<1x1x128xi32, #tpu.memory_space<hbm>> -> memref<128xi32, #tpu.memory_space<hbm>>
      tpu.wait_dma2 semaphore(%arg16 : memref<!tpu.dma_semaphore, #tpu.memory_space<semaphore_mem>>) src(%dma_wait3A_85 : memref<128xi32, #tpu.memory_space<hbm>>) dst(%dma_wait3A_82 : memref<128xi32, #tpu.memory_space<vmem>>)
      %dma_start3A_86 = arith.constant 0 : i32
      %dma_start3A_87 = arith.constant 0 : i32
      %dma_start3A_88 = tpu.memref_slice %arg8[%dma_start3A_86, %dma_start3A_87] : memref<2x128xi32, #tpu.memory_space<vmem>> -> memref<1x128xi32, #tpu.memory_space<vmem>>
      %dma_start3A_89 = tpu.memref_squeeze %dma_start3A_88 : memref<1x128xi32, #tpu.memory_space<vmem>> -> memref<128xi32, #tpu.memory_space<vmem>>
      %dma_start3A_90 = arith.constant 0 : i32
      %dma_start3A_91 = arith.constant 0 : i32
      %dma_start3A_92 = tpu.memref_slice %arg11[%dma_start3A_90, %dma_start3A_91] : memref<10112x128xf32, #tpu.memory_space<vmem_shared>> -> memref<10112x128xf32, #tpu.memory_space<vmem_shared>>
      tpu.enqueue_indirect_dma source(%arg9 : memref<128x128xf32, #tpu.memory_space<vmem>>) target(%dma_start3A_92 : memref<10112x128xf32, #tpu.memory_space<vmem_shared>>) offsets(%dma_start3A_89 : memref<128xi32, #tpu.memory_space<vmem>>) semaphore(%arg14 : memref<!tpu.dma_semaphore, #tpu.memory_space<semaphore_mem>>) {add = true}
      %add3A_93 = arith.constant 1 : i32
      %add3A_94 = arith.addi %add3A_52, %add3A_93 : i32
      %ge3A_95 = arith.constant 1 : i32
      %ge3A_96 = arith.cmpi sge, %add3A_94, %ge3A_95 : i32
      %convert_element_type3A_97 = arith.extui %ge3A_96 : i1 to i32
      %cond3A_98 = arith.constant 0 : i32
      %cond3A_99 = arith.cmpi ne, %convert_element_type3A_97, %cond3A_98 : i32
      scf.if %cond3A_99 {
        %dma_wait3A_137 = arith.constant 0 : i32
        %dma_wait3A_138 = arith.constant 0 : i32
        %dma_wait3A_139 = tpu.memref_slice %arg8[%dma_wait3A_137, %dma_wait3A_138] : memref<2x128xi32, #tpu.memory_space<vmem>> -> memref<1x128xi32, #tpu.memory_space<vmem>>
        %dma_wait3A_140 = tpu.memref_squeeze %dma_wait3A_139 : memref<1x128xi32, #tpu.memory_space<vmem>> -> memref<128xi32, #tpu.memory_space<vmem>>
        %dma_wait3A_141 = arith.constant 0 : i32
        %dma_wait3A_142 = arith.constant 0 : i32
        %dma_wait3A_143 = tpu.memref_slice %arg11[%dma_wait3A_141, %dma_wait3A_142] : memref<10112x128xf32, #tpu.memory_space<vmem_shared>> -> memref<10112x128xf32, #tpu.memory_space<vmem_shared>>
        tpu.wait_indirect_dma semaphore(%arg14 : memref<!tpu.dma_semaphore, #tpu.memory_space<semaphore_mem>>) src(%arg9 : memref<128x128xf32, #tpu.memory_space<vmem>>) dst(%dma_wait3A_143 : memref<10112x128xf32, #tpu.memory_space<vmem_shared>>)
      } else {
      }
      %add3A_100 = arith.constant 1 : i32
      %add3A_101 = arith.addi %add3A_94, %add3A_100 : i32
      %lt3A_102 = arith.cmpi slt, %add3A_101, %select_n3A : i32
      %convert_element_type3A_103 = arith.extui %lt3A_102 : i1 to i32
      %cond3A_104 = arith.constant 0 : i32
      %cond3A_105 = arith.cmpi ne, %convert_element_type3A_103, %cond3A_104 : i32
      scf.if %cond3A_105 {
        %add3A_137 = arith.constant 1 : i32
        %add3A_138 = arith.addi %add3A_94, %add3A_137 : i32
        %dma_start3A_139 = arith.constant 0 : i32
        %dma_start3A_140 = arith.constant 0 : i32
        %dma_start3A_141 = tpu.memref_slice %arg8[%dma_start3A_139, %dma_start3A_140] : memref<2x128xi32, #tpu.memory_space<vmem>> -> memref<1x128xi32, #tpu.memory_space<vmem>>
        %dma_start3A_142 = tpu.memref_squeeze %dma_start3A_141 : memref<1x128xi32, #tpu.memory_space<vmem>> -> memref<128xi32, #tpu.memory_space<vmem>>
        %dma_start3A_143 = arith.constant 0 : i32
        %dma_start3A_144 = tpu.memref_slice %arg5[%add3A, %add3A_138, %dma_start3A_143] : memref<32x128x128xi32, #tpu.memory_space<hbm>> -> memref<1x1x128xi32, #tpu.memory_space<hbm>>
        %dma_start3A_145 = tpu.memref_squeeze %dma_start3A_144 : memref<1x1x128xi32, #tpu.memory_space<hbm>> -> memref<128xi32, #tpu.memory_space<hbm>>
        %dma_start3A_146 = arith.constant 0 : i32
        %dma_start3A_147 = tpu.memref_slice %arg8[%dma_start3A_139, %dma_start3A_146] : memref<2x128xi32, #tpu.memory_space<vmem>> -> memref<1x128xi32, #tpu.memory_space<vmem>>
        %dma_start3A_148 = tpu.memref_squeeze %dma_start3A_147 : memref<1x128xi32, #tpu.memory_space<vmem>> -> memref<128xi32, #tpu.memory_space<vmem>>
        %dma_start3A_149 = arith.constant 0 : i32
        %dma_start3A_150 = tpu.memref_slice %arg5[%add3A, %add3A_138, %dma_start3A_149] : memref<32x128x128xi32, #tpu.memory_space<hbm>> -> memref<1x1x128xi32, #tpu.memory_space<hbm>>
        %dma_start3A_151 = tpu.memref_squeeze %dma_start3A_150 : memref<1x1x128xi32, #tpu.memory_space<hbm>> -> memref<128xi32, #tpu.memory_space<hbm>>
        tpu.enqueue_dma source(%dma_start3A_151 : memref<128xi32, #tpu.memory_space<hbm>>) target(%dma_start3A_148 : memref<128xi32, #tpu.memory_space<vmem>>) target_semaphore(%arg16 : memref<!tpu.dma_semaphore, #tpu.memory_space<semaphore_mem>>)
        %add3A_152 = arith.constant 1 : i32
        %add3A_153 = arith.addi %add3A_94, %add3A_152 : i32
        %mul3A_154 = arith.constant 128 : i32
        %mul3A_155 = arith.muli %add3A_153, %mul3A_154 : i32
        %multiple_of3A_156 = tpu.assume_multiple %mul3A_155, 8 : i32
        %dma_start3A_157 = tpu.memref_slice %arg7[%multiple_of3A_156] : memref<16384xi32, #tpu.memory_space<vmem>> -> memref<128xi32, #tpu.memory_space<vmem>>
        %dma_start3A_158 = arith.constant 0 : i32
        %dma_start3A_159 = arith.constant 0 : i32
        %dma_start3A_160 = tpu.memref_slice %arg2[%arg0, %dma_start3A_158, %dma_start3A_159] : memref<2x10112x128xf32, #tpu.memory_space<hbm>> -> memref<1x10112x128xf32, #tpu.memory_space<hbm>>
        %dma_start3A_161 = tpu.memref_squeeze %dma_start3A_160 : memref<1x10112x128xf32, #tpu.memory_space<hbm>> -> memref<10112x128xf32, #tpu.memory_space<hbm>>
        %dma_start3A_162 = arith.constant 0 : i32
        %dma_start3A_163 = arith.constant 0 : i32
        %dma_start3A_164 = tpu.memref_slice %dma_start3A_161[%dma_start3A_162, %dma_start3A_163] : memref<10112x128xf32, #tpu.memory_space<hbm>> -> memref<10112x128xf32, #tpu.memory_space<hbm>>
        tpu.enqueue_indirect_dma source(%dma_start3A_164 : memref<10112x128xf32, #tpu.memory_space<hbm>>) target(%arg9 : memref<128x128xf32, #tpu.memory_space<vmem>>) offsets(%dma_start3A_157 : memref<128xi32, #tpu.memory_space<vmem>>) semaphore(%arg12 : memref<!tpu.dma_semaphore, #tpu.memory_space<semaphore_mem>>)
      } else {
      }
      %mul3A_106 = arith.constant 128 : i32
      %mul3A_107 = arith.muli %add3A_94, %mul3A_106 : i32
      %multiple_of3A_108 = tpu.assume_multiple %mul3A_107, 8 : i32
      %dma_wait3A_109 = tpu.memref_slice %arg7[%multiple_of3A_108] : memref<16384xi32, #tpu.memory_space<vmem>> -> memref<128xi32, #tpu.memory_space<vmem>>
      %dma_wait3A_110 = arith.constant 0 : i32
      %dma_wait3A_111 = arith.constant 0 : i32
      %dma_wait3A_112 = tpu.memref_slice %arg2[%arg0, %dma_wait3A_110, %dma_wait3A_111] : memref<2x10112x128xf32, #tpu.memory_space<hbm>> -> memref<1x10112x128xf32, #tpu.memory_space<hbm>>
      %dma_wait3A_113 = tpu.memref_squeeze %dma_wait3A_112 : memref<1x10112x128xf32, #tpu.memory_space<hbm>> -> memref<10112x128xf32, #tpu.memory_space<hbm>>
      %dma_wait3A_114 = arith.constant 0 : i32
      %dma_wait3A_115 = arith.constant 0 : i32
      %dma_wait3A_116 = tpu.memref_slice %dma_wait3A_113[%dma_wait3A_114, %dma_wait3A_115] : memref<10112x128xf32, #tpu.memory_space<hbm>> -> memref<10112x128xf32, #tpu.memory_space<hbm>>
      tpu.wait_indirect_dma semaphore(%arg13 : memref<!tpu.dma_semaphore, #tpu.memory_space<semaphore_mem>>) src(%dma_wait3A_116 : memref<10112x128xf32, #tpu.memory_space<hbm>>) dst(%arg10 : memref<128x128xf32, #tpu.memory_space<vmem>>)
      %dma_wait3A_117 = arith.constant 1 : i32
      %dma_wait3A_118 = arith.constant 0 : i32
      %dma_wait3A_119 = tpu.memref_slice %arg8[%dma_wait3A_117, %dma_wait3A_118] : memref<2x128xi32, #tpu.memory_space<vmem>> -> memref<1x128xi32, #tpu.memory_space<vmem>>
      %dma_wait3A_120 = tpu.memref_squeeze %dma_wait3A_119 : memref<1x128xi32, #tpu.memory_space<vmem>> -> memref<128xi32, #tpu.memory_space<vmem>>
      %dma_wait3A_121 = arith.constant 0 : i32
      %dma_wait3A_122 = tpu.memref_slice %arg5[%add3A, %add3A_94, %dma_wait3A_121] : memref<32x128x128xi32, #tpu.memory_space<hbm>> -> memref<1x1x128xi32, #tpu.memory_space<hbm>>
      %dma_wait3A_123 = tpu.memref_squeeze %dma_wait3A_122 : memref<1x1x128xi32, #tpu.memory_space<hbm>> -> memref<128xi32, #tpu.memory_space<hbm>>
      %dma_wait3A_124 = arith.constant 0 : i32
      %dma_wait3A_125 = tpu.memref_slice %arg8[%dma_wait3A_117, %dma_wait3A_124] : memref<2x128xi32, #tpu.memory_space<vmem>> -> memref<1x128xi32, #tpu.memory_space<vmem>>
      %dma_wait3A_126 = tpu.memref_squeeze %dma_wait3A_125 : memref<1x128xi32, #tpu.memory_space<vmem>> -> memref<128xi32, #tpu.memory_space<vmem>>
      %dma_wait3A_127 = arith.constant 0 : i32
      %dma_wait3A_128 = tpu.memref_slice %arg5[%add3A, %add3A_94, %dma_wait3A_127] : memref<32x128x128xi32, #tpu.memory_space<hbm>> -> memref<1x1x128xi32, #tpu.memory_space<hbm>>
      %dma_wait3A_129 = tpu.memref_squeeze %dma_wait3A_128 : memref<1x1x128xi32, #tpu.memory_space<hbm>> -> memref<128xi32, #tpu.memory_space<hbm>>
      tpu.wait_dma2 semaphore(%arg17 : memref<!tpu.dma_semaphore, #tpu.memory_space<semaphore_mem>>) src(%dma_wait3A_129 : memref<128xi32, #tpu.memory_space<hbm>>) dst(%dma_wait3A_126 : memref<128xi32, #tpu.memory_space<vmem>>)
      %dma_start3A_130 = arith.constant 1 : i32
      %dma_start3A_131 = arith.constant 0 : i32
      %dma_start3A_132 = tpu.memref_slice %arg8[%dma_start3A_130, %dma_start3A_131] : memref<2x128xi32, #tpu.memory_space<vmem>> -> memref<1x128xi32, #tpu.memory_space<vmem>>
      %dma_start3A_133 = tpu.memref_squeeze %dma_start3A_132 : memref<1x128xi32, #tpu.memory_space<vmem>> -> memref<128xi32, #tpu.memory_space<vmem>>
      %dma_start3A_134 = arith.constant 0 : i32
      %dma_start3A_135 = arith.constant 0 : i32
      %dma_start3A_136 = tpu.memref_slice %arg11[%dma_start3A_134, %dma_start3A_135] : memref<10112x128xf32, #tpu.memory_space<vmem_shared>> -> memref<10112x128xf32, #tpu.memory_space<vmem_shared>>
      tpu.enqueue_indirect_dma source(%arg10 : memref<128x128xf32, #tpu.memory_space<vmem>>) target(%dma_start3A_136 : memref<10112x128xf32, #tpu.memory_space<vmem_shared>>) offsets(%dma_start3A_133 : memref<128xi32, #tpu.memory_space<vmem>>) semaphore(%arg15 : memref<!tpu.dma_semaphore, #tpu.memory_space<semaphore_mem>>) {add = true}
    }
    %dma_wait3A = arith.constant 1 : i32
    %dma_wait3A_43 = arith.constant 0 : i32
    %dma_wait3A_44 = tpu.memref_slice %arg8[%dma_wait3A, %dma_wait3A_43] : memref<2x128xi32, #tpu.memory_space<vmem>> -> memref<1x128xi32, #tpu.memory_space<vmem>>
    %dma_wait3A_45 = tpu.memref_squeeze %dma_wait3A_44 : memref<1x128xi32, #tpu.memory_space<vmem>> -> memref<128xi32, #tpu.memory_space<vmem>>
    %dma_wait3A_46 = arith.constant 0 : i32
    %dma_wait3A_47 = arith.constant 0 : i32
    %dma_wait3A_48 = tpu.memref_slice %arg11[%dma_wait3A_46, %dma_wait3A_47] : memref<10112x128xf32, #tpu.memory_space<vmem_shared>> -> memref<10112x128xf32, #tpu.memory_space<vmem_shared>>
    tpu.wait_indirect_dma semaphore(%arg15 : memref<!tpu.dma_semaphore, #tpu.memory_space<semaphore_mem>>) src(%arg10 : memref<128x128xf32, #tpu.memory_space<vmem>>) dst(%dma_wait3A_48 : memref<10112x128xf32, #tpu.memory_space<vmem_shared>>)
    %barrier3A_49 = arith.constant 0 : index
    tpu.barrier barrier_id(%barrier3A_49)
    "tpu.region"() ({
      %run_scoped3A = tpu.sem_alloc : memref<!tpu.dma_semaphore, #tpu.memory_space<semaphore_mem>>
      %dma_start3A_50 = arith.constant 0 : i32
      %dma_start3A_51 = tpu.memref_slice %arg6[%arg0, %mul3A_2, %dma_start3A_50] : memref<2x10112x128xf32, #tpu.memory_space<hbm>> -> memref<1x632x128xf32, #tpu.memory_space<hbm>>
      %dma_start3A_52 = tpu.memref_squeeze %dma_start3A_51 : memref<1x632x128xf32, #tpu.memory_space<hbm>> -> memref<632x128xf32, #tpu.memory_space<hbm>>
      %dma_start3A_53 = arith.constant 0 : i32
      %dma_start3A_54 = tpu.memref_slice %arg11[%mul3A_2, %dma_start3A_53] : memref<10112x128xf32, #tpu.memory_space<vmem_shared>> -> memref<632x128xf32, #tpu.memory_space<vmem_shared>>
      tpu.enqueue_dma source(%dma_start3A_54 : memref<632x128xf32, #tpu.memory_space<vmem_shared>>) target(%dma_start3A_52 : memref<632x128xf32, #tpu.memory_space<hbm>>) target_semaphore(%run_scoped3A : memref<!tpu.dma_semaphore, #tpu.memory_space<semaphore_mem>>)
      %dma_wait3A_55 = arith.constant 0 : i32
      %dma_wait3A_56 = tpu.memref_slice %arg6[%arg0, %mul3A_2, %dma_wait3A_55] : memref<2x10112x128xf32, #tpu.memory_space<hbm>> -> memref<1x632x128xf32, #tpu.memory_space<hbm>>
      %dma_wait3A_57 = tpu.memref_squeeze %dma_wait3A_56 : memref<1x632x128xf32, #tpu.memory_space<hbm>> -> memref<632x128xf32, #tpu.memory_space<hbm>>
      %dma_wait3A_58 = arith.constant 0 : i32
      %dma_wait3A_59 = tpu.memref_slice %arg11[%mul3A_2, %dma_wait3A_58] : memref<10112x128xf32, #tpu.memory_space<vmem_shared>> -> memref<632x128xf32, #tpu.memory_space<vmem_shared>>
      tpu.wait_dma2 semaphore(%run_scoped3A : memref<!tpu.dma_semaphore, #tpu.memory_space<semaphore_mem>>) src(%dma_wait3A_59 : memref<632x128xf32, #tpu.memory_space<vmem_shared>>) dst(%dma_wait3A_57 : memref<632x128xf32, #tpu.memory_space<hbm>>)
      tpu.yield
    }) : () -> ()
    return
  }
}

module attributes {stable_mosaic.version = 14 : i64} {
  func.func @_mlp_kernel(%arg0: i32, %arg1: memref<1264x128xf32, #tpu.memory_space<vmem>>, %arg2: memref<2x1264x128xf32, #tpu.memory_space<vmem>>, %arg3: memref<128x128xf32, #tpu.memory_space<vmem>>, %arg4: memref<1x128xf32, #tpu.memory_space<vmem>>, %arg5: memref<1x1xf32, #tpu.memory_space<vmem>>, %arg6: memref<1x128xf32, #tpu.memory_space<vmem>>, %arg7: memref<1x128xf32, #tpu.memory_space<vmem>>, %arg8: memref<128x128xf32, #tpu.memory_space<vmem>>, %arg9: memref<1x128xf32, #tpu.memory_space<vmem>>, %arg10: memref<1x1xf32, #tpu.memory_space<vmem>>, %arg11: memref<1264x128xf32, #tpu.memory_space<vmem>>) attributes {dimension_semantics = [#tpu.dimension_semantics<arbitrary>], iteration_bounds = array<i64: 8>, scalar_prefetch = 0 : i64, scratch_operands = 0 : i64, tpu.core_type = #tpu.core_type<tc>, window_params = [{transform_indices = @transform_0, window_bounds = array<i64: 1264, 128>}, {transform_indices = @transform_1, window_bounds = array<i64: 2, 1264, 128>}, {pipeline_mode = #tpu.pipeline_mode<synchronous>, transform_indices = @transform_2, window_bounds = array<i64: 128, 128>}, {pipeline_mode = #tpu.pipeline_mode<synchronous>, transform_indices = @transform_3, window_bounds = array<i64: 1, 128>}, {pipeline_mode = #tpu.pipeline_mode<synchronous>, transform_indices = @transform_4, window_bounds = array<i64: 1, 1>}, {pipeline_mode = #tpu.pipeline_mode<synchronous>, transform_indices = @transform_5, window_bounds = array<i64: 1, 128>}, {pipeline_mode = #tpu.pipeline_mode<synchronous>, transform_indices = @transform_6, window_bounds = array<i64: 1, 128>}, {pipeline_mode = #tpu.pipeline_mode<synchronous>, transform_indices = @transform_7, window_bounds = array<i64: 128, 128>}, {pipeline_mode = #tpu.pipeline_mode<synchronous>, transform_indices = @transform_8, window_bounds = array<i64: 1, 128>}, {pipeline_mode = #tpu.pipeline_mode<synchronous>, transform_indices = @transform_9, window_bounds = array<i64: 1, 1>}, {transform_indices = @transform_10, window_bounds = array<i64: 1264, 128>}]} {
    %get3A = arith.constant 0 : index
    %get3A_0 = arith.constant 0 : index
    %get3A_1 = vector.load %arg1[%get3A, %get3A_0] : memref<1264x128xf32, #tpu.memory_space<vmem>>, vector<1264x128xf32>
    %get3A_2 = arith.constant 0 : index
    %get3A_3 = arith.constant 0 : index
    %get3A_4 = arith.constant 0 : index
    %get3A_5 = vector.load %arg2[%get3A_2, %get3A_3, %get3A_4] : memref<2x1264x128xf32, #tpu.memory_space<vmem>>, vector<1x1264x128xf32>
    %get3A_6 = vector.shape_cast %get3A_5 : vector<1x1264x128xf32> to vector<1264x128xf32>
    %add3A = arith.addf %get3A_1, %get3A_6 : vector<1264x128xf32>
    %get3A_7 = arith.constant 1 : index
    %get3A_8 = arith.constant 0 : index
    %get3A_9 = arith.constant 0 : index
    %get3A_10 = vector.load %arg2[%get3A_7, %get3A_8, %get3A_9] : memref<2x1264x128xf32, #tpu.memory_space<vmem>>, vector<1x1264x128xf32>
    %get3A_11 = vector.shape_cast %get3A_10 : vector<1x1264x128xf32> to vector<1264x128xf32>
    %add3A_12 = arith.addf %add3A, %get3A_11 : vector<1264x128xf32>
    %get3A_13 = arith.constant 0 : index
    %get3A_14 = arith.constant 0 : index
    %get3A_15 = vector.load %arg3[%get3A_13, %get3A_14] : memref<128x128xf32, #tpu.memory_space<vmem>>, vector<128x128xf32>
    %get3A_16 = arith.constant 0 : index
    %get3A_17 = arith.constant 0 : index
    %get3A_18 = vector.load %arg4[%get3A_16, %get3A_17] : memref<1x128xf32, #tpu.memory_space<vmem>>, vector<1x128xf32>
    %get3A_19 = arith.constant 0 : index
    %get3A_20 = arith.constant 0 : index
    %get3A_21 = vector.load %arg5[%get3A_19, %get3A_20] : memref<1x1xf32, #tpu.memory_space<vmem>>, vector<1x1xf32>
    %get3A_22 = vector.extract %get3A_21[0, 0] : f32 from vector<1x1xf32>
    %get3A_23 = arith.constant 0 : index
    %get3A_24 = arith.constant 0 : index
    %get3A_25 = vector.load %arg6[%get3A_23, %get3A_24] : memref<1x128xf32, #tpu.memory_space<vmem>>, vector<1x128xf32>
    %get3A_26 = arith.constant 0 : index
    %get3A_27 = arith.constant 0 : index
    %get3A_28 = vector.load %arg7[%get3A_26, %get3A_27] : memref<1x128xf32, #tpu.memory_space<vmem>>, vector<1x128xf32>
    %get3A_29 = arith.constant 0 : index
    %get3A_30 = arith.constant 0 : index
    %get3A_31 = vector.load %arg8[%get3A_29, %get3A_30] : memref<128x128xf32, #tpu.memory_space<vmem>>, vector<128x128xf32>
    %get3A_32 = arith.constant 0 : index
    %get3A_33 = arith.constant 0 : index
    %get3A_34 = vector.load %arg9[%get3A_32, %get3A_33] : memref<1x128xf32, #tpu.memory_space<vmem>>, vector<1x128xf32>
    %get3A_35 = arith.constant 0 : index
    %get3A_36 = arith.constant 0 : index
    %get3A_37 = vector.load %arg10[%get3A_35, %get3A_36] : memref<1x1xf32, #tpu.memory_space<vmem>>, vector<1x1xf32>
    %get3A_38 = vector.extract %get3A_37[0, 0] : f32 from vector<1x1xf32>
    %dot_general3A = arith.constant dense<0.000000e+00> : vector<1264x128xf32>
    %dot_general3A_39 = tpu.matmul %add3A_12, %get3A_15, %dot_general3A {dimension_numbers = #tpu.dot_dimension_numbers<[1], [0], [0], [1], [0, 0, 1, 1], [], []>, transpose_lhs_hint = false} : vector<1264x128xf32>, vector<128x128xf32>, vector<1264x128xf32> -> vector<1264x128xf32>
    %add3A_40 = vector.broadcast %get3A_18 : vector<1x128xf32> to vector<1264x128xf32>
    %add3A_41 = arith.addf %dot_general3A_39, %add3A_40 : vector<1264x128xf32>
    %ge3A = arith.constant 0.000000e+00 : f32
    %ge3A_42 = vector.broadcast %ge3A : f32 to vector<1264x128xf32>
    %ge3A_43 = arith.cmpf oge, %add3A_41, %ge3A_42 : vector<1264x128xf32>
    %mul3A = vector.broadcast %get3A_22 : f32 to vector<1264x128xf32>
    %mul3A_44 = arith.mulf %mul3A, %add3A_41 : vector<1264x128xf32>
    %select_n3A = arith.select %ge3A_43, %add3A_41, %mul3A_44 : vector<1264x128xi1>, vector<1264x128xf32>
    %mul3A_45 = vector.broadcast %get3A_25 : vector<1x128xf32> to vector<1264x128xf32>
    %mul3A_46 = arith.mulf %select_n3A, %mul3A_45 : vector<1264x128xf32>
    %add3A_47 = vector.broadcast %get3A_28 : vector<1x128xf32> to vector<1264x128xf32>
    %add3A_48 = arith.addf %mul3A_46, %add3A_47 : vector<1264x128xf32>
    %dot_general3A_49 = arith.constant dense<0.000000e+00> : vector<1264x128xf32>
    %dot_general3A_50 = tpu.matmul %add3A_48, %get3A_31, %dot_general3A_49 {dimension_numbers = #tpu.dot_dimension_numbers<[1], [0], [0], [1], [0, 0, 1, 1], [], []>, transpose_lhs_hint = false} : vector<1264x128xf32>, vector<128x128xf32>, vector<1264x128xf32> -> vector<1264x128xf32>
    %add3A_51 = vector.broadcast %get3A_34 : vector<1x128xf32> to vector<1264x128xf32>
    %add3A_52 = arith.addf %dot_general3A_50, %add3A_51 : vector<1264x128xf32>
    %ge3A_53 = arith.constant 0.000000e+00 : f32
    %ge3A_54 = vector.broadcast %ge3A_53 : f32 to vector<1264x128xf32>
    %ge3A_55 = arith.cmpf oge, %add3A_52, %ge3A_54 : vector<1264x128xf32>
    %mul3A_56 = vector.broadcast %get3A_38 : f32 to vector<1264x128xf32>
    %mul3A_57 = arith.mulf %mul3A_56, %add3A_52 : vector<1264x128xf32>
    %select_n3A_58 = arith.select %ge3A_55, %add3A_52, %mul3A_57 : vector<1264x128xi1>, vector<1264x128xf32>
    %max3A = arith.constant 0.000000e+00 : f32
    %max3A_59 = vector.broadcast %max3A : f32 to vector<1264x128xf32>
    %max3A_60 = arith.maximumf %select_n3A_58, %max3A_59 : vector<1264x128xf32>
    %swap3A = arith.constant 0 : index
    %swap3A_61 = arith.constant 0 : index
    %swap3A_62 = vector.load %arg11[%swap3A, %swap3A_61] : memref<1264x128xf32, #tpu.memory_space<vmem>>, vector<1264x128xf32>
    tpu.vector_store %arg11[%swap3A, %swap3A_61], %max3A_60 {strides = array<i32>} : memref<1264x128xf32, #tpu.memory_space<vmem>>, vector<1264x128xf32>,
    return
  }
  func.func @transform_0(%arg0: i32) -> (i32, i32) {
    %c0_i32 = arith.constant 0 : i32
    %c0_i32_0 = arith.constant 0 : i32
    return %arg0, %c0_i32 : i32, i32
  }
  func.func @transform_1(%arg0: i32) -> (i32, i32, i32) {
    %c0_i32 = arith.constant 0 : i32
    %c0_i32_0 = arith.constant 0 : i32
    %c0_i32_1 = arith.constant 0 : i32
    return %c0_i32, %arg0, %c0_i32_0 : i32, i32, i32
  }
  func.func @transform_2(%arg0: i32) -> (i32, i32) {
    %c0_i32 = arith.constant 0 : i32
    %c0_i32_0 = arith.constant 0 : i32
    %c0_i32_1 = arith.constant 0 : i32
    return %c0_i32, %c0_i32_0 : i32, i32
  }
  func.func @transform_3(%arg0: i32) -> (i32, i32) {
    %c0_i32 = arith.constant 0 : i32
    %c0_i32_0 = arith.constant 0 : i32
    %c0_i32_1 = arith.constant 0 : i32
    return %c0_i32, %c0_i32_0 : i32, i32
  }
  func.func @transform_4(%arg0: i32) -> (i32, i32) {
    %c0_i32 = arith.constant 0 : i32
    %c0_i32_0 = arith.constant 0 : i32
    %c0_i32_1 = arith.constant 0 : i32
    return %c0_i32, %c0_i32_0 : i32, i32
  }
  func.func @transform_5(%arg0: i32) -> (i32, i32) {
    %c0_i32 = arith.constant 0 : i32
    %c0_i32_0 = arith.constant 0 : i32
    %c0_i32_1 = arith.constant 0 : i32
    return %c0_i32, %c0_i32_0 : i32, i32
  }
  func.func @transform_6(%arg0: i32) -> (i32, i32) {
    %c0_i32 = arith.constant 0 : i32
    %c0_i32_0 = arith.constant 0 : i32
    %c0_i32_1 = arith.constant 0 : i32
    return %c0_i32, %c0_i32_0 : i32, i32
  }
  func.func @transform_7(%arg0: i32) -> (i32, i32) {
    %c0_i32 = arith.constant 0 : i32
    %c0_i32_0 = arith.constant 0 : i32
    %c0_i32_1 = arith.constant 0 : i32
    return %c0_i32, %c0_i32_0 : i32, i32
  }
  func.func @transform_8(%arg0: i32) -> (i32, i32) {
    %c0_i32 = arith.constant 0 : i32
    %c0_i32_0 = arith.constant 0 : i32
    %c0_i32_1 = arith.constant 0 : i32
    return %c0_i32, %c0_i32_0 : i32, i32
  }
  func.func @transform_9(%arg0: i32) -> (i32, i32) {
    %c0_i32 = arith.constant 0 : i32
    %c0_i32_0 = arith.constant 0 : i32
    %c0_i32_1 = arith.constant 0 : i32
    return %c0_i32, %c0_i32_0 : i32, i32
  }
  func.func @transform_10(%arg0: i32) -> (i32, i32) {
    %c0_i32 = arith.constant 0 : i32
    %c0_i32_0 = arith.constant 0 : i32
    return %arg0, %c0_i32 : i32, i32
  }
}

module attributes {stable_mosaic.version = 14 : i64} {
  func.func @_final_kernel(%arg0: i32, %arg1: memref<1264x128xf32, #tpu.memory_space<vmem>>, %arg2: memref<2x1264x128xf32, #tpu.memory_space<vmem>>, %arg3: memref<128x128xf32, #tpu.memory_space<vmem>>, %arg4: memref<1x128xf32, #tpu.memory_space<vmem>>, %arg5: memref<1x1xf32, #tpu.memory_space<vmem>>, %arg6: memref<1x128xf32, #tpu.memory_space<vmem>>, %arg7: memref<1x128xf32, #tpu.memory_space<vmem>>, %arg8: memref<128x128xf32, #tpu.memory_space<vmem>>, %arg9: memref<1x128xf32, #tpu.memory_space<vmem>>, %arg10: memref<1x1xf32, #tpu.memory_space<vmem>>, %arg11: memref<1x1x1264xi32, #tpu.memory_space<vmem>>, %arg12: memref<256x384xf32, #tpu.memory_space<vmem>>, %arg13: memref<384x128xf32, #tpu.memory_space<vmem>>, %arg14: memref<256x128xf32, #tpu.memory_space<vmem>>, %arg15: memref<128x128xf32, #tpu.memory_space<vmem>>, %arg16: memref<128x128xf32, #tpu.memory_space<vmem>>, %arg17: memref<1x128xf32, #tpu.memory_space<vmem>>, %arg18: memref<128x128xf32, #tpu.memory_space<vmem>>, %arg19: memref<1x128xf32, #tpu.memory_space<vmem>>, %arg20: memref<256x128xf32, #tpu.memory_space<vmem>>, %arg21: memref<256x128xf32, #tpu.memory_space<vmem>>, %arg22: memref<256x128xf32, #tpu.memory_space<vmem>>, %arg23: memref<256x128xf32, #tpu.memory_space<vmem>>) attributes {dimension_semantics = [#tpu.dimension_semantics<arbitrary>], iteration_bounds = array<i64: 8>, scalar_prefetch = 0 : i64, scratch_operands = 2 : i64, tpu.core_type = #tpu.core_type<tc>, window_params = [{transform_indices = @transform_0, window_bounds = array<i64: 1264, 128>}, {transform_indices = @transform_1, window_bounds = array<i64: 2, 1264, 128>}, {pipeline_mode = #tpu.pipeline_mode<synchronous>, transform_indices = @transform_2, window_bounds = array<i64: 128, 128>}, {pipeline_mode = #tpu.pipeline_mode<synchronous>, transform_indices = @transform_3, window_bounds = array<i64: 1, 128>}, {pipeline_mode = #tpu.pipeline_mode<synchronous>, transform_indices = @transform_4, window_bounds = array<i64: 1, 1>}, {pipeline_mode = #tpu.pipeline_mode<synchronous>, transform_indices = @transform_5, window_bounds = array<i64: 1, 128>}, {pipeline_mode = #tpu.pipeline_mode<synchronous>, transform_indices = @transform_6, window_bounds = array<i64: 1, 128>}, {pipeline_mode = #tpu.pipeline_mode<synchronous>, transform_indices = @transform_7, window_bounds = array<i64: 128, 128>}, {pipeline_mode = #tpu.pipeline_mode<synchronous>, transform_indices = @transform_8, window_bounds = array<i64: 1, 128>}, {pipeline_mode = #tpu.pipeline_mode<synchronous>, transform_indices = @transform_9, window_bounds = array<i64: 1, 1>}, {transform_indices = @transform_10, window_bounds = array<i64: 1, 1, 1264>}, {transform_indices = @transform_11, window_bounds = array<i64: 256, 384>}, {transform_indices = @transform_12, window_bounds = array<i64: 384, 128>}, {pipeline_mode = #tpu.pipeline_mode<synchronous>, transform_indices = @transform_13, window_bounds = array<i64: 256, 128>}, {pipeline_mode = #tpu.pipeline_mode<synchronous>, transform_indices = @transform_14, window_bounds = array<i64: 128, 128>}, {pipeline_mode = #tpu.pipeline_mode<synchronous>, transform_indices = @transform_15, window_bounds = array<i64: 128, 128>}, {pipeline_mode = #tpu.pipeline_mode<synchronous>, transform_indices = @transform_16, window_bounds = array<i64: 1, 128>}, {pipeline_mode = #tpu.pipeline_mode<synchronous>, transform_indices = @transform_17, window_bounds = array<i64: 128, 128>}, {pipeline_mode = #tpu.pipeline_mode<synchronous>, transform_indices = @transform_18, window_bounds = array<i64: 1, 128>}, {pipeline_mode = #tpu.pipeline_mode<synchronous>, transform_indices = @transform_19, window_bounds = array<i64: 256, 128>}, {pipeline_mode = #tpu.pipeline_mode<synchronous>, transform_indices = @transform_20, window_bounds = array<i64: 256, 128>}]} {
    %get3A = arith.constant 0 : index
    %get3A_0 = arith.constant 0 : index
    %get3A_1 = vector.load %arg1[%get3A, %get3A_0] : memref<1264x128xf32, #tpu.memory_space<vmem>>, vector<1264x128xf32>
    %get3A_2 = arith.constant 0 : index
    %get3A_3 = arith.constant 0 : index
    %get3A_4 = arith.constant 0 : index
    %get3A_5 = vector.load %arg2[%get3A_2, %get3A_3, %get3A_4] : memref<2x1264x128xf32, #tpu.memory_space<vmem>>, vector<1x1264x128xf32>
    %get3A_6 = vector.shape_cast %get3A_5 : vector<1x1264x128xf32> to vector<1264x128xf32>
    %add3A = arith.addf %get3A_1, %get3A_6 : vector<1264x128xf32>
    %get3A_7 = arith.constant 1 : index
    %get3A_8 = arith.constant 0 : index
    %get3A_9 = arith.constant 0 : index
    %get3A_10 = vector.load %arg2[%get3A_7, %get3A_8, %get3A_9] : memref<2x1264x128xf32, #tpu.memory_space<vmem>>, vector<1x1264x128xf32>
    %get3A_11 = vector.shape_cast %get3A_10 : vector<1x1264x128xf32> to vector<1264x128xf32>
    %add3A_12 = arith.addf %add3A, %get3A_11 : vector<1264x128xf32>
    %get3A_13 = arith.constant 0 : index
    %get3A_14 = arith.constant 0 : index
    %get3A_15 = vector.load %arg3[%get3A_13, %get3A_14] : memref<128x128xf32, #tpu.memory_space<vmem>>, vector<128x128xf32>
    %get3A_16 = arith.constant 0 : index
    %get3A_17 = arith.constant 0 : index
    %get3A_18 = vector.load %arg4[%get3A_16, %get3A_17] : memref<1x128xf32, #tpu.memory_space<vmem>>, vector<1x128xf32>
    %get3A_19 = arith.constant 0 : index
    %get3A_20 = arith.constant 0 : index
    %get3A_21 = vector.load %arg5[%get3A_19, %get3A_20] : memref<1x1xf32, #tpu.memory_space<vmem>>, vector<1x1xf32>
    %get3A_22 = vector.extract %get3A_21[0, 0] : f32 from vector<1x1xf32>
    %get3A_23 = arith.constant 0 : index
    %get3A_24 = arith.constant 0 : index
    %get3A_25 = vector.load %arg6[%get3A_23, %get3A_24] : memref<1x128xf32, #tpu.memory_space<vmem>>, vector<1x128xf32>
    %get3A_26 = arith.constant 0 : index
    %get3A_27 = arith.constant 0 : index
    %get3A_28 = vector.load %arg7[%get3A_26, %get3A_27] : memref<1x128xf32, #tpu.memory_space<vmem>>, vector<1x128xf32>
    %get3A_29 = arith.constant 0 : index
    %get3A_30 = arith.constant 0 : index
    %get3A_31 = vector.load %arg8[%get3A_29, %get3A_30] : memref<128x128xf32, #tpu.memory_space<vmem>>, vector<128x128xf32>
    %get3A_32 = arith.constant 0 : index
    %get3A_33 = arith.constant 0 : index
    %get3A_34 = vector.load %arg9[%get3A_32, %get3A_33] : memref<1x128xf32, #tpu.memory_space<vmem>>, vector<1x128xf32>
    %get3A_35 = arith.constant 0 : index
    %get3A_36 = arith.constant 0 : index
    %get3A_37 = vector.load %arg10[%get3A_35, %get3A_36] : memref<1x1xf32, #tpu.memory_space<vmem>>, vector<1x1xf32>
    %get3A_38 = vector.extract %get3A_37[0, 0] : f32 from vector<1x1xf32>
    %dot_general3A = arith.constant dense<0.000000e+00> : vector<1264x128xf32>
    %dot_general3A_39 = tpu.matmul %add3A_12, %get3A_15, %dot_general3A {dimension_numbers = #tpu.dot_dimension_numbers<[1], [0], [0], [1], [0, 0, 1, 1], [], []>, transpose_lhs_hint = false} : vector<1264x128xf32>, vector<128x128xf32>, vector<1264x128xf32> -> vector<1264x128xf32>
    %add3A_40 = vector.broadcast %get3A_18 : vector<1x128xf32> to vector<1264x128xf32>
    %add3A_41 = arith.addf %dot_general3A_39, %add3A_40 : vector<1264x128xf32>
    %ge3A = arith.constant 0.000000e+00 : f32
    %ge3A_42 = vector.broadcast %ge3A : f32 to vector<1264x128xf32>
    %ge3A_43 = arith.cmpf oge, %add3A_41, %ge3A_42 : vector<1264x128xf32>
    %mul3A = vector.broadcast %get3A_22 : f32 to vector<1264x128xf32>
    %mul3A_44 = arith.mulf %mul3A, %add3A_41 : vector<1264x128xf32>
    %select_n3A = arith.select %ge3A_43, %add3A_41, %mul3A_44 : vector<1264x128xi1>, vector<1264x128xf32>
    %mul3A_45 = vector.broadcast %get3A_25 : vector<1x128xf32> to vector<1264x128xf32>
    %mul3A_46 = arith.mulf %select_n3A, %mul3A_45 : vector<1264x128xf32>
    %add3A_47 = vector.broadcast %get3A_28 : vector<1x128xf32> to vector<1264x128xf32>
    %add3A_48 = arith.addf %mul3A_46, %add3A_47 : vector<1264x128xf32>
    %dot_general3A_49 = arith.constant dense<0.000000e+00> : vector<1264x128xf32>
    %dot_general3A_50 = tpu.matmul %add3A_48, %get3A_31, %dot_general3A_49 {dimension_numbers = #tpu.dot_dimension_numbers<[1], [0], [0], [1], [0, 0, 1, 1], [], []>, transpose_lhs_hint = false} : vector<1264x128xf32>, vector<128x128xf32>, vector<1264x128xf32> -> vector<1264x128xf32>
    %add3A_51 = vector.broadcast %get3A_34 : vector<1x128xf32> to vector<1264x128xf32>
    %add3A_52 = arith.addf %dot_general3A_50, %add3A_51 : vector<1264x128xf32>
    %ge3A_53 = arith.constant 0.000000e+00 : f32
    %ge3A_54 = vector.broadcast %ge3A_53 : f32 to vector<1264x128xf32>
    %ge3A_55 = arith.cmpf oge, %add3A_52, %ge3A_54 : vector<1264x128xf32>
    %mul3A_56 = vector.broadcast %get3A_38 : f32 to vector<1264x128xf32>
    %mul3A_57 = arith.mulf %mul3A_56, %add3A_52 : vector<1264x128xf32>
    %select_n3A_58 = arith.select %ge3A_55, %add3A_52, %mul3A_57 : vector<1264x128xi1>, vector<1264x128xf32>
    %max3A = arith.constant 0.000000e+00 : f32
    %max3A_59 = vector.broadcast %max3A : f32 to vector<1264x128xf32>
    %max3A_60 = arith.maximumf %select_n3A_58, %max3A_59 : vector<1264x128xf32>
    %get3A_61 = arith.constant 0 : index
    %get3A_62 = arith.constant 0 : index
    %get3A_63 = arith.constant 0 : index
    %get3A_64 = vector.load %arg11[%get3A_61, %get3A_62, %get3A_63] : memref<1x1x1264xi32, #tpu.memory_space<vmem>>, vector<1x1x1264xi32>
    %get3A_65 = vector.shape_cast %get3A_64 : vector<1x1x1264xi32> to vector<1264xi32>
    %iota3A = tpu.iota {dimensions = array<i32: 0>} : vector<256x1264xi32>
    %reshape3A = vector.shape_cast %get3A_65 : vector<1264xi32> to vector<1x1264xi32>
    %eq3A = vector.broadcast %reshape3A : vector<1x1264xi32> to vector<256x1264xi32>
    %eq3A_66 = arith.cmpi eq, %iota3A, %eq3A : vector<256x1264xi32>
    %convert_element_type3A = arith.extui %eq3A_66 : vector<256x1264xi1> to vector<256x1264xi32>
    %convert_element_type3A_67 = arith.sitofp %convert_element_type3A : vector<256x1264xi32> to vector<256x1264xf32>
    %dot_general3A_68 = arith.constant dense<0.000000e+00> : vector<256x128xf32>
    %dot_general3A_69 = tpu.matmul %convert_element_type3A_67, %max3A_60, %dot_general3A_68 {dimension_numbers = #tpu.dot_dimension_numbers<[1], [0], [0], [1], [0, 0, 1, 1], [], []>, transpose_lhs_hint = false} : vector<256x1264xf32>, vector<1264x128xf32>, vector<256x128xf32> -> vector<256x128xf32>
    %get3A_70 = arith.constant 0 : index
    %get3A_71 = arith.constant 0 : index
    %get3A_72 = vector.load %arg12[%get3A_70, %get3A_71] : memref<256x384xf32, #tpu.memory_space<vmem>>, vector<256x384xf32>
    %get3A_73 = arith.constant 0 : index
    %get3A_74 = arith.constant 0 : index
    %get3A_75 = vector.load %arg13[%get3A_73, %get3A_74] : memref<384x128xf32, #tpu.memory_space<vmem>>, vector<384x128xf32>
    %dot_general3A_76 = arith.constant dense<0.000000e+00> : vector<256x128xf32>
    %dot_general3A_77 = tpu.matmul %get3A_72, %get3A_75, %dot_general3A_76 {dimension_numbers = #tpu.dot_dimension_numbers<[1], [0], [0], [1], [0, 0, 1, 1], [], []>, transpose_lhs_hint = false} : vector<256x384xf32>, vector<384x128xf32>, vector<256x128xf32> -> vector<256x128xf32>
    %eq3A_78 = arith.constant 0 : i32
    %eq3A_79 = arith.cmpi eq, %arg0, %eq3A_78 : i32
    %convert_element_type3A_80 = arith.extui %eq3A_79 : i1 to i32
    %cond3A = arith.constant 0 : i32
    %cond3A_81 = arith.cmpi ne, %convert_element_type3A_80, %cond3A : i32
    scf.if %cond3A_81 {
      %swap3A = arith.constant 0 : index
      %swap3A_91 = arith.constant 0 : index
      %swap3A_92 = vector.load %arg22[%swap3A, %swap3A_91] : memref<256x128xf32, #tpu.memory_space<vmem>>, vector<256x128xf32>
      tpu.vector_store %arg22[%swap3A, %swap3A_91], %dot_general3A_69 {strides = array<i32>} : memref<256x128xf32, #tpu.memory_space<vmem>>, vector<256x128xf32>,
      %swap3A_93 = arith.constant 0 : index
      %swap3A_94 = arith.constant 0 : index
      %swap3A_95 = vector.load %arg23[%swap3A_93, %swap3A_94] : memref<256x128xf32, #tpu.memory_space<vmem>>, vector<256x128xf32>
      tpu.vector_store %arg23[%swap3A_93, %swap3A_94], %dot_general3A_77 {strides = array<i32>} : memref<256x128xf32, #tpu.memory_space<vmem>>, vector<256x128xf32>,
    } else {
    }
    %ne3A = arith.constant 0 : i32
    %ne3A_82 = arith.cmpi ne, %arg0, %ne3A : i32
    %convert_element_type3A_83 = arith.extui %ne3A_82 : i1 to i32
    %cond3A_84 = arith.constant 0 : i32
    %cond3A_85 = arith.cmpi ne, %convert_element_type3A_83, %cond3A_84 : i32
    scf.if %cond3A_85 {
      %get3A_91 = arith.constant 0 : index
      %get3A_92 = arith.constant 0 : index
      %get3A_93 = vector.load %arg22[%get3A_91, %get3A_92] : memref<256x128xf32, #tpu.memory_space<vmem>>, vector<256x128xf32>
      %add3A_94 = arith.addf %get3A_93, %dot_general3A_69 : vector<256x128xf32>
      %swap3A = arith.constant 0 : index
      %swap3A_95 = arith.constant 0 : index
      %swap3A_96 = vector.load %arg22[%swap3A, %swap3A_95] : memref<256x128xf32, #tpu.memory_space<vmem>>, vector<256x128xf32>
      tpu.vector_store %arg22[%swap3A, %swap3A_95], %add3A_94 {strides = array<i32>} : memref<256x128xf32, #tpu.memory_space<vmem>>, vector<256x128xf32>,
      %get3A_97 = arith.constant 0 : index
      %get3A_98 = arith.constant 0 : index
      %get3A_99 = vector.load %arg23[%get3A_97, %get3A_98] : memref<256x128xf32, #tpu.memory_space<vmem>>, vector<256x128xf32>
      %add3A_100 = arith.addf %get3A_99, %dot_general3A_77 : vector<256x128xf32>
      %swap3A_101 = arith.constant 0 : index
      %swap3A_102 = arith.constant 0 : index
      %swap3A_103 = vector.load %arg23[%swap3A_101, %swap3A_102] : memref<256x128xf32, #tpu.memory_space<vmem>>, vector<256x128xf32>
      tpu.vector_store %arg23[%swap3A_101, %swap3A_102], %add3A_100 {strides = array<i32>} : memref<256x128xf32, #tpu.memory_space<vmem>>, vector<256x128xf32>,
    } else {
    }
    %eq3A_86 = arith.constant 7 : i32
    %eq3A_87 = arith.cmpi eq, %arg0, %eq3A_86 : i32
    %convert_element_type3A_88 = arith.extui %eq3A_87 : i1 to i32
    %cond3A_89 = arith.constant 0 : i32
    %cond3A_90 = arith.cmpi ne, %convert_element_type3A_88, %cond3A_89 : i32
    scf.if %cond3A_90 {
      %get3A_91 = arith.constant 0 : index
      %get3A_92 = arith.constant 0 : index
      %get3A_93 = vector.load %arg22[%get3A_91, %get3A_92] : memref<256x128xf32, #tpu.memory_space<vmem>>, vector<256x128xf32>
      %get3A_94 = arith.constant 0 : index
      %get3A_95 = arith.constant 0 : index
      %get3A_96 = vector.load %arg15[%get3A_94, %get3A_95] : memref<128x128xf32, #tpu.memory_space<vmem>>, vector<128x128xf32>
      %dot_general3A_97 = arith.constant dense<0.000000e+00> : vector<256x128xf32>
      %dot_general3A_98 = tpu.matmul %get3A_93, %get3A_96, %dot_general3A_97 {dimension_numbers = #tpu.dot_dimension_numbers<[1], [0], [0], [1], [0, 0, 1, 1], [], []>, transpose_lhs_hint = false} : vector<256x128xf32>, vector<128x128xf32>, vector<256x128xf32> -> vector<256x128xf32>
      %get3A_99 = arith.constant 0 : index
      %get3A_100 = arith.constant 0 : index
      %get3A_101 = vector.load %arg14[%get3A_99, %get3A_100] : memref<256x128xf32, #tpu.memory_space<vmem>>, vector<256x128xf32>
      %get3A_102 = arith.constant 0 : index
      %get3A_103 = arith.constant 0 : index
      %get3A_104 = vector.load %arg16[%get3A_102, %get3A_103] : memref<128x128xf32, #tpu.memory_space<vmem>>, vector<128x128xf32>
      %dot_general3A_105 = arith.constant dense<0.000000e+00> : vector<256x128xf32>
      %dot_general3A_106 = tpu.matmul %get3A_101, %get3A_104, %dot_general3A_105 {dimension_numbers = #tpu.dot_dimension_numbers<[1], [0], [0], [1], [0, 0, 1, 1], [], []>, transpose_lhs_hint = false} : vector<256x128xf32>, vector<128x128xf32>, vector<256x128xf32> -> vector<256x128xf32>
      %add3A_107 = arith.addf %dot_general3A_98, %dot_general3A_106 : vector<256x128xf32>
      %get3A_108 = arith.constant 0 : index
      %get3A_109 = arith.constant 0 : index
      %get3A_110 = vector.load %arg23[%get3A_108, %get3A_109] : memref<256x128xf32, #tpu.memory_space<vmem>>, vector<256x128xf32>
      %add3A_111 = arith.addf %add3A_107, %get3A_110 : vector<256x128xf32>
      %get3A_112 = arith.constant 0 : index
      %get3A_113 = arith.constant 0 : index
      %get3A_114 = vector.load %arg17[%get3A_112, %get3A_113] : memref<1x128xf32, #tpu.memory_space<vmem>>, vector<1x128xf32>
      %add3A_115 = vector.broadcast %get3A_114 : vector<1x128xf32> to vector<256x128xf32>
      %add3A_116 = arith.addf %add3A_111, %add3A_115 : vector<256x128xf32>
      %max3A_117 = arith.constant 0.000000e+00 : f32
      %max3A_118 = vector.broadcast %max3A_117 : f32 to vector<256x128xf32>
      %max3A_119 = arith.maximumf %add3A_116, %max3A_118 : vector<256x128xf32>
      %swap3A = arith.constant 0 : index
      %swap3A_120 = arith.constant 0 : index
      %swap3A_121 = vector.load %arg20[%swap3A, %swap3A_120] : memref<256x128xf32, #tpu.memory_space<vmem>>, vector<256x128xf32>
      tpu.vector_store %arg20[%swap3A, %swap3A_120], %max3A_119 {strides = array<i32>} : memref<256x128xf32, #tpu.memory_space<vmem>>, vector<256x128xf32>,
      %get3A_122 = arith.constant 0 : index
      %get3A_123 = arith.constant 0 : index
      %get3A_124 = vector.load %arg18[%get3A_122, %get3A_123] : memref<128x128xf32, #tpu.memory_space<vmem>>, vector<128x128xf32>
      %dot_general3A_125 = arith.constant dense<0.000000e+00> : vector<256x128xf32>
      %dot_general3A_126 = tpu.matmul %max3A_119, %get3A_124, %dot_general3A_125 {dimension_numbers = #tpu.dot_dimension_numbers<[1], [0], [0], [1], [0, 0, 1, 1], [], []>, transpose_lhs_hint = false} : vector<256x128xf32>, vector<128x128xf32>, vector<256x128xf32> -> vector<256x128xf32>
      %get3A_127 = arith.constant 0 : index
      %get3A_128 = arith.constant 0 : index
      %get3A_129 = vector.load %arg19[%get3A_127, %get3A_128] : memref<1x128xf32, #tpu.memory_space<vmem>>, vector<1x128xf32>
      %add3A_130 = vector.broadcast %get3A_129 : vector<1x128xf32> to vector<256x128xf32>
      %add3A_131 = arith.addf %dot_general3A_126, %add3A_130 : vector<256x128xf32>
      %logistic3A = arith.negf %add3A_131 : vector<256x128xf32>
      %logistic3A_132 = math.exp %logistic3A : vector<256x128xf32>
      %logistic3A_133 = arith.constant 1.000000e+00 : f32
      %logistic3A_134 = vector.broadcast %logistic3A_133 : f32 to vector<256x128xf32>
      %logistic3A_135 = arith.addf %logistic3A_134, %logistic3A_132 : vector<256x128xf32>
      %logistic3A_136 = arith.divf %logistic3A_134, %logistic3A_135 : vector<256x128xf32>
      %swap3A_137 = arith.constant 0 : index
      %swap3A_138 = arith.constant 0 : index
      %swap3A_139 = vector.load %arg21[%swap3A_137, %swap3A_138] : memref<256x128xf32, #tpu.memory_space<vmem>>, vector<256x128xf32>
      tpu.vector_store %arg21[%swap3A_137, %swap3A_138], %logistic3A_136 {strides = array<i32>} : memref<256x128xf32, #tpu.memory_space<vmem>>, vector<256x128xf32>,
    } else {
    }
    return
  }
  func.func @transform_0(%arg0: i32) -> (i32, i32) {
    %c0_i32 = arith.constant 0 : i32
    %c0_i32_0 = arith.constant 0 : i32
    return %arg0, %c0_i32 : i32, i32
  }
  func.func @transform_1(%arg0: i32) -> (i32, i32, i32) {
    %c0_i32 = arith.constant 0 : i32
    %c0_i32_0 = arith.constant 0 : i32
    %c0_i32_1 = arith.constant 0 : i32
    return %c0_i32, %arg0, %c0_i32_0 : i32, i32, i32
  }
  func.func @transform_2(%arg0: i32) -> (i32, i32) {
    %c0_i32 = arith.constant 0 : i32
    %c0_i32_0 = arith.constant 0 : i32
    %c0_i32_1 = arith.constant 0 : i32
    return %c0_i32, %c0_i32_0 : i32, i32
  }
  func.func @transform_3(%arg0: i32) -> (i32, i32) {
    %c0_i32 = arith.constant 0 : i32
    %c0_i32_0 = arith.constant 0 : i32
    %c0_i32_1 = arith.constant 0 : i32
    return %c0_i32, %c0_i32_0 : i32, i32
  }
  func.func @transform_4(%arg0: i32) -> (i32, i32) {
    %c0_i32 = arith.constant 0 : i32
    %c0_i32_0 = arith.constant 0 : i32
    %c0_i32_1 = arith.constant 0 : i32
    return %c0_i32, %c0_i32_0 : i32, i32
  }
  func.func @transform_5(%arg0: i32) -> (i32, i32) {
    %c0_i32 = arith.constant 0 : i32
    %c0_i32_0 = arith.constant 0 : i32
    %c0_i32_1 = arith.constant 0 : i32
    return %c0_i32, %c0_i32_0 : i32, i32
  }
  func.func @transform_6(%arg0: i32) -> (i32, i32) {
    %c0_i32 = arith.constant 0 : i32
    %c0_i32_0 = arith.constant 0 : i32
    %c0_i32_1 = arith.constant 0 : i32
    return %c0_i32, %c0_i32_0 : i32, i32
  }
  func.func @transform_7(%arg0: i32) -> (i32, i32) {
    %c0_i32 = arith.constant 0 : i32
    %c0_i32_0 = arith.constant 0 : i32
    %c0_i32_1 = arith.constant 0 : i32
    return %c0_i32, %c0_i32_0 : i32, i32
  }
  func.func @transform_8(%arg0: i32) -> (i32, i32) {
    %c0_i32 = arith.constant 0 : i32
    %c0_i32_0 = arith.constant 0 : i32
    %c0_i32_1 = arith.constant 0 : i32
    return %c0_i32, %c0_i32_0 : i32, i32
  }
  func.func @transform_9(%arg0: i32) -> (i32, i32) {
    %c0_i32 = arith.constant 0 : i32
    %c0_i32_0 = arith.constant 0 : i32
    %c0_i32_1 = arith.constant 0 : i32
    return %c0_i32, %c0_i32_0 : i32, i32
  }
  func.func @transform_10(%arg0: i32) -> (i32, i32, i32) {
    %c0_i32 = arith.constant 0 : i32
    %c0_i32_0 = arith.constant 0 : i32
    %c0_i32_1 = arith.constant 0 : i32
    return %arg0, %c0_i32, %c0_i32_0 : i32, i32, i32
  }
  func.func @transform_11(%arg0: i32) -> (i32, i32) {
    %c0_i32 = arith.constant 0 : i32
    %c0_i32_0 = arith.constant 0 : i32
    return %c0_i32, %arg0 : i32, i32
  }
  func.func @transform_12(%arg0: i32) -> (i32, i32) {
    %c0_i32 = arith.constant 0 : i32
    %c0_i32_0 = arith.constant 0 : i32
    return %arg0, %c0_i32 : i32, i32
  }
  func.func @transform_13(%arg0: i32) -> (i32, i32) {
    %c0_i32 = arith.constant 0 : i32
    %c0_i32_0 = arith.constant 0 : i32
    %c0_i32_1 = arith.constant 0 : i32
    return %c0_i32, %c0_i32_0 : i32, i32
  }
  func.func @transform_14(%arg0: i32) -> (i32, i32) {
    %c0_i32 = arith.constant 0 : i32
    %c0_i32_0 = arith.constant 0 : i32
    %c0_i32_1 = arith.constant 0 : i32
    return %c0_i32, %c0_i32_0 : i32, i32
  }
  func.func @transform_15(%arg0: i32) -> (i32, i32) {
    %c0_i32 = arith.constant 0 : i32
    %c0_i32_0 = arith.constant 0 : i32
    %c0_i32_1 = arith.constant 0 : i32
    return %c0_i32, %c0_i32_0 : i32, i32
  }
  func.func @transform_16(%arg0: i32) -> (i32, i32) {
    %c0_i32 = arith.constant 0 : i32
    %c0_i32_0 = arith.constant 0 : i32
    %c0_i32_1 = arith.constant 0 : i32
    return %c0_i32, %c0_i32_0 : i32, i32
  }
  func.func @transform_17(%arg0: i32) -> (i32, i32) {
    %c0_i32 = arith.constant 0 : i32
    %c0_i32_0 = arith.constant 0 : i32
    %c0_i32_1 = arith.constant 0 : i32
    return %c0_i32, %c0_i32_0 : i32, i32
  }
  func.func @transform_18(%arg0: i32) -> (i32, i32) {
    %c0_i32 = arith.constant 0 : i32
    %c0_i32_0 = arith.constant 0 : i32
    %c0_i32_1 = arith.constant 0 : i32
    return %c0_i32, %c0_i32_0 : i32, i32
  }
  func.func @transform_19(%arg0: i32) -> (i32, i32) {
    %c0_i32 = arith.constant 0 : i32
    %c0_i32_0 = arith.constant 0 : i32
    %c0_i32_1 = arith.constant 0 : i32
    return %c0_i32, %c0_i32_0 : i32, i32
  }
  func.func @transform_20(%arg0: i32) -> (i32, i32) {
    %c0_i32 = arith.constant 0 : i32
    %c0_i32_0 = arith.constant 0 : i32
    %c0_i32_1 = arith.constant 0 : i32
    return %c0_i32, %c0_i32_0 : i32, i32
  }
}

</mosaic_0001>

<sc_bundles>
// kernel: kernel.11.cloned.1.call-start
scs
__scs_entry_jumppad:
0x0: {  	(pc) =	sbr.rel $0x88, $3  }
0x1: {  	(tag) =	ssettag $0x0;
	lr =	simm.s32 $0x1  }
0x2: {  	[smem:$0x3F90] =	sst lr;
	_ =	strace $0xD0000000  }
0x3: {  	_ = 	snop  }
0x4: {  	_ = 	snop  }
0x5: {  	_ = 	snop  }
0x6: {  	_ = 	snop  }
0x7: {  	_ = 	snop  }
__scs_overlays_trampoline_lowered:
0x8: {  	[smem:$0x3F9F] =	sst s0  }
0x9: {  	[smem:$0x3FA0] =	sst s1  }
0xa: {  	[smem:$0x3FA1] =	sst s2  }
0xb: {  	[smem:$0x3FA2] =	sst s3  }
0xc: {  	[smem:$0x3FA3] =	sst s4  }
0xd: {  	[smem:$0x3FA4] =	sst s5  }
0xe: {  	[smem:$0x3FA5] =	sst s6  }
0xf: {  	[smem:$0x3FA6] =	sst s7  }
0x10: {  	[smem:$0x3FA7] =	sst s8  }
0x11: {  	[smem:$0x3FA8] =	sst s9;
	s0 =	simm.s32 @!p0 $0x0  }
0x12: {  	s1 =	sld [smem:$0x3F8E];
	s0 =	simm.s32 @p0 $0x1  }
0x13: {  	[smem:$0x3FA9] =	sst s0;
	s0 =	simm.s32 @!p1 $0x0  }
0x14: {  	s2 =	sld [smem:$0x3F8D];
	s0 =	simm.s32 @p1 $0x1  }
0x15: {  	[smem:$0x3FAA] =	sst s0;
	s0 =	simm.s32 @!p2 $0x0  }
0x16: {  	s3 =	sld [smem:$0x3FDB];
	s0 =	simm.s32 @p2 $0x1  }
0x17: {  	s4 =	simm.s32 $0x1BF5;
	[smem:$0x3FAC] =	sst s0  }
0x18: {  	s0 =	sld [smem:$0x3F8F];
	_ =	swait.ge [sflag:s4], $0x0  }
0x19: {  	s7 =	sld [smem:$0x3F90]  }
0x1a: {  	s8 =	sadd.s32 $0xFFFFE003, lr  }
0x1b: {  	s9 =	sadd.s32 $0xFFFFFEF7, lr;
	s5 =	simm.s32 $0xFFFFFFFF;
	p2 =	slt.u32 s8, $0xFFFFF086  }
0x1c: {  	p1 =	slt.u32 s9, $0xF7A;
	s5 =	simm.s32 @!p2 $0x0  }
0x1d: {  	s5 =	simm.s32 @p1 $0x1;
	p0 =	seq.s32 s7, s2  }
0x1e: {  	s7 =	smul.u32 @!p0 $0xF7A, s2;
	p2 =	seq.s32 @!p0 s5, $0x0  }
0x1f: {  	s9 =	smul.u32 $0xF7A, s1;
	s8 =	simm.s32 @!p0 $0x1BF5;
	p2 =	por !p2, p0  }
0x20: {  	[sflag:s8] =	ssyncset.s32 @!p0 $0xFFFFF086;
	s6 =	sadd.s32 @!p0 s3, s7;
	s7 =	simm.s32 @!p0 $0x108  }
0x21: {  	s3 =	sadd.s32 s3, s9;
	s6 =	sadd.s32 @!p0 $0x88, s6;
	s7 =	simm.s32 @p2 $0x1082  }
0x22: {  	[simem:s7], [sflag:s8] =	dma.local @!p0 [hbm:s6], $0xF7A  }
0x23: {  	s9 =	sor.u32 $0xD0000000, s2;
	s6 =	simm.s32 $0x108;
	_ =	swait.ge @!p0 [sflag:s8], $0x0  }
0x24: {  	s3 =	sadd.s32 $0x88, s3;
	s6 =	simm.s32 @!p1 $0x1082;
	[sflag:s4] =	ssyncset.s32 $0xFFFFF086  }
0x25: {  	[simem:s6], [sflag:s4] =	dma.local [hbm:s3], $0xF7A  }
0x26: {  	[smem:$0x3F90] =	sst s1;
	(tag) =	ssettag s2;
	_ =	strace s9  }
0x27: {  	s1 =	sld [smem:$0x3FA0]  }
0x28: {  	s2 =	sld [smem:$0x3FA1]  }
0x29: {  	s4 =	sld [smem:$0x3FA3]  }
0x2a: {  	p0 =	seq.s32 s5, $0x0;
	s5 =	sld [smem:$0x3FA4]  }
0x2b: {  	s6 =	sld [smem:$0x3FA5]  }
0x2c: {  	s7 =	sld [smem:$0x3FA6]  }
0x2d: {  	s3 =	simm.s32 $0x108;
	s8 =	sld [smem:$0x3FA7]  }
0x2e: {  	s3 =	simm.s32 @!p0 $0x1082;
	s9 =	sld [smem:$0x3FA8]  }
0x2f: {  	lr =	sadd.s32 s0, s3;
	s0 =	sld [smem:$0x3F9F]  }
0x30: {  	s3 =	sld [smem:$0x3FA2]  }
0x31: {  	[smem:$0x3FAB] =	sst s10  }
0x32: {  	s10 =	sld [smem:$0x3FA9];
	_ =	sdelay $0x3  }
0x33: {  	p0 =	seq.s32 s10, $0x1;
	s10 =	sld [smem:$0x3FAB];
	_ =	sdelay $0x3  }
0x34: {  	[smem:$0x3FAB] =	sst s10  }
0x35: {  	s10 =	sld [smem:$0x3FAA];
	_ =	sdelay $0x3  }
0x36: {  	p1 =	seq.s32 s10, $0x1;
	s10 =	sld [smem:$0x3FAB];
	_ =	sdelay $0x3  }
0x37: {  	[smem:$0x3FAB] =	sst s10  }
0x38: {  	s10 =	sld [smem:$0x3FAC]  }
0x39: {  	_ = 	snop;
	(pc) =	sbr.ind lr, $3  }
0x3a: {  	_ = 	snop  }
0x3b: {  	_ = 	snop  }
0x3c: {  	p2 =	seq.s32 s10, $0x1;
	s10 =	sld [smem:$0x3FAB]  }
0x3d: {  	_ =	shalt  }
0x3e: {  	_ =	shalt  }
0x3f: {  	_ =	shalt  }
0x40: {  	_ =	shalt  }
0x41: {  	_ =	shalt  }
0x42: {  	_ =	shalt  }
0x43: {  	_ =	shalt  }
0x44: {  	_ =	shalt  }
0x45: {  	_ =	shalt  }
0x46: {  	_ =	shalt  }
0x47: {  	_ =	shalt  }
0x48: {  	_ =	shalt  }
0x49: {  	_ =	shalt  }
0x4a: {  	_ =	shalt  }
0x4b: {  	_ =	shalt  }
0x4c: {  	_ =	shalt  }
0x4d: {  	_ =	shalt  }
0x4e: {  	_ =	shalt  }
0x4f: {  	_ =	shalt  }
0x50: {  	_ =	shalt  }
0x51: {  	_ =	shalt  }
0x52: {  	_ =	shalt  }
0x53: {  	_ =	shalt  }
0x54: {  	_ =	shalt  }
0x55: {  	_ =	shalt  }
0x56: {  	_ =	shalt  }
0x57: {  	_ =	shalt  }
0x58: {  	_ =	shalt  }
0x59: {  	_ =	shalt  }
0x5a: {  	_ =	shalt  }
0x5b: {  	_ =	shalt  }
0x5c: {  	_ =	shalt  }
0x5d: {  	_ =	shalt  }
0x5e: {  	_ =	shalt  }
0x5f: {  	_ =	shalt  }
0x60: {  	_ =	shalt  }
0x61: {  	_ =	shalt  }
0x62: {  	_ =	shalt  }
0x63: {  	_ =	shalt  }
0x64: {  	_ =	shalt  }
0x65: {  	_ =	shalt  }
0x66: {  	_ =	shalt  }
0x67: {  	_ =	shalt  }
0x68: {  	_ =	shalt  }
0x69: {  	_ =	shalt  }
0x6a: {  	_ =	shalt  }
0x6b: {  	_ =	shalt  }
0x6c: {  	_ =	shalt  }
0x6d: {  	_ =	shalt  }
0x6e: {  	_ =	shalt  }
0x6f: {  	_ =	shalt  }
0x70: {  	_ =	shalt  }
0x71: {  	_ =	shalt  }
0x72: {  	_ =	shalt  }
0x73: {  	_ =	shalt  }
0x74: {  	_ =	shalt  }
0x75: {  	_ =	shalt  }
0x76: {  	_ =	shalt  }
0x77: {  	_ =	shalt  }
0x78: {  	_ =	shalt  }
0x79: {  	_ =	shalt  }
0x7a: {  	_ =	shalt  }
0x7b: {  	_ =	shalt  }
0x7c: {  	_ =	shalt  }
0x7d: {  	_ =	shalt  }
0x7e: {  	_ =	shalt  }
0x7f: {  	_ =	shalt  }
0x80: {  	_ =	shalt  }
0x81: {  	_ =	shalt  }
0x82: {  	_ =	shalt  }
0x83: {  	_ =	shalt  }
0x84: {  	_ =	shalt  }
0x85: {  	_ =	shalt  }
0x86: {  	_ =	shalt  }
0x87: {  	_ =	shalt  }
.Lfunc_end0:
.L_simem_size_0:
called_computation.1_lowered:
.L_overlay_start_0:
0x88: {  	s2 =	sld [smem:$0x3FD9]  }
0x89: {  	s3 =	sld [smem:$0x3FFE];
	_ =	sdelay $0x1  }
0x8a: {  	s1 =	srdreg.scid  }
0x8b: {  	s0 =	sand.u32 $0x1, s1  }
0x8c: {  	s16 =	sshll.u32 s0, $0xA;
	s2 =	sadd.s32 s3, s2  }
0x8d: {  	s2 =	sadd.s32 s2, s16  }
0x8e: {  	[smem:$0x3FB7] =	sst s2  }
0x8f: {  	_ = 	snop  }
0x90: {  	(tm) =	ssettm $0x1  }
0x91: {  	s17 =	sld [smem:$0x3FFB];
	_ =	sdelay $0x3  }
0x92: {  	_ =	strace s17  }
0x93: {  	s2 =	sld [smem:$0x3FFC];
	_ =	sdelay $0x3  }
0x94: {  	_ =	strace s2  }
0x95: {  	s2 =	sld [smem:$0x3FFD];
	_ =	sdelay $0x3  }
0x96: {  	_ =	strace s2  }
0x97: {  	_ =	strace $0x8FFFFFFF  }
0x98: {  	s18 =	sld [smem:$0x3FDB];
	_ =	sdelay $0x1  }
0x99: {  	s19 =	simm.s32 $_scs_section_size  }
0x9a: {  	s4 =	simm.s32 $_size__tile_overlayer_lowered;
	s5 =	simm.s32 $_tile_overlayer_lowered  }
0x9b: {  	s22 =	simm.s32 $0x1BFF;
	s21 =	sshll.u32 s5, $0x1;
	s2 =	sadd.s32 s19, s18  }
0x9c: {  	s6 =	simm.s32 $0x0;
	s20 =	sshll.u32 s4, $0x1;
	s4 =	sadd.s32 s21, s2  }
0x9d: {  	[timem:s6], [sflag:s22] =	dma.local [hbm:s4], s20  }
0x9e: {  	_ =	swait.ge [sflag:s22], s20  }
0x9f: {  	s3 =	ssub.s32 $0x0, s20;
	[sflag:s22] =	ssyncset.done $0x0  }
0xa0: {  	[sflag:s22] =	ssyncadd.s32 s3;
	_ =	sdelay $0x1  }
0xa1: {  	s23 =	simm.s32 $0x1B8B  }
0xa2: {  	_ =	swait.ge [sflag:s23], $0x1  }
0xa3: {  	[sflag:s23] =	ssyncset.done $0x0  }
0xa4: {  	s25 =	simm.s32 $0x1B8E;
	s24 =	sld [smem:$0x3FFE];
	[sflag:s23] =	ssyncadd.s32 $0xFFFFFFFF  }
0xa5: {  	s26 =	simm.s32 $execute0_lowered;
	[smem:$0x3FD2] =	sst s25  }
0xa6: {  	s4 =	sshll.u32 s26, $0x1;
	_ =	strace $0x80000049;
	[dreg:$0x1] =	wrdreg $0xFFFFFFFF  }
0xa7: {  	s28 =	simm.s32 $_size_execute0_lowered;
	s2 =	sadd.s32 s2, s4;
	[dreg:$0x0] =	wrdreg $0x0  }
0xa8: {  	s4 =	sshll.u32 s28, $0x1;
	[dreg:$0x2] =	wrdreg s2  }
0xa9: {  	[dreg:$0x3] =	wrdreg s4  }
0xaa: {  	[dreg:$0x4] =	wrdreg $0xC0  }
0xab: {  	_ =	task [dreg:s6], $0x5FFFF  }
0xac: {  	[dreg:$0x1] =	wrdreg $0xFFFFFFFF  }
0xad: {  	[dreg:$0x0] =	wrdreg $0x60  }
0xae: {  	[dreg:$0x2] =	wrdreg s24  }
0xaf: {  	[dreg:$0x3] =	wrdreg $0xC1000  }
0xb0: {  	[dreg:$0x4] =	wrdreg $0x9  }
0xb1: {  	_ =	task.clear_ibuf [dreg:s6], $0x5FFFF;
	_ =	strace $0x90000049  }
0xb2: {  	s29 =	simm.s32 $0x9;
	_ =	strace $0x8000004B  }
0xb3: {  	_ =	swait.ge [sflag:s29], $0x1  }
0xb4: {  	[sflag:s29] =	ssyncadd.s32 $0xFFFFFFFF  }
0xb5: {  	_ =	strace $0x9000004B  }
0xb6: {  	_ =	sfence  }
0xb7: {  	s30 =	sld [smem:$0x0];
	_ =	sdelay $0x2  }
0xb8: {  	s31 =	sshll.u32 s1, $0xD;
	s1 =	sshrl.u32 s1, $0x2  }
0xb9: {  	s3 =	sand.u32 $0x4000, s31;
	s1 =	sadd.s32 s1, s30  }
0xba: {  	s0 =	sor.u32 s3, s0;
	s1 =	sshll.u32 s1, $0x11  }
0xbb: {  	s0 =	sor.u32 s1, s0  }
0xbc: {  	s0 =	sadd.s32 $0x8F2B, s0  }
0xbd: {  	[sflag:s0] =	ssyncadd.remote.s32 $0x1  }
0xbe: {  	_ =	sfence.sel $0xFFFF  }
0xbf: {  	[dreg:$0x0] =	wrdreg $0xFFFFFFFF;
	(pc) =	sbr.abs _section_cstart, $3  }
0xc0: {  	[dreg:$0x1] =	wrdreg $0xFFFFFFFF  }
0xc1: {  	_ =	task.clear_ibuf [dreg:s6], $0x2FFFF;
	_ =	strace $0x9FFFFFFF  }
0xc2: {  	(tm) =	ssettm $0x7FFFFFFF  }
0xc3: {  	_ =	shalt  }
tec
execute0_lowered:
.L_overlay_start_1:
0x0: {  	(tag) =	ssettag $0x1  }
0x1: {  	s0 =	rddreg [dreg:$0x0]  }
0x2: {  	s2 =	rddreg [dreg:$0x1]  }
0x3: {  	s1 =	srdreg.scid;
	s15 =	stileid.u32  }
0x4: {  	s3 =	simm.s32 $0x0;
	s28 =	simm.s32 $0x2;
	s29 =	simm.s32 $0x6  }
0x5: {  	s30 =	simm.s32 $0x4;
	s31 =	simm.s32 $0x3;
	s6 =	smul.u32 $0x13C00, s15  }
0x6: {  	s1 =	sand.u32 $0x1, s1;
	s4 =	sshll.u32 s15, $0x1;
	s13 =	smul.u32 $0x4F000, s15  }
0x7: {  	[smem:$0x7FF] =	sst s3;
	s23 =	sshll.u32 s15, $0x6;
	s5 =	smul.u32 $0x13C000, s1  }
0x8: {  	s8 =	sor.u32 s1, s4;
	_ =	strace $0x8000004A;
	s20 =	ssub.s32 $0x2, s1  }
0x9: {  	p0 =	seq.s32 s1, $0x0;
	s4 =	sshll.u32 s8, $0xE;
	s7 =	sshll.u32 s8, $0x7  }
0xa: {  	s10 =	sshrl.u32 s6, $0x3;
	s11 =	sshrl.u32 s20, $0x1;
	s22 =	sshrl.u32 s13, $0x2  }
0xb: {  	s8 =	sshll.u32 s8, $0xB;
	s7 =	sor.u32 s7, s4;
	s9 =	sshrl.u32 s5, $0x3  }
0xc: {  	s18 =	sadd.s32 s10, s0;
	s5 =	sadd.s32 s6, s5;
	s14 =	ssub.s32 s20, s11  }
0xd: {  	s6 =	simm.s32 $0x80;
	s1 =	sadd.s32 s22, s2;
	s22 =	simm.s32 $0x4100  }
0xe: {  	s7 =	sand.u32 $0x60380, s7;
	s12 =	sadd.s32 s9, s0;
	s21 =	sshrl.u32 s5, $0x3  }
0xf: {  	s5 =	sadd.s32 $0x3E00, s0;
	s6 =	simm.s32 @!p0 $0x20;
	s9 =	sadd.s32 $0x72E00, s18  }
0x10: {  	s25 =	smax.u32 s14, $0x1;
	s18 =	sshrl.u32 s1, $0x3;
	s7 =	sshrl.u32 s7, $0x3  }
0x11: {  	[dreg:$0x3] =	wrdreg s9;
	s9 =	sor.u32 $0x1C07, s23;
	s11 =	sadd.s32 s5, s8  }
0x12: {  	s12 =	sadd.s32 $0x23E00, s12;
	s24 =	sshrl.u32 s6, $0x1;
	[dreg:$0x6] =	wrdreg s25  }
0x13: {  	s23 =	simm.s32 $0x4080;
	s25 =	simm.s32 $0x1;
	s19 =	sadd.s32 s7, s0  }
0x14: {  	s0 =	sadd.s32 s21, s0;
	s7 =	simm.s32 $0x80;
	s26 =	sadd.s32 $0x10, s11  }
0x15: {  	s16 =	sadd.s32 $0x20, s11;
	s17 =	sadd.s32 $0xFFFFFFFF, s24;
	s21 =	simm.s32 $0x4000  }
0x16: {  	s24 =	simm.s32 $0x8100;
	s10 =	sadd.s32 $0x13E00, s19;
	[dreg:$0x7] =	wrdreg s26  }
0x17: {  	s0 =	sadd.s32 $0x9A600, s0;
	s19 =	simm.s32 $0x7;
	[dreg:$0x4] =	wrdreg s10  }
0x18: {  	s26 =	simm.s32 $0x5;
	[dreg:$0x5] =	wrdreg s0;
	s0 =	simm.s32 $0x0  }
.LBB2_1:
0x19: {  	s1 =	rddreg [dreg:$0x3]  }
0x1a: {  	[spmem:s18], [sflag:s9] =	dma.local [hbm:s1], $0x2780  }
0x1b: {  	_ =	swait.ge [sflag:s19], $0x2780  }
0x1c: {  	[sflag:s19] =	ssyncset.done $0x0  }
0x1d: {  	s8 =	simm.s32 $0x400;
	s15 =	rddreg [dreg:$0x4];
	[sflag:s19] =	ssyncadd.s32 $0xFFFFD880  }
0x1e: {  	[tilespmem:s3], [sflag:$0x7] =	stream.strided.gather [hbm4b:s15+s7], $0x4000, s8, s7, $0x38;
	[tilespmem:$0x1FD00] =	vst v63  }
0x1f: {  	_ =	swait.ge [sflag:s19], $0x4000  }
0x20: {  	[sflag:s19] =	ssyncset.done $0x0  }
0x21: {  	[sflag:s19] =	ssyncadd.s32 $0xFFFFC000  }
0x22: {  	[bflag:$0x0] =	sbarrier.arrive $0xFFFF  }
0x23: {  	[tilespmem:s21], [sflag:$0x5] =	stream.linear.gather [hbm4b:s11+s3], $0x80, $0x38;
	[tilespmem:$0x1FD00] =	vst v63  }
0x24: {  	_ = 	snop  }
0x25: {  	[tilespmem:s22], [sflag:$0x1] =	stream.indirect.gather [hbm4b:s12+s7], $0x80, s3, s7, $0xb8;
	[tilespmem:$0x1FD00] =	vst v63  }
0x26: {  	s20 =	rddreg [dreg:$0x7]  }
0x27: {  	[tilespmem:s23], [sflag:$0x6] =	stream.linear.gather [hbm4b:s20+s3], $0x80, $0x38;
	[tilespmem:$0x1FD00] =	vst v63  }
0x28: {  	_ = 	snop  }
0x29: {  	[tilespmem:s24], [sflag:$0x2] =	stream.indirect.gather [hbm4b:s12+s7], $0x80, s7, s7, $0xb8;
	[tilespmem:$0x1FD00] =	vst v63  }
0x2a: {  	_ =	swait.ge [sflag:s25], $0x4000  }
0x2b: {  	[sflag:s25] =	ssyncset.done $0x0  }
0x2c: {  	[sflag:s25] =	ssyncadd.s32 $0xFFFFC000  }
0x2d: {  	_ =	swait.ge [sflag:s26], $0x80  }
0x2e: {  	[sflag:s26] =	ssyncset.done $0x0  }
0x2f: {  	[sflag:s26] =	ssyncadd.s32 $0xFFFFFF80  }
0x30: {  	[spmem:s2] =	stream.indirect.scatter.add.f32 [tilespmem:s22], [sflag:$0x3], $0x80, s21, s7, $0xb8;
	[tilespmem:$0x1FD00] =	vst v63  }
0x31: {  	_ =	swait.ge [sflag:s31], $0x4000  }
0x32: {  	[sflag:s31] =	ssyncset.done $0x0  }
0x33: {  	[sflag:s31] =	ssyncadd.s32 $0xFFFFC000  }
0x34: {  	[tilespmem:s21], [sflag:$0x5] =	stream.linear.gather [hbm4b:s16+s3], $0x80, $0x38;
	[tilespmem:$0x1FD00] =	vst v63  }
0x35: {  	s20 =	simm.s32 $0x100  }
0x36: {  	[tilespmem:s22], [sflag:$0x1] =	stream.indirect.gather [hbm4b:s12+s7], $0x80, s20, s7, $0xb8;
	[tilespmem:$0x1FD00] =	vst v63  }
0x37: {  	s8 =	sadd.s32 $0xFFFFFFFF, s17;
	_ =	swait.ge [sflag:s28], $0x4000  }
0x38: {  	p2 =	sne.s32 s8, $0x0;
	[sflag:s28] =	ssyncset.done $0x0  }
.Ltmp0:
0x39: {  	[sflag:s28] =	ssyncadd.s32 $0xFFFFC000;
	(pc) =	sbr.rel @!p2 .LBB2_2-.Ltmp0, $4  }
0x3a: {  	_ =	swait.ge [sflag:s29], $0x80  }
0x3b: {  	p1 =	sle.u32 s6, $0x3;
	[sflag:s29] =	ssyncset.done $0x0  }
0x3c: {  	p0 =	por $0x0, $0x0;
	s1 =	simm.s32 $0x180;
	[sflag:s29] =	ssyncadd.s32 $0xFFFFFF80  }
0x3d: {  	[spmem:s2] =	stream.indirect.scatter.add.f32 [tilespmem:s24], [sflag:$0x4], $0x80, s23, s7, $0xb8;
	[tilespmem:$0x1FD00] =	vst v63  }
0x3e: {  	s10 =	sand.u32 @!p1 $0xFFFFFC00, s20;
	s20 =	simm.s32 @!p1 $0x180  }
0x3f: {  	s10 =	sadd.s32 @!p1 s4, s10;
	s20 =	sand.u32 @!p1 $0x380, s20  }
0x40: {  	_ =	swait.ge [sflag:s30], $0x4000;
	s10 =	sor.u32 @!p1 s10, s20  }
0x41: {  	s13 =	simm.s32 @!p1 $0x4080;
	[sflag:s30] =	ssyncset.done $0x0;
	s10 =	sshrl.u32 @!p1 s10, $0x3  }
0x42: {  	[sflag:s30] =	ssyncadd.s32 $0xFFFFC000;
	s20 =	simm.s32 @!p1 $0x0;
	s10 =	sadd.s32 @!p1 s5, s10  }
0x43: {  	[tilespmem:s13], [sflag:$0x6] =	stream.linear.gather @!p1 [hbm4b:s10+s20], $0x80, $0x38;
	[tilespmem:$0x1FD00] =	vst v63  }
0x44: {  	s10 =	simm.s32 @!p1 $0x80;
	s13 =	simm.s32 @!p1 $0x8100  }
0x45: {  	[tilespmem:s13], [sflag:$0x2] =	stream.indirect.gather @!p1 [hbm4b:s12+s10], $0x80, s1, s10, $0xb8;
	[tilespmem:$0x1FD00] =	vst v63  }
0x46: {  	_ =	swait.ge [sflag:s25], $0x4000  }
0x47: {  	[sflag:s25] =	ssyncset.done $0x0  }
0x48: {  	p0 =	sle.u32 s6, $0x4;
	[sflag:s25] =	ssyncadd.s32 $0xFFFFC000  }
0x49: {  	s1 =	simm.s32 @!p0 $0x200;
	_ =	swait.ge [sflag:s26], $0x80  }
0x4a: {  	s10 =	sand.u32 @!p0 $0x7FFFFC00, s1;
	s1 =	sand.u32 @!p0 $0x300, s1;
	[sflag:s26] =	ssyncset.done $0x0  }
0x4b: {  	s13 =	sadd.s32 @!p0 s4, s10;
	s10 =	sadd.s32 $0xFFFFFFFF, s8;
	[sflag:s26] =	ssyncadd.s32 $0xFFFFFF80  }
0x4c: {  	[spmem:s2] =	stream.indirect.scatter.add.f32 [tilespmem:s22], [sflag:$0x3], $0x80, s21, s7, $0xb8;
	[tilespmem:$0x1FD00] =	vst v63  }
0x4d: {  	s8 =	simm.s32 @!p0 $0x4000;
	s1 =	sor.u32 @!p0 s1, s13;
	_ =	swait.ge [sflag:s31], $0x4000  }
0x4e: {  	s13 =	simm.s32 @!p0 $0x0;
	s1 =	sshrl.u32 @!p0 s1, $0x3;
	[sflag:s31] =	ssyncset.done $0x0  }
0x4f: {  	p2 =	sne.s32 s10, $0x0;
	s1 =	sadd.s32 @!p0 s5, s1;
	[sflag:s31] =	ssyncadd.s32 $0xFFFFC000  }
0x50: {  	[tilespmem:s8], [sflag:$0x5] =	stream.linear.gather @!p0 [hbm4b:s1+s13], $0x80, $0x38;
	[tilespmem:$0x1FD00] =	vst v63  }
.Ltmp1:
0x51: {  	s20 =	simm.s32 $0x200;
	(pc) =	sbr.rel @!p2 .LBB2_5-.Ltmp1, $4  }
0x52: {  	s1 =	simm.s32 @!p0 $0x200;
	s8 =	simm.s32 @!p0 $0x80;
	s13 =	simm.s32 @!p0 $0x4100  }
0x53: {  	[tilespmem:s13], [sflag:$0x1] =	stream.indirect.gather @!p0 [hbm4b:s12+s8], $0x80, s1, s8, $0xb8;
	[tilespmem:$0x1FD00] =	vst v63  }
0x54: {  	p1 =	sle.u32 s6, $0x5;
	s1 =	simm.s32 $0x280;
	_ =	swait.ge [sflag:s28], $0x4000  }
0x55: {  	s8 =	simm.s32 $0x5;
	p0 =	por $0x1, $0x1;
	[sflag:s28] =	ssyncset.done $0x0  }
.LBB2_4:
0x56: {  	s13 =	sand.u32 @!p1 $0xFFFFFC00, s20;
	s14 =	sadd.s32 @!p1 $0x80, s20;
	[sflag:s28] =	ssyncadd.s32 $0xFFFFC000  }
0x57: {  	s13 =	sadd.s32 @!p1 s4, s13;
	s14 =	sand.u32 @!p1 $0x380, s14;
	_ =	swait.ge [sflag:s29], $0x80  }
0x58: {  	s10 =	sadd.s32 $0xFFFFFFFF, s10;
	s13 =	sor.u32 @!p1 s13, s14;
	[sflag:s29] =	ssyncset.done $0x0  }
0x59: {  	p2 =	sne.s32 s10, $0x0;
	s13 =	sshrl.u32 @!p1 s13, $0x3;
	[sflag:s29] =	ssyncadd.s32 $0xFFFFFF80  }
0x5a: {  	[spmem:s2] =	stream.indirect.scatter.add.f32 [tilespmem:s24], [sflag:$0x4], $0x80, s23, s7, $0xb8;
	[tilespmem:$0x1FD00] =	vst v63  }
0x5b: {  	s13 =	sadd.s32 @!p1 s5, s13;
	_ =	swait.ge [sflag:s30], $0x4000  }
0x5c: {  	[sflag:s30] =	ssyncset.done $0x0  }
0x5d: {  	s15 =	simm.s32 @!p1 $0x4080;
	s14 =	simm.s32 @!p1 $0x0;
	[sflag:s30] =	ssyncadd.s32 $0xFFFFC000  }
0x5e: {  	[tilespmem:s15], [sflag:$0x6] =	stream.linear.gather @!p1 [hbm4b:s13+s14], $0x80, $0x38;
	[tilespmem:$0x1FD00] =	vst v63  }
0x5f: {  	s13 =	simm.s32 @!p1 $0x80;
	s14 =	simm.s32 @!p1 $0x8100  }
0x60: {  	[tilespmem:s14], [sflag:$0x2] =	stream.indirect.gather @!p1 [hbm4b:s12+s13], $0x80, s1, s13, $0xb8;
	[tilespmem:$0x1FD00] =	vst v63  }
0x61: {  	_ =	swait.ge [sflag:s25], $0x4000  }
0x62: {  	[sflag:s25] =	ssyncset.done $0x0  }
0x63: {  	s13 =	sadd.s32 $0x1, s8;
	[sflag:s25] =	ssyncadd.s32 $0xFFFFC000  }
0x64: {  	p1 =	sge.u32 s13, s6;
	_ =	swait.ge [sflag:s26], $0x80  }
0x65: {  	s13 =	sadd.s32 @!p1 $0x100, s20;
	[sflag:s26] =	ssyncset.done $0x0  }
0x66: {  	s14 =	sand.u32 @!p1 $0x7FFFFC00, s13;
	s13 =	sand.u32 @!p1 $0x300, s13;
	[sflag:s26] =	ssyncadd.s32 $0xFFFFFF80  }
0x67: {  	[spmem:s2] =	stream.indirect.scatter.add.f32 [tilespmem:s22], [sflag:$0x3], $0x80, s21, s7, $0xb8;
	[tilespmem:$0x1FD00] =	vst v63  }
0x68: {  	s14 =	sadd.s32 @!p1 s4, s14  }
0x69: {  	s13 =	sor.u32 @!p1 s13, s14;
	_ =	swait.ge [sflag:s31], $0x4000  }
0x6a: {  	s14 =	simm.s32 @!p1 $0x4000;
	s13 =	sshrl.u32 @!p1 s13, $0x3;
	[sflag:s31] =	ssyncset.done $0x0  }
0x6b: {  	s15 =	simm.s32 @!p1 $0x0;
	s13 =	sadd.s32 @!p1 s5, s13;
	[sflag:s31] =	ssyncadd.s32 $0xFFFFC000  }
0x6c: {  	[tilespmem:s14], [sflag:$0x5] =	stream.linear.gather @!p1 [hbm4b:s13+s15], $0x80, $0x38;
	[tilespmem:$0x1FD00] =	vst v63  }
.Ltmp2:
0x6d: {  	_ = 	snop;
	(pc) =	sbr.rel @p2 .LBB2_4-.Ltmp2, $4  }
0x6e: {  	s13 =	sadd.s32 @!p1 $0x80, s1;
	s14 =	simm.s32 @!p1 $0x80;
	s15 =	simm.s32 @!p1 $0x4100  }
0x6f: {  	[tilespmem:s15], [sflag:$0x1] =	stream.indirect.gather @!p1 [hbm4b:s12+s14], $0x80, s13, s14, $0xb8;
	[tilespmem:$0x1FD00] =	vst v63  }
0x70: {  	s8 =	sadd.s32 $0x2, s8;
	s1 =	sadd.s32 $0x100, s1;
	_ =	swait.ge [sflag:s28], $0x4000  }
0x71: {  	s20 =	sadd.s32 $0x100, s20;
	p1 =	sge.u32 s8, s6;
	[sflag:s28] =	ssyncset.done $0x0  }
.LBB2_5:
0x72: {  	[sflag:s28] =	ssyncadd.s32 @p0 $0xFFFFC000  }
0x73: {  	_ =	swait.ge @p0 [sflag:s29], $0x80  }
0x74: {  	s10 =	sand.u32 @!p1 $0xFFFFFC00, s20;
	s13 =	sadd.s32 @!p1 $0x80, s20;
	[sflag:s29] =	ssyncset.done @p0 $0x0  }
0x75: {  	s10 =	sadd.s32 @!p1 s4, s10;
	s13 =	sand.u32 @!p1 $0x380, s13;
	[sflag:s29] =	ssyncadd.s32 @p0 $0xFFFFFF80  }
0x76: {  	[spmem:s2] =	stream.indirect.scatter.add.f32 @p0 [tilespmem:s24], [sflag:$0x4], $0x80, s23, s7, $0xb8;
	[tilespmem:$0x1FD00] =	vst v63  }
0x77: {  	s10 =	sor.u32 @!p1 s10, s13;
	_ =	swait.ge [sflag:s30], $0x4000  }
0x78: {  	s14 =	simm.s32 @!p1 $0x4080;
	s10 =	sshrl.u32 @!p1 s10, $0x3;
	[sflag:s30] =	ssyncset.done $0x0  }
0x79: {  	s13 =	simm.s32 @!p1 $0x0;
	s10 =	sadd.s32 @!p1 s5, s10;
	[sflag:s30] =	ssyncadd.s32 $0xFFFFC000  }
0x7a: {  	[tilespmem:s14], [sflag:$0x6] =	stream.linear.gather @!p1 [hbm4b:s10+s13], $0x80, $0x38;
	[tilespmem:$0x1FD00] =	vst v63  }
0x7b: {  	s10 =	simm.s32 @!p1 $0x80;
	s13 =	simm.s32 @!p1 $0x8100  }
0x7c: {  	[tilespmem:s13], [sflag:$0x2] =	stream.indirect.gather @!p1 [hbm4b:s12+s10], $0x80, s1, s10, $0xb8;
	[tilespmem:$0x1FD00] =	vst v63  }
0x7d: {  	_ =	swait.ge [sflag:s25], $0x4000  }
0x7e: {  	s8 =	sadd.s32 $0x1, s8;
	[sflag:s25] =	ssyncset.done $0x0  }
0x7f: {  	p0 =	sge.u32 s8, s6;
	[sflag:s25] =	ssyncadd.s32 $0xFFFFC000  }
0x80: {  	s8 =	sadd.s32 @!p0 $0x100, s20;
	_ =	swait.ge [sflag:s26], $0x80  }
0x81: {  	s10 =	sand.u32 @!p0 $0x7FFFFC00, s8;
	[sflag:s26] =	ssyncset.done $0x0  }
0x82: {  	s8 =	sand.u32 @!p0 $0x300, s8;
	s10 =	sadd.s32 @!p0 s4, s10;
	[sflag:s26] =	ssyncadd.s32 $0xFFFFFF80  }
0x83: {  	[spmem:s2] =	stream.indirect.scatter.add.f32 [tilespmem:s22], [sflag:$0x3], $0x80, s21, s7, $0xb8;
	[tilespmem:$0x1FD00] =	vst v63  }
0x84: {  	s8 =	sor.u32 @!p0 s8, s10;
	_ =	swait.ge [sflag:s31], $0x4000  }
0x85: {  	s13 =	simm.s32 @!p0 $0x0;
	s8 =	sshrl.u32 @!p0 s8, $0x3;
	[sflag:s31] =	ssyncset.done $0x0  }
0x86: {  	s10 =	simm.s32 @!p0 $0x4000;
	s8 =	sadd.s32 @!p0 s5, s8;
	[sflag:s31] =	ssyncadd.s32 $0xFFFFC000  }
0x87: {  	[tilespmem:s10], [sflag:$0x5] =	stream.linear.gather @!p0 [hbm4b:s8+s13], $0x80, $0x38;
	[tilespmem:$0x1FD00] =	vst v63  }
0x88: {  	s1 =	sadd.s32 @!p0 $0x80, s1;
	s8 =	simm.s32 @!p0 $0x80;
	s10 =	simm.s32 @!p0 $0x4100  }
0x89: {  	[tilespmem:s10], [sflag:$0x1] =	stream.indirect.gather @!p0 [hbm4b:s12+s8], $0x80, s1, s8, $0xb8;
	[tilespmem:$0x1FD00] =	vst v63  }
0x8a: {  	_ =	swait.ge [sflag:s28], $0x4000  }
0x8b: {  	[sflag:s28] =	ssyncset.done $0x0  }
0x8c: {  	[sflag:s28] =	ssyncadd.s32 $0xFFFFC000  }
0x8d: {  	_ =	swait.ge [sflag:s29], $0x80  }
0x8e: {  	[sflag:s29] =	ssyncset.done $0x0  }
0x8f: {  	[sflag:s29] =	ssyncadd.s32 $0xFFFFFF80  }
0x90: {  	[spmem:s2] =	stream.indirect.scatter.add.f32 [tilespmem:s24], [sflag:$0x4], $0x80, s23, s7, $0xb8;
	[tilespmem:$0x1FD00] =	vst v63  }
0x91: {  	_ =	swait.ge [sflag:s30], $0x4000  }
0x92: {  	[sflag:s30] =	ssyncset.done $0x0  }
0x93: {  	[sflag:s30] =	ssyncadd.s32 $0xFFFFC000  }
0x94: {  	[bflag:$0x0] =	sbarrier.arrive $0xFFFF  }
0x95: {  	s15 =	rddreg [dreg:$0x5]  }
0x96: {  	[hbm:s15], [sflag:s9] =	dma.local [spmem:s18], $0x2780  }
0x97: {  	_ =	swait.ge [sflag:s19], $0x2780  }
0x98: {  	s0 =	sadd.s32 $0x1, s0;
	s20 =	rddreg [dreg:$0x6]  }
0x99: {  	p0 =	sne.s32 s0, s20  }
.Ltmp3:
0x9a: {  	_ = 	snop;
	(pc) =	sbr.rel @p0 .LBB2_1-.Ltmp3, $4  }
.Ltmp4:
0x9b: {  	_ = 	snop;
	(pc) =	sbr.rel @!p0 .LBB2_6-.Ltmp4, $4  }
0x9c: {  	_ = 	snop  }
0x9d: {  	[sflag:s19] =	ssyncset.done $0x0  }
0x9e: {  	[sflag:s19] =	ssyncadd.s32 $0xFFFFD880  }
0x9f: {  	_ = 	snop  }
.LBB2_2:
.Ltmp5:
0xa0: {  	(pc) =	sbr.rel .LBB2_5-.Ltmp5, $2  }
0xa1: {  	_ =	sdelay $0x2  }
0xa2: {  	s8 =	simm.s32 $0x3  }
.LBB2_6:
0xa3: {  	_ =	sfence.sel $0x180000  }
0xa4: {  	[bflag:$0x0] =	sbarrier.arrive $0xFFFF  }
0xa5: {  	_ =	strace $0x9000004A  }
0xa6: {  	s0 =	stileid.u32;
	[bflag:$0x2] =	sbarrier.arrive $0xFFFF  }
0xa7: {  	p0 =	sne.s32 s0, $0x0;
	s0 =	rddreg [dreg:$0x2]  }
0xa8: {  	s0 =	sadd.s32 @!p0 $0x100000, s0  }
0xa9: {  	[sflag:s0] =	ssyncadd.tile.s32 @!p0 $0x1;
	_ =	shalt  }
.Lfunc_end2:
_tile_overlayer_lowered:
.L_overlay_start_2:
0xaa: {  	(tag) =	ssettag $0x2  }
0xab: {  	s0 =	rddreg [dreg:$0x0];
	s2 =	stileid.u32  }
0xac: {  	s1 =	rddreg [dreg:$0x1];
	p0 =	sne.s32 s2, $0x0  }
0xad: {  	s3 =	rddreg [dreg:$0x2];
	[bflag:$0x3] =	sbarrier.arrive $0xFFFF;
	s2 =	simm.s32 @!p0 $0x1C07  }
0xae: {  	[timem:s3], [sflag:s2] =	dma.local @!p0 [hbm:s0], s1  }
0xaf: {  	s0 =	simm.s32 @!p0 $0x7  }
0xb0: {  	_ =	swait.ge @!p0 [sflag:s0], s1  }
0xb1: {  	s1 =	ssub.s32 @!p0 $0x0, s1;
	[sflag:s0] =	ssyncset.done @!p0 $0x0  }
0xb2: {  	[sflag:s0] =	ssyncadd.s32 @!p0 s1  }
0xb3: {  	[bflag:$0x3] =	sbarrier.arrive $0xFFFF  }
0xb4: {  	_ =	shalt  }

// kernel: kernel.14.cloned.1.call-start
scs
__scs_entry_jumppad:
0x0: {  	(pc) =	sbr.rel $0x88, $3  }
0x1: {  	(tag) =	ssettag $0x0;
	lr =	simm.s32 $0x1  }
0x2: {  	[smem:$0x3F90] =	sst lr;
	_ =	strace $0xD0000000  }
0x3: {  	_ = 	snop  }
0x4: {  	_ = 	snop  }
0x5: {  	_ = 	snop  }
0x6: {  	_ = 	snop  }
0x7: {  	_ = 	snop  }
__scs_overlays_trampoline_lowered:
0x8: {  	[smem:$0x3F9F] =	sst s0  }
0x9: {  	[smem:$0x3FA0] =	sst s1  }
0xa: {  	[smem:$0x3FA1] =	sst s2  }
0xb: {  	[smem:$0x3FA2] =	sst s3  }
0xc: {  	[smem:$0x3FA3] =	sst s4  }
0xd: {  	[smem:$0x3FA4] =	sst s5  }
0xe: {  	[smem:$0x3FA5] =	sst s6  }
0xf: {  	[smem:$0x3FA6] =	sst s7  }
0x10: {  	[smem:$0x3FA7] =	sst s8  }
0x11: {  	[smem:$0x3FA8] =	sst s9;
	s0 =	simm.s32 @!p0 $0x0  }
0x12: {  	s1 =	sld [smem:$0x3F8E];
	s0 =	simm.s32 @p0 $0x1  }
0x13: {  	[smem:$0x3FA9] =	sst s0;
	s0 =	simm.s32 @!p1 $0x0  }
0x14: {  	s2 =	sld [smem:$0x3F8D];
	s0 =	simm.s32 @p1 $0x1  }
0x15: {  	[smem:$0x3FAA] =	sst s0;
	s0 =	simm.s32 @!p2 $0x0  }
0x16: {  	s3 =	sld [smem:$0x3FDB];
	s0 =	simm.s32 @p2 $0x1  }
0x17: {  	s4 =	simm.s32 $0x1BF5;
	[smem:$0x3FAC] =	sst s0  }
0x18: {  	s0 =	sld [smem:$0x3F8F];
	_ =	swait.ge [sflag:s4], $0x0  }
0x19: {  	s7 =	sld [smem:$0x3F90]  }
0x1a: {  	s8 =	sadd.s32 $0xFFFFE003, lr  }
0x1b: {  	s9 =	sadd.s32 $0xFFFFFEF7, lr;
	s5 =	simm.s32 $0xFFFFFFFF;
	p2 =	slt.u32 s8, $0xFFFFF086  }
0x1c: {  	p1 =	slt.u32 s9, $0xF7A;
	s5 =	simm.s32 @!p2 $0x0  }
0x1d: {  	s5 =	simm.s32 @p1 $0x1;
	p0 =	seq.s32 s7, s2  }
0x1e: {  	s7 =	smul.u32 @!p0 $0xF7A, s2;
	p2 =	seq.s32 @!p0 s5, $0x0  }
0x1f: {  	s9 =	smul.u32 $0xF7A, s1;
	s8 =	simm.s32 @!p0 $0x1BF5;
	p2 =	por !p2, p0  }
0x20: {  	[sflag:s8] =	ssyncset.s32 @!p0 $0xFFFFF086;
	s6 =	sadd.s32 @!p0 s3, s7;
	s7 =	simm.s32 @!p0 $0x108  }
0x21: {  	s3 =	sadd.s32 s3, s9;
	s6 =	sadd.s32 @!p0 $0x88, s6;
	s7 =	simm.s32 @p2 $0x1082  }
0x22: {  	[simem:s7], [sflag:s8] =	dma.local @!p0 [hbm:s6], $0xF7A  }
0x23: {  	s9 =	sor.u32 $0xD0000000, s2;
	s6 =	simm.s32 $0x108;
	_ =	swait.ge @!p0 [sflag:s8], $0x0  }
0x24: {  	s3 =	sadd.s32 $0x88, s3;
	s6 =	simm.s32 @!p1 $0x1082;
	[sflag:s4] =	ssyncset.s32 $0xFFFFF086  }
0x25: {  	[simem:s6], [sflag:s4] =	dma.local [hbm:s3], $0xF7A  }
0x26: {  	[smem:$0x3F90] =	sst s1;
	(tag) =	ssettag s2;
	_ =	strace s9  }
0x27: {  	s1 =	sld [smem:$0x3FA0]  }
0x28: {  	s2 =	sld [smem:$0x3FA1]  }
0x29: {  	s4 =	sld [smem:$0x3FA3]  }
0x2a: {  	p0 =	seq.s32 s5, $0x0;
	s5 =	sld [smem:$0x3FA4]  }
0x2b: {  	s6 =	sld [smem:$0x3FA5]  }
0x2c: {  	s7 =	sld [smem:$0x3FA6]  }
0x2d: {  	s3 =	simm.s32 $0x108;
	s8 =	sld [smem:$0x3FA7]  }
0x2e: {  	s3 =	simm.s32 @!p0 $0x1082;
	s9 =	sld [smem:$0x3FA8]  }
0x2f: {  	lr =	sadd.s32 s0, s3;
	s0 =	sld [smem:$0x3F9F]  }
0x30: {  	s3 =	sld [smem:$0x3FA2]  }
0x31: {  	[smem:$0x3FAB] =	sst s10  }
0x32: {  	s10 =	sld [smem:$0x3FA9];
	_ =	sdelay $0x3  }
0x33: {  	p0 =	seq.s32 s10, $0x1;
	s10 =	sld [smem:$0x3FAB];
	_ =	sdelay $0x3  }
0x34: {  	[smem:$0x3FAB] =	sst s10  }
0x35: {  	s10 =	sld [smem:$0x3FAA];
	_ =	sdelay $0x3  }
0x36: {  	p1 =	seq.s32 s10, $0x1;
	s10 =	sld [smem:$0x3FAB];
	_ =	sdelay $0x3  }
0x37: {  	[smem:$0x3FAB] =	sst s10  }
0x38: {  	s10 =	sld [smem:$0x3FAC]  }
0x39: {  	_ = 	snop;
	(pc) =	sbr.ind lr, $3  }
0x3a: {  	_ = 	snop  }
0x3b: {  	_ = 	snop  }
0x3c: {  	p2 =	seq.s32 s10, $0x1;
	s10 =	sld [smem:$0x3FAB]  }
0x3d: {  	_ =	shalt  }
0x3e: {  	_ =	shalt  }
0x3f: {  	_ =	shalt  }
0x40: {  	_ =	shalt  }
0x41: {  	_ =	shalt  }
0x42: {  	_ =	shalt  }
0x43: {  	_ =	shalt  }
0x44: {  	_ =	shalt  }
0x45: {  	_ =	shalt  }
0x46: {  	_ =	shalt  }
0x47: {  	_ =	shalt  }
0x48: {  	_ =	shalt  }
0x49: {  	_ =	shalt  }
0x4a: {  	_ =	shalt  }
0x4b: {  	_ =	shalt  }
0x4c: {  	_ =	shalt  }
0x4d: {  	_ =	shalt  }
0x4e: {  	_ =	shalt  }
0x4f: {  	_ =	shalt  }
0x50: {  	_ =	shalt  }
0x51: {  	_ =	shalt  }
0x52: {  	_ =	shalt  }
0x53: {  	_ =	shalt  }
0x54: {  	_ =	shalt  }
0x55: {  	_ =	shalt  }
0x56: {  	_ =	shalt  }
0x57: {  	_ =	shalt  }
0x58: {  	_ =	shalt  }
0x59: {  	_ =	shalt  }
0x5a: {  	_ =	shalt  }
0x5b: {  	_ =	shalt  }
0x5c: {  	_ =	shalt  }
0x5d: {  	_ =	shalt  }
0x5e: {  	_ =	shalt  }
0x5f: {  	_ =	shalt  }
0x60: {  	_ =	shalt  }
0x61: {  	_ =	shalt  }
0x62: {  	_ =	shalt  }
0x63: {  	_ =	shalt  }
0x64: {  	_ =	shalt  }
0x65: {  	_ =	shalt  }
0x66: {  	_ =	shalt  }
0x67: {  	_ =	shalt  }
0x68: {  	_ =	shalt  }
0x69: {  	_ =	shalt  }
0x6a: {  	_ =	shalt  }
0x6b: {  	_ =	shalt  }
0x6c: {  	_ =	shalt  }
0x6d: {  	_ =	shalt  }
0x6e: {  	_ =	shalt  }
0x6f: {  	_ =	shalt  }
0x70: {  	_ =	shalt  }
0x71: {  	_ =	shalt  }
0x72: {  	_ =	shalt  }
0x73: {  	_ =	shalt  }
0x74: {  	_ =	shalt  }
0x75: {  	_ =	shalt  }
0x76: {  	_ =	shalt  }
0x77: {  	_ =	shalt  }
0x78: {  	_ =	shalt  }
0x79: {  	_ =	shalt  }
0x7a: {  	_ =	shalt  }
0x7b: {  	_ =	shalt  }
0x7c: {  	_ =	shalt  }
0x7d: {  	_ =	shalt  }
0x7e: {  	_ =	shalt  }
0x7f: {  	_ =	shalt  }
0x80: {  	_ =	shalt  }
0x81: {  	_ =	shalt  }
0x82: {  	_ =	shalt  }
0x83: {  	_ =	shalt  }
0x84: {  	_ =	shalt  }
0x85: {  	_ =	shalt  }
0x86: {  	_ =	shalt  }
0x87: {  	_ =	shalt  }
.Lfunc_end0:
.L_simem_size_0:
called_computation.2_lowered:
.L_overlay_start_0:
0x88: {  	s2 =	sld [smem:$0x3FD9]  }
0x89: {  	s3 =	sld [smem:$0x3FFE];
	_ =	sdelay $0x1  }
0x8a: {  	s1 =	srdreg.scid  }
0x8b: {  	s0 =	sand.u32 $0x1, s1  }
0x8c: {  	s16 =	sshll.u32 s0, $0xA;
	s2 =	sadd.s32 s3, s2  }
0x8d: {  	s2 =	sadd.s32 s2, s16  }
0x8e: {  	[smem:$0x3FB7] =	sst s2  }
0x8f: {  	_ = 	snop  }
0x90: {  	(tm) =	ssettm $0x1  }
0x91: {  	s17 =	sld [smem:$0x3FFB];
	_ =	sdelay $0x3  }
0x92: {  	_ =	strace s17  }
0x93: {  	s2 =	sld [smem:$0x3FFC];
	_ =	sdelay $0x3  }
0x94: {  	_ =	strace s2  }
0x95: {  	s2 =	sld [smem:$0x3FFD];
	_ =	sdelay $0x3  }
0x96: {  	_ =	strace s2  }
0x97: {  	_ =	strace $0x8FFFFFFF  }
0x98: {  	s18 =	sld [smem:$0x3FDB];
	_ =	sdelay $0x1  }
0x99: {  	s19 =	simm.s32 $_scs_section_size  }
0x9a: {  	s4 =	simm.s32 $_size__tile_overlayer_lowered;
	s5 =	simm.s32 $_tile_overlayer_lowered  }
0x9b: {  	s22 =	simm.s32 $0x1BFF;
	s21 =	sshll.u32 s5, $0x1;
	s2 =	sadd.s32 s19, s18  }
0x9c: {  	s6 =	simm.s32 $0x0;
	s20 =	sshll.u32 s4, $0x1;
	s4 =	sadd.s32 s21, s2  }
0x9d: {  	[timem:s6], [sflag:s22] =	dma.local [hbm:s4], s20  }
0x9e: {  	_ =	swait.ge [sflag:s22], s20  }
0x9f: {  	s3 =	ssub.s32 $0x0, s20;
	[sflag:s22] =	ssyncset.done $0x0  }
0xa0: {  	[sflag:s22] =	ssyncadd.s32 s3;
	_ =	sdelay $0x1  }
0xa1: {  	s23 =	simm.s32 $0x1B8B  }
0xa2: {  	_ =	swait.ge [sflag:s23], $0x1  }
0xa3: {  	[sflag:s23] =	ssyncset.done $0x0  }
0xa4: {  	s25 =	simm.s32 $0x1B8E;
	s24 =	sld [smem:$0x3FFE];
	[sflag:s23] =	ssyncadd.s32 $0xFFFFFFFF  }
0xa5: {  	s26 =	simm.s32 $execute0_lowered;
	[smem:$0x3FD2] =	sst s25  }
0xa6: {  	s4 =	sshll.u32 s26, $0x1;
	_ =	strace $0x8000004C;
	[dreg:$0x1] =	wrdreg $0xFFFFFFFF  }
0xa7: {  	s28 =	simm.s32 $_size_execute0_lowered;
	s2 =	sadd.s32 s2, s4;
	[dreg:$0x0] =	wrdreg $0x0  }
0xa8: {  	s4 =	sshll.u32 s28, $0x1;
	[dreg:$0x2] =	wrdreg s2  }
0xa9: {  	[dreg:$0x3] =	wrdreg s4  }
0xaa: {  	[dreg:$0x4] =	wrdreg $0xC0  }
0xab: {  	_ =	task [dreg:s6], $0x5FFFF  }
0xac: {  	[dreg:$0x1] =	wrdreg $0xFFFFFFFF  }
0xad: {  	[dreg:$0x0] =	wrdreg $0x60  }
0xae: {  	[dreg:$0x2] =	wrdreg s24  }
0xaf: {  	[dreg:$0x3] =	wrdreg $0xC1000  }
0xb0: {  	[dreg:$0x4] =	wrdreg $0x9  }
0xb1: {  	_ =	task.clear_ibuf [dreg:s6], $0x5FFFF;
	_ =	strace $0x9000004C  }
0xb2: {  	s29 =	simm.s32 $0x9;
	_ =	strace $0x8000004E  }
0xb3: {  	_ =	swait.ge [sflag:s29], $0x1  }
0xb4: {  	[sflag:s29] =	ssyncadd.s32 $0xFFFFFFFF  }
0xb5: {  	_ =	strace $0x9000004E  }
0xb6: {  	_ =	sfence  }
0xb7: {  	s30 =	sld [smem:$0x0];
	_ =	sdelay $0x2  }
0xb8: {  	s31 =	sshll.u32 s1, $0xD;
	s1 =	sshrl.u32 s1, $0x2  }
0xb9: {  	s3 =	sand.u32 $0x4000, s31;
	s1 =	sadd.s32 s1, s30  }
0xba: {  	s0 =	sor.u32 s3, s0;
	s1 =	sshll.u32 s1, $0x11  }
0xbb: {  	s0 =	sor.u32 s1, s0  }
0xbc: {  	s0 =	sadd.s32 $0x8F2B, s0  }
0xbd: {  	[sflag:s0] =	ssyncadd.remote.s32 $0x1  }
0xbe: {  	_ =	sfence.sel $0xFFFF  }
0xbf: {  	[dreg:$0x0] =	wrdreg $0xFFFFFFFF;
	(pc) =	sbr.abs _section_cstart, $3  }
0xc0: {  	[dreg:$0x1] =	wrdreg $0xFFFFFFFF  }
0xc1: {  	_ =	task.clear_ibuf [dreg:s6], $0x2FFFF;
	_ =	strace $0x9FFFFFFF  }
0xc2: {  	(tm) =	ssettm $0x7FFFFFFF  }
0xc3: {  	_ =	shalt  }
tec
execute0_lowered:
.L_overlay_start_1:
0x0: {  	(tag) =	ssettag $0x1  }
0x1: {  	s0 =	rddreg [dreg:$0x0]  }
0x2: {  	s2 =	rddreg [dreg:$0x1]  }
0x3: {  	s1 =	srdreg.scid;
	s15 =	stileid.u32  }
0x4: {  	s3 =	simm.s32 $0x0;
	s28 =	simm.s32 $0x2;
	s29 =	simm.s32 $0x6  }
0x5: {  	s30 =	simm.s32 $0x4;
	s31 =	simm.s32 $0x3;
	s6 =	smul.u32 $0x13C00, s15  }
0x6: {  	s1 =	sand.u32 $0x1, s1;
	s4 =	sshll.u32 s15, $0x1;
	s13 =	smul.u32 $0x4F000, s15  }
0x7: {  	[smem:$0x7FF] =	sst s3;
	s23 =	sshll.u32 s15, $0x6;
	s5 =	smul.u32 $0x13C000, s1  }
0x8: {  	s8 =	sor.u32 s1, s4;
	_ =	strace $0x8000004D;
	s20 =	ssub.s32 $0x2, s1  }
0x9: {  	p0 =	seq.s32 s1, $0x0;
	s4 =	sshll.u32 s8, $0xE;
	s7 =	sshll.u32 s8, $0x7  }
0xa: {  	s10 =	sshrl.u32 s6, $0x3;
	s11 =	sshrl.u32 s20, $0x1;
	s22 =	sshrl.u32 s13, $0x2  }
0xb: {  	s8 =	sshll.u32 s8, $0xB;
	s7 =	sor.u32 s7, s4;
	s9 =	sshrl.u32 s5, $0x3  }
0xc: {  	s18 =	sadd.s32 s10, s0;
	s5 =	sadd.s32 s6, s5;
	s14 =	ssub.s32 s20, s11  }
0xd: {  	s6 =	simm.s32 $0x80;
	s1 =	sadd.s32 s22, s2;
	s22 =	simm.s32 $0x4100  }
0xe: {  	s7 =	sand.u32 $0x60380, s7;
	s12 =	sadd.s32 s9, s0;
	s21 =	sshrl.u32 s5, $0x3  }
0xf: {  	s5 =	sadd.s32 $0x3E00, s0;
	s6 =	simm.s32 @!p0 $0x20;
	s9 =	sadd.s32 $0x72E00, s18  }
0x10: {  	s25 =	smax.u32 s14, $0x1;
	s18 =	sshrl.u32 s1, $0x3;
	s7 =	sshrl.u32 s7, $0x3  }
0x11: {  	[dreg:$0x3] =	wrdreg s9;
	s9 =	sor.u32 $0x1C07, s23;
	s11 =	sadd.s32 s5, s8  }
0x12: {  	s12 =	sadd.s32 $0x23E00, s12;
	s24 =	sshrl.u32 s6, $0x1;
	[dreg:$0x6] =	wrdreg s25  }
0x13: {  	s23 =	simm.s32 $0x4080;
	s25 =	simm.s32 $0x1;
	s19 =	sadd.s32 s7, s0  }
0x14: {  	s0 =	sadd.s32 s21, s0;
	s7 =	simm.s32 $0x80;
	s26 =	sadd.s32 $0x10, s11  }
0x15: {  	s16 =	sadd.s32 $0x20, s11;
	s17 =	sadd.s32 $0xFFFFFFFF, s24;
	s21 =	simm.s32 $0x4000  }
0x16: {  	s24 =	simm.s32 $0x8100;
	s10 =	sadd.s32 $0x13E00, s19;
	[dreg:$0x7] =	wrdreg s26  }
0x17: {  	s0 =	sadd.s32 $0x9A600, s0;
	s19 =	simm.s32 $0x7;
	[dreg:$0x4] =	wrdreg s10  }
0x18: {  	s26 =	simm.s32 $0x5;
	[dreg:$0x5] =	wrdreg s0;
	s0 =	simm.s32 $0x0  }
.LBB2_1:
0x19: {  	s1 =	rddreg [dreg:$0x3]  }
0x1a: {  	[spmem:s18], [sflag:s9] =	dma.local [hbm:s1], $0x2780  }
0x1b: {  	_ =	swait.ge [sflag:s19], $0x2780  }
0x1c: {  	[sflag:s19] =	ssyncset.done $0x0  }
0x1d: {  	s8 =	simm.s32 $0x400;
	s15 =	rddreg [dreg:$0x4];
	[sflag:s19] =	ssyncadd.s32 $0xFFFFD880  }
0x1e: {  	[tilespmem:s3], [sflag:$0x7] =	stream.strided.gather [hbm4b:s15+s7], $0x4000, s8, s7, $0x38;
	[tilespmem:$0x1FD00] =	vst v63  }
0x1f: {  	_ =	swait.ge [sflag:s19], $0x4000  }
0x20: {  	[sflag:s19] =	ssyncset.done $0x0  }
0x21: {  	[sflag:s19] =	ssyncadd.s32 $0xFFFFC000  }
0x22: {  	[bflag:$0x0] =	sbarrier.arrive $0xFFFF  }
0x23: {  	[tilespmem:s21], [sflag:$0x5] =	stream.linear.gather [hbm4b:s11+s3], $0x80, $0x38;
	[tilespmem:$0x1FD00] =	vst v63  }
0x24: {  	_ = 	snop  }
0x25: {  	[tilespmem:s22], [sflag:$0x1] =	stream.indirect.gather [hbm4b:s12+s7], $0x80, s3, s7, $0xb8;
	[tilespmem:$0x1FD00] =	vst v63  }
0x26: {  	s20 =	rddreg [dreg:$0x7]  }
0x27: {  	[tilespmem:s23], [sflag:$0x6] =	stream.linear.gather [hbm4b:s20+s3], $0x80, $0x38;
	[tilespmem:$0x1FD00] =	vst v63  }
0x28: {  	_ = 	snop  }
0x29: {  	[tilespmem:s24], [sflag:$0x2] =	stream.indirect.gather [hbm4b:s12+s7], $0x80, s7, s7, $0xb8;
	[tilespmem:$0x1FD00] =	vst v63  }
0x2a: {  	_ =	swait.ge [sflag:s25], $0x4000  }
0x2b: {  	[sflag:s25] =	ssyncset.done $0x0  }
0x2c: {  	[sflag:s25] =	ssyncadd.s32 $0xFFFFC000  }
0x2d: {  	_ =	swait.ge [sflag:s26], $0x80  }
0x2e: {  	[sflag:s26] =	ssyncset.done $0x0  }
0x2f: {  	[sflag:s26] =	ssyncadd.s32 $0xFFFFFF80  }
0x30: {  	[spmem:s2] =	stream.indirect.scatter.add.f32 [tilespmem:s22], [sflag:$0x3], $0x80, s21, s7, $0xb8;
	[tilespmem:$0x1FD00] =	vst v63  }
0x31: {  	_ =	swait.ge [sflag:s31], $0x4000  }
0x32: {  	[sflag:s31] =	ssyncset.done $0x0  }
0x33: {  	[sflag:s31] =	ssyncadd.s32 $0xFFFFC000  }
0x34: {  	[tilespmem:s21], [sflag:$0x5] =	stream.linear.gather [hbm4b:s16+s3], $0x80, $0x38;
	[tilespmem:$0x1FD00] =	vst v63  }
0x35: {  	s20 =	simm.s32 $0x100  }
0x36: {  	[tilespmem:s22], [sflag:$0x1] =	stream.indirect.gather [hbm4b:s12+s7], $0x80, s20, s7, $0xb8;
	[tilespmem:$0x1FD00] =	vst v63  }
0x37: {  	s8 =	sadd.s32 $0xFFFFFFFF, s17;
	_ =	swait.ge [sflag:s28], $0x4000  }
0x38: {  	p2 =	sne.s32 s8, $0x0;
	[sflag:s28] =	ssyncset.done $0x0  }
.Ltmp0:
0x39: {  	[sflag:s28] =	ssyncadd.s32 $0xFFFFC000;
	(pc) =	sbr.rel @!p2 .LBB2_2-.Ltmp0, $4  }
0x3a: {  	_ =	swait.ge [sflag:s29], $0x80  }
0x3b: {  	p1 =	sle.u32 s6, $0x3;
	[sflag:s29] =	ssyncset.done $0x0  }
0x3c: {  	p0 =	por $0x0, $0x0;
	s1 =	simm.s32 $0x180;
	[sflag:s29] =	ssyncadd.s32 $0xFFFFFF80  }
0x3d: {  	[spmem:s2] =	stream.indirect.scatter.add.f32 [tilespmem:s24], [sflag:$0x4], $0x80, s23, s7, $0xb8;
	[tilespmem:$0x1FD00] =	vst v63  }
0x3e: {  	s10 =	sand.u32 @!p1 $0xFFFFFC00, s20;
	s20 =	simm.s32 @!p1 $0x180  }
0x3f: {  	s10 =	sadd.s32 @!p1 s4, s10;
	s20 =	sand.u32 @!p1 $0x380, s20  }
0x40: {  	_ =	swait.ge [sflag:s30], $0x4000;
	s10 =	sor.u32 @!p1 s10, s20  }
0x41: {  	s13 =	simm.s32 @!p1 $0x4080;
	[sflag:s30] =	ssyncset.done $0x0;
	s10 =	sshrl.u32 @!p1 s10, $0x3  }
0x42: {  	[sflag:s30] =	ssyncadd.s32 $0xFFFFC000;
	s20 =	simm.s32 @!p1 $0x0;
	s10 =	sadd.s32 @!p1 s5, s10  }
0x43: {  	[tilespmem:s13], [sflag:$0x6] =	stream.linear.gather @!p1 [hbm4b:s10+s20], $0x80, $0x38;
	[tilespmem:$0x1FD00] =	vst v63  }
0x44: {  	s10 =	simm.s32 @!p1 $0x80;
	s13 =	simm.s32 @!p1 $0x8100  }
0x45: {  	[tilespmem:s13], [sflag:$0x2] =	stream.indirect.gather @!p1 [hbm4b:s12+s10], $0x80, s1, s10, $0xb8;
	[tilespmem:$0x1FD00] =	vst v63  }
0x46: {  	_ =	swait.ge [sflag:s25], $0x4000  }
0x47: {  	[sflag:s25] =	ssyncset.done $0x0  }
0x48: {  	p0 =	sle.u32 s6, $0x4;
	[sflag:s25] =	ssyncadd.s32 $0xFFFFC000  }
0x49: {  	s1 =	simm.s32 @!p0 $0x200;
	_ =	swait.ge [sflag:s26], $0x80  }
0x4a: {  	s10 =	sand.u32 @!p0 $0x7FFFFC00, s1;
	s1 =	sand.u32 @!p0 $0x300, s1;
	[sflag:s26] =	ssyncset.done $0x0  }
0x4b: {  	s13 =	sadd.s32 @!p0 s4, s10;
	s10 =	sadd.s32 $0xFFFFFFFF, s8;
	[sflag:s26] =	ssyncadd.s32 $0xFFFFFF80  }
0x4c: {  	[spmem:s2] =	stream.indirect.scatter.add.f32 [tilespmem:s22], [sflag:$0x3], $0x80, s21, s7, $0xb8;
	[tilespmem:$0x1FD00] =	vst v63  }
0x4d: {  	s8 =	simm.s32 @!p0 $0x4000;
	s1 =	sor.u32 @!p0 s1, s13;
	_ =	swait.ge [sflag:s31], $0x4000  }
0x4e: {  	s13 =	simm.s32 @!p0 $0x0;
	s1 =	sshrl.u32 @!p0 s1, $0x3;
	[sflag:s31] =	ssyncset.done $0x0  }
0x4f: {  	p2 =	sne.s32 s10, $0x0;
	s1 =	sadd.s32 @!p0 s5, s1;
	[sflag:s31] =	ssyncadd.s32 $0xFFFFC000  }
0x50: {  	[tilespmem:s8], [sflag:$0x5] =	stream.linear.gather @!p0 [hbm4b:s1+s13], $0x80, $0x38;
	[tilespmem:$0x1FD00] =	vst v63  }
.Ltmp1:
0x51: {  	s20 =	simm.s32 $0x200;
	(pc) =	sbr.rel @!p2 .LBB2_5-.Ltmp1, $4  }
0x52: {  	s1 =	simm.s32 @!p0 $0x200;
	s8 =	simm.s32 @!p0 $0x80;
	s13 =	simm.s32 @!p0 $0x4100  }
0x53: {  	[tilespmem:s13], [sflag:$0x1] =	stream.indirect.gather @!p0 [hbm4b:s12+s8], $0x80, s1, s8, $0xb8;
	[tilespmem:$0x1FD00] =	vst v63  }
0x54: {  	p1 =	sle.u32 s6, $0x5;
	s1 =	simm.s32 $0x280;
	_ =	swait.ge [sflag:s28], $0x4000  }
0x55: {  	s8 =	simm.s32 $0x5;
	p0 =	por $0x1, $0x1;
	[sflag:s28] =	ssyncset.done $0x0  }
.LBB2_4:
0x56: {  	s13 =	sand.u32 @!p1 $0xFFFFFC00, s20;
	s14 =	sadd.s32 @!p1 $0x80, s20;
	[sflag:s28] =	ssyncadd.s32 $0xFFFFC000  }
0x57: {  	s13 =	sadd.s32 @!p1 s4, s13;
	s14 =	sand.u32 @!p1 $0x380, s14;
	_ =	swait.ge [sflag:s29], $0x80  }
0x58: {  	s10 =	sadd.s32 $0xFFFFFFFF, s10;
	s13 =	sor.u32 @!p1 s13, s14;
	[sflag:s29] =	ssyncset.done $0x0  }
0x59: {  	p2 =	sne.s32 s10, $0x0;
	s13 =	sshrl.u32 @!p1 s13, $0x3;
	[sflag:s29] =	ssyncadd.s32 $0xFFFFFF80  }
0x5a: {  	[spmem:s2] =	stream.indirect.scatter.add.f32 [tilespmem:s24], [sflag:$0x4], $0x80, s23, s7, $0xb8;
	[tilespmem:$0x1FD00] =	vst v63  }
0x5b: {  	s13 =	sadd.s32 @!p1 s5, s13;
	_ =	swait.ge [sflag:s30], $0x4000  }
0x5c: {  	[sflag:s30] =	ssyncset.done $0x0  }
0x5d: {  	s15 =	simm.s32 @!p1 $0x4080;
	s14 =	simm.s32 @!p1 $0x0;
	[sflag:s30] =	ssyncadd.s32 $0xFFFFC000  }
0x5e: {  	[tilespmem:s15], [sflag:$0x6] =	stream.linear.gather @!p1 [hbm4b:s13+s14], $0x80, $0x38;
	[tilespmem:$0x1FD00] =	vst v63  }
0x5f: {  	s13 =	simm.s32 @!p1 $0x80;
	s14 =	simm.s32 @!p1 $0x8100  }
0x60: {  	[tilespmem:s14], [sflag:$0x2] =	stream.indirect.gather @!p1 [hbm4b:s12+s13], $0x80, s1, s13, $0xb8;
	[tilespmem:$0x1FD00] =	vst v63  }
0x61: {  	_ =	swait.ge [sflag:s25], $0x4000  }
0x62: {  	[sflag:s25] =	ssyncset.done $0x0  }
0x63: {  	s13 =	sadd.s32 $0x1, s8;
	[sflag:s25] =	ssyncadd.s32 $0xFFFFC000  }
0x64: {  	p1 =	sge.u32 s13, s6;
	_ =	swait.ge [sflag:s26], $0x80  }
0x65: {  	s13 =	sadd.s32 @!p1 $0x100, s20;
	[sflag:s26] =	ssyncset.done $0x0  }
0x66: {  	s14 =	sand.u32 @!p1 $0x7FFFFC00, s13;
	s13 =	sand.u32 @!p1 $0x300, s13;
	[sflag:s26] =	ssyncadd.s32 $0xFFFFFF80  }
0x67: {  	[spmem:s2] =	stream.indirect.scatter.add.f32 [tilespmem:s22], [sflag:$0x3], $0x80, s21, s7, $0xb8;
	[tilespmem:$0x1FD00] =	vst v63  }
0x68: {  	s14 =	sadd.s32 @!p1 s4, s14  }
0x69: {  	s13 =	sor.u32 @!p1 s13, s14;
	_ =	swait.ge [sflag:s31], $0x4000  }
0x6a: {  	s14 =	simm.s32 @!p1 $0x4000;
	s13 =	sshrl.u32 @!p1 s13, $0x3;
	[sflag:s31] =	ssyncset.done $0x0  }
0x6b: {  	s15 =	simm.s32 @!p1 $0x0;
	s13 =	sadd.s32 @!p1 s5, s13;
	[sflag:s31] =	ssyncadd.s32 $0xFFFFC000  }
0x6c: {  	[tilespmem:s14], [sflag:$0x5] =	stream.linear.gather @!p1 [hbm4b:s13+s15], $0x80, $0x38;
	[tilespmem:$0x1FD00] =	vst v63  }
.Ltmp2:
0x6d: {  	_ = 	snop;
	(pc) =	sbr.rel @p2 .LBB2_4-.Ltmp2, $4  }
0x6e: {  	s13 =	sadd.s32 @!p1 $0x80, s1;
	s14 =	simm.s32 @!p1 $0x80;
	s15 =	simm.s32 @!p1 $0x4100  }
0x6f: {  	[tilespmem:s15], [sflag:$0x1] =	stream.indirect.gather @!p1 [hbm4b:s12+s14], $0x80, s13, s14, $0xb8;
	[tilespmem:$0x1FD00] =	vst v63  }
0x70: {  	s8 =	sadd.s32 $0x2, s8;
	s1 =	sadd.s32 $0x100, s1;
	_ =	swait.ge [sflag:s28], $0x4000  }
0x71: {  	s20 =	sadd.s32 $0x100, s20;
	p1 =	sge.u32 s8, s6;
	[sflag:s28] =	ssyncset.done $0x0  }
.LBB2_5:
0x72: {  	[sflag:s28] =	ssyncadd.s32 @p0 $0xFFFFC000  }
0x73: {  	_ =	swait.ge @p0 [sflag:s29], $0x80  }
0x74: {  	s10 =	sand.u32 @!p1 $0xFFFFFC00, s20;
	s13 =	sadd.s32 @!p1 $0x80, s20;
	[sflag:s29] =	ssyncset.done @p0 $0x0  }
0x75: {  	s10 =	sadd.s32 @!p1 s4, s10;
	s13 =	sand.u32 @!p1 $0x380, s13;
	[sflag:s29] =	ssyncadd.s32 @p0 $0xFFFFFF80  }
0x76: {  	[spmem:s2] =	stream.indirect.scatter.add.f32 @p0 [tilespmem:s24], [sflag:$0x4], $0x80, s23, s7, $0xb8;
	[tilespmem:$0x1FD00] =	vst v63  }
0x77: {  	s10 =	sor.u32 @!p1 s10, s13;
	_ =	swait.ge [sflag:s30], $0x4000  }
0x78: {  	s14 =	simm.s32 @!p1 $0x4080;
	s10 =	sshrl.u32 @!p1 s10, $0x3;
	[sflag:s30] =	ssyncset.done $0x0  }
0x79: {  	s13 =	simm.s32 @!p1 $0x0;
	s10 =	sadd.s32 @!p1 s5, s10;
	[sflag:s30] =	ssyncadd.s32 $0xFFFFC000  }
0x7a: {  	[tilespmem:s14], [sflag:$0x6] =	stream.linear.gather @!p1 [hbm4b:s10+s13], $0x80, $0x38;
	[tilespmem:$0x1FD00] =	vst v63  }
0x7b: {  	s10 =	simm.s32 @!p1 $0x80;
	s13 =	simm.s32 @!p1 $0x8100  }
0x7c: {  	[tilespmem:s13], [sflag:$0x2] =	stream.indirect.gather @!p1 [hbm4b:s12+s10], $0x80, s1, s10, $0xb8;
	[tilespmem:$0x1FD00] =	vst v63  }
0x7d: {  	_ =	swait.ge [sflag:s25], $0x4000  }
0x7e: {  	s8 =	sadd.s32 $0x1, s8;
	[sflag:s25] =	ssyncset.done $0x0  }
0x7f: {  	p0 =	sge.u32 s8, s6;
	[sflag:s25] =	ssyncadd.s32 $0xFFFFC000  }
0x80: {  	s8 =	sadd.s32 @!p0 $0x100, s20;
	_ =	swait.ge [sflag:s26], $0x80  }
0x81: {  	s10 =	sand.u32 @!p0 $0x7FFFFC00, s8;
	[sflag:s26] =	ssyncset.done $0x0  }
0x82: {  	s8 =	sand.u32 @!p0 $0x300, s8;
	s10 =	sadd.s32 @!p0 s4, s10;
	[sflag:s26] =	ssyncadd.s32 $0xFFFFFF80  }
0x83: {  	[spmem:s2] =	stream.indirect.scatter.add.f32 [tilespmem:s22], [sflag:$0x3], $0x80, s21, s7, $0xb8;
	[tilespmem:$0x1FD00] =	vst v63  }
0x84: {  	s8 =	sor.u32 @!p0 s8, s10;
	_ =	swait.ge [sflag:s31], $0x4000  }
0x85: {  	s13 =	simm.s32 @!p0 $0x0;
	s8 =	sshrl.u32 @!p0 s8, $0x3;
	[sflag:s31] =	ssyncset.done $0x0  }
0x86: {  	s10 =	simm.s32 @!p0 $0x4000;
	s8 =	sadd.s32 @!p0 s5, s8;
	[sflag:s31] =	ssyncadd.s32 $0xFFFFC000  }
0x87: {  	[tilespmem:s10], [sflag:$0x5] =	stream.linear.gather @!p0 [hbm4b:s8+s13], $0x80, $0x38;
	[tilespmem:$0x1FD00] =	vst v63  }
0x88: {  	s1 =	sadd.s32 @!p0 $0x80, s1;
	s8 =	simm.s32 @!p0 $0x80;
	s10 =	simm.s32 @!p0 $0x4100  }
0x89: {  	[tilespmem:s10], [sflag:$0x1] =	stream.indirect.gather @!p0 [hbm4b:s12+s8], $0x80, s1, s8, $0xb8;
	[tilespmem:$0x1FD00] =	vst v63  }
0x8a: {  	_ =	swait.ge [sflag:s28], $0x4000  }
0x8b: {  	[sflag:s28] =	ssyncset.done $0x0  }
0x8c: {  	[sflag:s28] =	ssyncadd.s32 $0xFFFFC000  }
0x8d: {  	_ =	swait.ge [sflag:s29], $0x80  }
0x8e: {  	[sflag:s29] =	ssyncset.done $0x0  }
0x8f: {  	[sflag:s29] =	ssyncadd.s32 $0xFFFFFF80  }
0x90: {  	[spmem:s2] =	stream.indirect.scatter.add.f32 [tilespmem:s24], [sflag:$0x4], $0x80, s23, s7, $0xb8;
	[tilespmem:$0x1FD00] =	vst v63  }
0x91: {  	_ =	swait.ge [sflag:s30], $0x4000  }
0x92: {  	[sflag:s30] =	ssyncset.done $0x0  }
0x93: {  	[sflag:s30] =	ssyncadd.s32 $0xFFFFC000  }
0x94: {  	[bflag:$0x0] =	sbarrier.arrive $0xFFFF  }
0x95: {  	s15 =	rddreg [dreg:$0x5]  }
0x96: {  	[hbm:s15], [sflag:s9] =	dma.local [spmem:s18], $0x2780  }
0x97: {  	_ =	swait.ge [sflag:s19], $0x2780  }
0x98: {  	s0 =	sadd.s32 $0x1, s0;
	s20 =	rddreg [dreg:$0x6]  }
0x99: {  	p0 =	sne.s32 s0, s20  }
.Ltmp3:
0x9a: {  	_ = 	snop;
	(pc) =	sbr.rel @p0 .LBB2_1-.Ltmp3, $4  }
.Ltmp4:
0x9b: {  	_ = 	snop;
	(pc) =	sbr.rel @!p0 .LBB2_6-.Ltmp4, $4  }
0x9c: {  	_ = 	snop  }
0x9d: {  	[sflag:s19] =	ssyncset.done $0x0  }
0x9e: {  	[sflag:s19] =	ssyncadd.s32 $0xFFFFD880  }
0x9f: {  	_ = 	snop  }
.LBB2_2:
.Ltmp5:
0xa0: {  	(pc) =	sbr.rel .LBB2_5-.Ltmp5, $2  }
0xa1: {  	_ =	sdelay $0x2  }
0xa2: {  	s8 =	simm.s32 $0x3  }
.LBB2_6:
0xa3: {  	_ =	sfence.sel $0x180000  }
0xa4: {  	[bflag:$0x0] =	sbarrier.arrive $0xFFFF  }
0xa5: {  	_ =	strace $0x9000004D  }
0xa6: {  	s0 =	stileid.u32;
	[bflag:$0x2] =	sbarrier.arrive $0xFFFF  }
0xa7: {  	p0 =	sne.s32 s0, $0x0;
	s0 =	rddreg [dreg:$0x2]  }
0xa8: {  	s0 =	sadd.s32 @!p0 $0x100000, s0  }
0xa9: {  	[sflag:s0] =	ssyncadd.tile.s32 @!p0 $0x1;
	_ =	shalt  }
.Lfunc_end2:
_tile_overlayer_lowered:
.L_overlay_start_2:
0xaa: {  	(tag) =	ssettag $0x2  }
0xab: {  	s0 =	rddreg [dreg:$0x0];
	s2 =	stileid.u32  }
0xac: {  	s1 =	rddreg [dreg:$0x1];
	p0 =	sne.s32 s2, $0x0  }
0xad: {  	s3 =	rddreg [dreg:$0x2];
	[bflag:$0x3] =	sbarrier.arrive $0xFFFF;
	s2 =	simm.s32 @!p0 $0x1C07  }
0xae: {  	[timem:s3], [sflag:s2] =	dma.local @!p0 [hbm:s0], s1  }
0xaf: {  	s0 =	simm.s32 @!p0 $0x7  }
0xb0: {  	_ =	swait.ge @!p0 [sflag:s0], s1  }
0xb1: {  	s1 =	ssub.s32 @!p0 $0x0, s1;
	[sflag:s0] =	ssyncset.done @!p0 $0x0  }
0xb2: {  	[sflag:s0] =	ssyncadd.s32 @!p0 s1  }
0xb3: {  	[bflag:$0x3] =	sbarrier.arrive $0xFFFF  }
0xb4: {  	_ =	shalt  }

// kernel: kernel.8.cloned.1.call-start
scs
__scs_entry_jumppad:
0x0: {  	(pc) =	sbr.rel $0x88, $3  }
0x1: {  	(tag) =	ssettag $0x0;
	lr =	simm.s32 $0x1  }
0x2: {  	[smem:$0x3F90] =	sst lr;
	_ =	strace $0xD0000000  }
0x3: {  	_ = 	snop  }
0x4: {  	_ = 	snop  }
0x5: {  	_ = 	snop  }
0x6: {  	_ = 	snop  }
0x7: {  	_ = 	snop  }
__scs_overlays_trampoline_lowered:
0x8: {  	[smem:$0x3F9F] =	sst s0  }
0x9: {  	[smem:$0x3FA0] =	sst s1  }
0xa: {  	[smem:$0x3FA1] =	sst s2  }
0xb: {  	[smem:$0x3FA2] =	sst s3  }
0xc: {  	[smem:$0x3FA3] =	sst s4  }
0xd: {  	[smem:$0x3FA4] =	sst s5  }
0xe: {  	[smem:$0x3FA5] =	sst s6  }
0xf: {  	[smem:$0x3FA6] =	sst s7  }
0x10: {  	[smem:$0x3FA7] =	sst s8  }
0x11: {  	[smem:$0x3FA8] =	sst s9;
	s0 =	simm.s32 @!p0 $0x0  }
0x12: {  	s1 =	sld [smem:$0x3F8E];
	s0 =	simm.s32 @p0 $0x1  }
0x13: {  	[smem:$0x3FA9] =	sst s0;
	s0 =	simm.s32 @!p1 $0x0  }
0x14: {  	s2 =	sld [smem:$0x3F8D];
	s0 =	simm.s32 @p1 $0x1  }
0x15: {  	[smem:$0x3FAA] =	sst s0;
	s0 =	simm.s32 @!p2 $0x0  }
0x16: {  	s3 =	sld [smem:$0x3FDB];
	s0 =	simm.s32 @p2 $0x1  }
0x17: {  	s4 =	simm.s32 $0x1BF5;
	[smem:$0x3FAC] =	sst s0  }
0x18: {  	s0 =	sld [smem:$0x3F8F];
	_ =	swait.ge [sflag:s4], $0x0  }
0x19: {  	s7 =	sld [smem:$0x3F90]  }
0x1a: {  	s8 =	sadd.s32 $0xFFFFE003, lr  }
0x1b: {  	s9 =	sadd.s32 $0xFFFFFEF7, lr;
	s5 =	simm.s32 $0xFFFFFFFF;
	p2 =	slt.u32 s8, $0xFFFFF086  }
0x1c: {  	p1 =	slt.u32 s9, $0xF7A;
	s5 =	simm.s32 @!p2 $0x0  }
0x1d: {  	s5 =	simm.s32 @p1 $0x1;
	p0 =	seq.s32 s7, s2  }
0x1e: {  	s7 =	smul.u32 @!p0 $0xF7A, s2;
	p2 =	seq.s32 @!p0 s5, $0x0  }
0x1f: {  	s9 =	smul.u32 $0xF7A, s1;
	s8 =	simm.s32 @!p0 $0x1BF5;
	p2 =	por !p2, p0  }
0x20: {  	[sflag:s8] =	ssyncset.s32 @!p0 $0xFFFFF086;
	s6 =	sadd.s32 @!p0 s3, s7;
	s7 =	simm.s32 @!p0 $0x108  }
0x21: {  	s3 =	sadd.s32 s3, s9;
	s6 =	sadd.s32 @!p0 $0x88, s6;
	s7 =	simm.s32 @p2 $0x1082  }
0x22: {  	[simem:s7], [sflag:s8] =	dma.local @!p0 [hbm:s6], $0xF7A  }
0x23: {  	s9 =	sor.u32 $0xD0000000, s2;
	s6 =	simm.s32 $0x108;
	_ =	swait.ge @!p0 [sflag:s8], $0x0  }
0x24: {  	s3 =	sadd.s32 $0x88, s3;
	s6 =	simm.s32 @!p1 $0x1082;
	[sflag:s4] =	ssyncset.s32 $0xFFFFF086  }
0x25: {  	[simem:s6], [sflag:s4] =	dma.local [hbm:s3], $0xF7A  }
0x26: {  	[smem:$0x3F90] =	sst s1;
	(tag) =	ssettag s2;
	_ =	strace s9  }
0x27: {  	s1 =	sld [smem:$0x3FA0]  }
0x28: {  	s2 =	sld [smem:$0x3FA1]  }
0x29: {  	s4 =	sld [smem:$0x3FA3]  }
0x2a: {  	p0 =	seq.s32 s5, $0x0;
	s5 =	sld [smem:$0x3FA4]  }
0x2b: {  	s6 =	sld [smem:$0x3FA5]  }
0x2c: {  	s7 =	sld [smem:$0x3FA6]  }
0x2d: {  	s3 =	simm.s32 $0x108;
	s8 =	sld [smem:$0x3FA7]  }
0x2e: {  	s3 =	simm.s32 @!p0 $0x1082;
	s9 =	sld [smem:$0x3FA8]  }
0x2f: {  	lr =	sadd.s32 s0, s3;
	s0 =	sld [smem:$0x3F9F]  }
0x30: {  	s3 =	sld [smem:$0x3FA2]  }
0x31: {  	[smem:$0x3FAB] =	sst s10  }
0x32: {  	s10 =	sld [smem:$0x3FA9];
	_ =	sdelay $0x3  }
0x33: {  	p0 =	seq.s32 s10, $0x1;
	s10 =	sld [smem:$0x3FAB];
	_ =	sdelay $0x3  }
0x34: {  	[smem:$0x3FAB] =	sst s10  }
0x35: {  	s10 =	sld [smem:$0x3FAA];
	_ =	sdelay $0x3  }
0x36: {  	p1 =	seq.s32 s10, $0x1;
	s10 =	sld [smem:$0x3FAB];
	_ =	sdelay $0x3  }
0x37: {  	[smem:$0x3FAB] =	sst s10  }
0x38: {  	s10 =	sld [smem:$0x3FAC]  }
0x39: {  	_ = 	snop;
	(pc) =	sbr.ind lr, $3  }
0x3a: {  	_ = 	snop  }
0x3b: {  	_ = 	snop  }
0x3c: {  	p2 =	seq.s32 s10, $0x1;
	s10 =	sld [smem:$0x3FAB]  }
0x3d: {  	_ =	shalt  }
0x3e: {  	_ =	shalt  }
0x3f: {  	_ =	shalt  }
0x40: {  	_ =	shalt  }
0x41: {  	_ =	shalt  }
0x42: {  	_ =	shalt  }
0x43: {  	_ =	shalt  }
0x44: {  	_ =	shalt  }
0x45: {  	_ =	shalt  }
0x46: {  	_ =	shalt  }
0x47: {  	_ =	shalt  }
0x48: {  	_ =	shalt  }
0x49: {  	_ =	shalt  }
0x4a: {  	_ =	shalt  }
0x4b: {  	_ =	shalt  }
0x4c: {  	_ =	shalt  }
0x4d: {  	_ =	shalt  }
0x4e: {  	_ =	shalt  }
0x4f: {  	_ =	shalt  }
0x50: {  	_ =	shalt  }
0x51: {  	_ =	shalt  }
0x52: {  	_ =	shalt  }
0x53: {  	_ =	shalt  }
0x54: {  	_ =	shalt  }
0x55: {  	_ =	shalt  }
0x56: {  	_ =	shalt  }
0x57: {  	_ =	shalt  }
0x58: {  	_ =	shalt  }
0x59: {  	_ =	shalt  }
0x5a: {  	_ =	shalt  }
0x5b: {  	_ =	shalt  }
0x5c: {  	_ =	shalt  }
0x5d: {  	_ =	shalt  }
0x5e: {  	_ =	shalt  }
0x5f: {  	_ =	shalt  }
0x60: {  	_ =	shalt  }
0x61: {  	_ =	shalt  }
0x62: {  	_ =	shalt  }
0x63: {  	_ =	shalt  }
0x64: {  	_ =	shalt  }
0x65: {  	_ =	shalt  }
0x66: {  	_ =	shalt  }
0x67: {  	_ =	shalt  }
0x68: {  	_ =	shalt  }
0x69: {  	_ =	shalt  }
0x6a: {  	_ =	shalt  }
0x6b: {  	_ =	shalt  }
0x6c: {  	_ =	shalt  }
0x6d: {  	_ =	shalt  }
0x6e: {  	_ =	shalt  }
0x6f: {  	_ =	shalt  }
0x70: {  	_ =	shalt  }
0x71: {  	_ =	shalt  }
0x72: {  	_ =	shalt  }
0x73: {  	_ =	shalt  }
0x74: {  	_ =	shalt  }
0x75: {  	_ =	shalt  }
0x76: {  	_ =	shalt  }
0x77: {  	_ =	shalt  }
0x78: {  	_ =	shalt  }
0x79: {  	_ =	shalt  }
0x7a: {  	_ =	shalt  }
0x7b: {  	_ =	shalt  }
0x7c: {  	_ =	shalt  }
0x7d: {  	_ =	shalt  }
0x7e: {  	_ =	shalt  }
0x7f: {  	_ =	shalt  }
0x80: {  	_ =	shalt  }
0x81: {  	_ =	shalt  }
0x82: {  	_ =	shalt  }
0x83: {  	_ =	shalt  }
0x84: {  	_ =	shalt  }
0x85: {  	_ =	shalt  }
0x86: {  	_ =	shalt  }
0x87: {  	_ =	shalt  }
.Lfunc_end0:
.L_simem_size_0:
called_computation_lowered:
.L_overlay_start_0:
0x88: {  	s2 =	sld [smem:$0x3FD9]  }
0x89: {  	s3 =	sld [smem:$0x3FFE];
	_ =	sdelay $0x1  }
0x8a: {  	s1 =	srdreg.scid  }
0x8b: {  	s0 =	sand.u32 $0x1, s1  }
0x8c: {  	s16 =	sshll.u32 s0, $0xA;
	s2 =	sadd.s32 s3, s2  }
0x8d: {  	s2 =	sadd.s32 s2, s16  }
0x8e: {  	[smem:$0x3FB7] =	sst s2  }
0x8f: {  	_ = 	snop  }
0x90: {  	(tm) =	ssettm $0x1  }
0x91: {  	s17 =	sld [smem:$0x3FFB];
	_ =	sdelay $0x3  }
0x92: {  	_ =	strace s17  }
0x93: {  	s2 =	sld [smem:$0x3FFC];
	_ =	sdelay $0x3  }
0x94: {  	_ =	strace s2  }
0x95: {  	s2 =	sld [smem:$0x3FFD];
	_ =	sdelay $0x3  }
0x96: {  	_ =	strace s2  }
0x97: {  	_ =	strace $0x8FFFFFFF  }
0x98: {  	s18 =	sld [smem:$0x3FDB];
	_ =	sdelay $0x1  }
0x99: {  	s19 =	simm.s32 $_scs_section_size  }
0x9a: {  	s4 =	simm.s32 $_size__tile_overlayer_lowered;
	s5 =	simm.s32 $_tile_overlayer_lowered  }
0x9b: {  	s22 =	simm.s32 $0x1BFF;
	s21 =	sshll.u32 s5, $0x1;
	s2 =	sadd.s32 s19, s18  }
0x9c: {  	s6 =	simm.s32 $0x0;
	s20 =	sshll.u32 s4, $0x1;
	s4 =	sadd.s32 s21, s2  }
0x9d: {  	[timem:s6], [sflag:s22] =	dma.local [hbm:s4], s20  }
0x9e: {  	_ =	swait.ge [sflag:s22], s20  }
0x9f: {  	s3 =	ssub.s32 $0x0, s20;
	[sflag:s22] =	ssyncset.done $0x0  }
0xa0: {  	[sflag:s22] =	ssyncadd.s32 s3;
	_ =	sdelay $0x1  }
0xa1: {  	s23 =	simm.s32 $0x1B8B  }
0xa2: {  	_ =	swait.ge [sflag:s23], $0x1  }
0xa3: {  	[sflag:s23] =	ssyncset.done $0x0  }
0xa4: {  	s25 =	simm.s32 $0x1B8E;
	s24 =	sld [smem:$0x3FFE];
	[sflag:s23] =	ssyncadd.s32 $0xFFFFFFFF  }
0xa5: {  	s26 =	simm.s32 $execute0_lowered;
	[smem:$0x3FD2] =	sst s25  }
0xa6: {  	s4 =	sshll.u32 s26, $0x1;
	_ =	strace $0x80000046;
	[dreg:$0x1] =	wrdreg $0xFFFFFFFF  }
0xa7: {  	s28 =	simm.s32 $_size_execute0_lowered;
	s2 =	sadd.s32 s2, s4;
	[dreg:$0x0] =	wrdreg $0x0  }
0xa8: {  	s4 =	sshll.u32 s28, $0x1;
	[dreg:$0x2] =	wrdreg s2  }
0xa9: {  	[dreg:$0x3] =	wrdreg s4  }
0xaa: {  	[dreg:$0x4] =	wrdreg $0xC0  }
0xab: {  	_ =	task [dreg:s6], $0x5FFFF  }
0xac: {  	[dreg:$0x1] =	wrdreg $0xFFFFFFFF  }
0xad: {  	[dreg:$0x0] =	wrdreg $0x60  }
0xae: {  	[dreg:$0x2] =	wrdreg s24  }
0xaf: {  	[dreg:$0x3] =	wrdreg $0xC1000  }
0xb0: {  	[dreg:$0x4] =	wrdreg $0x9  }
0xb1: {  	_ =	task.clear_ibuf [dreg:s6], $0x5FFFF;
	_ =	strace $0x90000046  }
0xb2: {  	s29 =	simm.s32 $0x9;
	_ =	strace $0x80000048  }
0xb3: {  	_ =	swait.ge [sflag:s29], $0x1  }
0xb4: {  	[sflag:s29] =	ssyncadd.s32 $0xFFFFFFFF  }
0xb5: {  	_ =	strace $0x90000048  }
0xb6: {  	_ =	sfence  }
0xb7: {  	s30 =	sld [smem:$0x0];
	_ =	sdelay $0x2  }
0xb8: {  	s31 =	sshll.u32 s1, $0xD;
	s1 =	sshrl.u32 s1, $0x2  }
0xb9: {  	s3 =	sand.u32 $0x4000, s31;
	s1 =	sadd.s32 s1, s30  }
0xba: {  	s0 =	sor.u32 s3, s0;
	s1 =	sshll.u32 s1, $0x11  }
0xbb: {  	s0 =	sor.u32 s1, s0  }
0xbc: {  	s0 =	sadd.s32 $0x8F2B, s0  }
0xbd: {  	[sflag:s0] =	ssyncadd.remote.s32 $0x1  }
0xbe: {  	_ =	sfence.sel $0xFFFF  }
0xbf: {  	[dreg:$0x0] =	wrdreg $0xFFFFFFFF;
	(pc) =	sbr.abs _section_cstart, $3  }
0xc0: {  	[dreg:$0x1] =	wrdreg $0xFFFFFFFF  }
0xc1: {  	_ =	task.clear_ibuf [dreg:s6], $0x2FFFF;
	_ =	strace $0x9FFFFFFF  }
0xc2: {  	(tm) =	ssettm $0x7FFFFFFF  }
0xc3: {  	_ =	shalt  }
tec
execute0_lowered:
.L_overlay_start_1:
0x0: {  	(tag) =	ssettag $0x1  }
0x1: {  	s0 =	rddreg [dreg:$0x0]  }
0x2: {  	s2 =	rddreg [dreg:$0x1]  }
0x3: {  	s1 =	srdreg.scid;
	s15 =	stileid.u32  }
0x4: {  	s3 =	simm.s32 $0x0;
	s28 =	simm.s32 $0x2;
	s29 =	simm.s32 $0x6  }
0x5: {  	s30 =	simm.s32 $0x4;
	s31 =	simm.s32 $0x3;
	s6 =	smul.u32 $0x13C00, s15  }
0x6: {  	s1 =	sand.u32 $0x1, s1;
	s4 =	sshll.u32 s15, $0x1;
	s13 =	smul.u32 $0x4F000, s15  }
0x7: {  	[smem:$0x7FF] =	sst s3;
	s23 =	sshll.u32 s15, $0x6;
	s5 =	smul.u32 $0x13C000, s1  }
0x8: {  	s8 =	sor.u32 s1, s4;
	_ =	strace $0x80000047;
	s20 =	ssub.s32 $0x2, s1  }
0x9: {  	p0 =	seq.s32 s1, $0x0;
	s4 =	sshll.u32 s8, $0xE;
	s7 =	sshll.u32 s8, $0x7  }
0xa: {  	s10 =	sshrl.u32 s6, $0x3;
	s11 =	sshrl.u32 s20, $0x1;
	s22 =	sshrl.u32 s13, $0x2  }
0xb: {  	s8 =	sshll.u32 s8, $0xB;
	s7 =	sor.u32 s7, s4;
	s9 =	sshrl.u32 s5, $0x3  }
0xc: {  	s18 =	sadd.s32 s10, s0;
	s5 =	sadd.s32 s6, s5;
	s14 =	ssub.s32 s20, s11  }
0xd: {  	s6 =	simm.s32 $0x80;
	s1 =	sadd.s32 s22, s2;
	s22 =	simm.s32 $0x4100  }
0xe: {  	s7 =	sand.u32 $0x60380, s7;
	s12 =	sadd.s32 s9, s0;
	s21 =	sshrl.u32 s5, $0x3  }
0xf: {  	s5 =	sadd.s32 $0x3E00, s0;
	s6 =	simm.s32 @!p0 $0x20;
	s9 =	sadd.s32 $0x72E00, s18  }
0x10: {  	s25 =	smax.u32 s14, $0x1;
	s18 =	sshrl.u32 s1, $0x3;
	s7 =	sshrl.u32 s7, $0x3  }
0x11: {  	[dreg:$0x3] =	wrdreg s9;
	s9 =	sor.u32 $0x1C07, s23;
	s11 =	sadd.s32 s5, s8  }
0x12: {  	s12 =	sadd.s32 $0x23E00, s12;
	s24 =	sshrl.u32 s6, $0x1;
	[dreg:$0x6] =	wrdreg s25  }
0x13: {  	s23 =	simm.s32 $0x4080;
	s25 =	simm.s32 $0x1;
	s19 =	sadd.s32 s7, s0  }
0x14: {  	s0 =	sadd.s32 s21, s0;
	s7 =	simm.s32 $0x80;
	s26 =	sadd.s32 $0x10, s11  }
0x15: {  	s16 =	sadd.s32 $0x20, s11;
	s17 =	sadd.s32 $0xFFFFFFFF, s24;
	s21 =	simm.s32 $0x4000  }
0x16: {  	s24 =	simm.s32 $0x8100;
	s10 =	sadd.s32 $0x13E00, s19;
	[dreg:$0x7] =	wrdreg s26  }
0x17: {  	s0 =	sadd.s32 $0x9A600, s0;
	s19 =	simm.s32 $0x7;
	[dreg:$0x4] =	wrdreg s10  }
0x18: {  	s26 =	simm.s32 $0x5;
	[dreg:$0x5] =	wrdreg s0;
	s0 =	simm.s32 $0x0  }
.LBB2_1:
0x19: {  	s1 =	rddreg [dreg:$0x3]  }
0x1a: {  	[spmem:s18], [sflag:s9] =	dma.local [hbm:s1], $0x2780  }
0x1b: {  	_ =	swait.ge [sflag:s19], $0x2780  }
0x1c: {  	[sflag:s19] =	ssyncset.done $0x0  }
0x1d: {  	s8 =	simm.s32 $0x400;
	s15 =	rddreg [dreg:$0x4];
	[sflag:s19] =	ssyncadd.s32 $0xFFFFD880  }
0x1e: {  	[tilespmem:s3], [sflag:$0x7] =	stream.strided.gather [hbm4b:s15+s7], $0x4000, s8, s7, $0x38;
	[tilespmem:$0x1FD00] =	vst v63  }
0x1f: {  	_ =	swait.ge [sflag:s19], $0x4000  }
0x20: {  	[sflag:s19] =	ssyncset.done $0x0  }
0x21: {  	[sflag:s19] =	ssyncadd.s32 $0xFFFFC000  }
0x22: {  	[bflag:$0x0] =	sbarrier.arrive $0xFFFF  }
0x23: {  	[tilespmem:s21], [sflag:$0x5] =	stream.linear.gather [hbm4b:s11+s3], $0x80, $0x38;
	[tilespmem:$0x1FD00] =	vst v63  }
0x24: {  	_ = 	snop  }
0x25: {  	[tilespmem:s22], [sflag:$0x1] =	stream.indirect.gather [hbm4b:s12+s7], $0x80, s3, s7, $0xb8;
	[tilespmem:$0x1FD00] =	vst v63  }
0x26: {  	s20 =	rddreg [dreg:$0x7]  }
0x27: {  	[tilespmem:s23], [sflag:$0x6] =	stream.linear.gather [hbm4b:s20+s3], $0x80, $0x38;
	[tilespmem:$0x1FD00] =	vst v63  }
0x28: {  	_ = 	snop  }
0x29: {  	[tilespmem:s24], [sflag:$0x2] =	stream.indirect.gather [hbm4b:s12+s7], $0x80, s7, s7, $0xb8;
	[tilespmem:$0x1FD00] =	vst v63  }
0x2a: {  	_ =	swait.ge [sflag:s25], $0x4000  }
0x2b: {  	[sflag:s25] =	ssyncset.done $0x0  }
0x2c: {  	[sflag:s25] =	ssyncadd.s32 $0xFFFFC000  }
0x2d: {  	_ =	swait.ge [sflag:s26], $0x80  }
0x2e: {  	[sflag:s26] =	ssyncset.done $0x0  }
0x2f: {  	[sflag:s26] =	ssyncadd.s32 $0xFFFFFF80  }
0x30: {  	[spmem:s2] =	stream.indirect.scatter.add.f32 [tilespmem:s22], [sflag:$0x3], $0x80, s21, s7, $0xb8;
	[tilespmem:$0x1FD00] =	vst v63  }
0x31: {  	_ =	swait.ge [sflag:s31], $0x4000  }
0x32: {  	[sflag:s31] =	ssyncset.done $0x0  }
0x33: {  	[sflag:s31] =	ssyncadd.s32 $0xFFFFC000  }
0x34: {  	[tilespmem:s21], [sflag:$0x5] =	stream.linear.gather [hbm4b:s16+s3], $0x80, $0x38;
	[tilespmem:$0x1FD00] =	vst v63  }
0x35: {  	s20 =	simm.s32 $0x100  }
0x36: {  	[tilespmem:s22], [sflag:$0x1] =	stream.indirect.gather [hbm4b:s12+s7], $0x80, s20, s7, $0xb8;
	[tilespmem:$0x1FD00] =	vst v63  }
0x37: {  	s8 =	sadd.s32 $0xFFFFFFFF, s17;
	_ =	swait.ge [sflag:s28], $0x4000  }
0x38: {  	p2 =	sne.s32 s8, $0x0;
	[sflag:s28] =	ssyncset.done $0x0  }
.Ltmp0:
0x39: {  	[sflag:s28] =	ssyncadd.s32 $0xFFFFC000;
	(pc) =	sbr.rel @!p2 .LBB2_2-.Ltmp0, $4  }
0x3a: {  	_ =	swait.ge [sflag:s29], $0x80  }
0x3b: {  	p1 =	sle.u32 s6, $0x3;
	[sflag:s29] =	ssyncset.done $0x0  }
0x3c: {  	p0 =	por $0x0, $0x0;
	s1 =	simm.s32 $0x180;
	[sflag:s29] =	ssyncadd.s32 $0xFFFFFF80  }
0x3d: {  	[spmem:s2] =	stream.indirect.scatter.add.f32 [tilespmem:s24], [sflag:$0x4], $0x80, s23, s7, $0xb8;
	[tilespmem:$0x1FD00] =	vst v63  }
0x3e: {  	s10 =	sand.u32 @!p1 $0xFFFFFC00, s20;
	s20 =	simm.s32 @!p1 $0x180  }
0x3f: {  	s10 =	sadd.s32 @!p1 s4, s10;
	s20 =	sand.u32 @!p1 $0x380, s20  }
0x40: {  	_ =	swait.ge [sflag:s30], $0x4000;
	s10 =	sor.u32 @!p1 s10, s20  }
0x41: {  	s13 =	simm.s32 @!p1 $0x4080;
	[sflag:s30] =	ssyncset.done $0x0;
	s10 =	sshrl.u32 @!p1 s10, $0x3  }
0x42: {  	[sflag:s30] =	ssyncadd.s32 $0xFFFFC000;
	s20 =	simm.s32 @!p1 $0x0;
	s10 =	sadd.s32 @!p1 s5, s10  }
0x43: {  	[tilespmem:s13], [sflag:$0x6] =	stream.linear.gather @!p1 [hbm4b:s10+s20], $0x80, $0x38;
	[tilespmem:$0x1FD00] =	vst v63  }
0x44: {  	s10 =	simm.s32 @!p1 $0x80;
	s13 =	simm.s32 @!p1 $0x8100  }
0x45: {  	[tilespmem:s13], [sflag:$0x2] =	stream.indirect.gather @!p1 [hbm4b:s12+s10], $0x80, s1, s10, $0xb8;
	[tilespmem:$0x1FD00] =	vst v63  }
0x46: {  	_ =	swait.ge [sflag:s25], $0x4000  }
0x47: {  	[sflag:s25] =	ssyncset.done $0x0  }
0x48: {  	p0 =	sle.u32 s6, $0x4;
	[sflag:s25] =	ssyncadd.s32 $0xFFFFC000  }
0x49: {  	s1 =	simm.s32 @!p0 $0x200;
	_ =	swait.ge [sflag:s26], $0x80  }
0x4a: {  	s10 =	sand.u32 @!p0 $0x7FFFFC00, s1;
	s1 =	sand.u32 @!p0 $0x300, s1;
	[sflag:s26] =	ssyncset.done $0x0  }
0x4b: {  	s13 =	sadd.s32 @!p0 s4, s10;
	s10 =	sadd.s32 $0xFFFFFFFF, s8;
	[sflag:s26] =	ssyncadd.s32 $0xFFFFFF80  }
0x4c: {  	[spmem:s2] =	stream.indirect.scatter.add.f32 [tilespmem:s22], [sflag:$0x3], $0x80, s21, s7, $0xb8;
	[tilespmem:$0x1FD00] =	vst v63  }
0x4d: {  	s8 =	simm.s32 @!p0 $0x4000;
	s1 =	sor.u32 @!p0 s1, s13;
	_ =	swait.ge [sflag:s31], $0x4000  }
0x4e: {  	s13 =	simm.s32 @!p0 $0x0;
	s1 =	sshrl.u32 @!p0 s1, $0x3;
	[sflag:s31] =	ssyncset.done $0x0  }
0x4f: {  	p2 =	sne.s32 s10, $0x0;
	s1 =	sadd.s32 @!p0 s5, s1;
	[sflag:s31] =	ssyncadd.s32 $0xFFFFC000  }
0x50: {  	[tilespmem:s8], [sflag:$0x5] =	stream.linear.gather @!p0 [hbm4b:s1+s13], $0x80, $0x38;
	[tilespmem:$0x1FD00] =	vst v63  }
.Ltmp1:
0x51: {  	s20 =	simm.s32 $0x200;
	(pc) =	sbr.rel @!p2 .LBB2_5-.Ltmp1, $4  }
0x52: {  	s1 =	simm.s32 @!p0 $0x200;
	s8 =	simm.s32 @!p0 $0x80;
	s13 =	simm.s32 @!p0 $0x4100  }
0x53: {  	[tilespmem:s13], [sflag:$0x1] =	stream.indirect.gather @!p0 [hbm4b:s12+s8], $0x80, s1, s8, $0xb8;
	[tilespmem:$0x1FD00] =	vst v63  }
0x54: {  	p1 =	sle.u32 s6, $0x5;
	s1 =	simm.s32 $0x280;
	_ =	swait.ge [sflag:s28], $0x4000  }
0x55: {  	s8 =	simm.s32 $0x5;
	p0 =	por $0x1, $0x1;
	[sflag:s28] =	ssyncset.done $0x0  }
.LBB2_4:
0x56: {  	s13 =	sand.u32 @!p1 $0xFFFFFC00, s20;
	s14 =	sadd.s32 @!p1 $0x80, s20;
	[sflag:s28] =	ssyncadd.s32 $0xFFFFC000  }
0x57: {  	s13 =	sadd.s32 @!p1 s4, s13;
	s14 =	sand.u32 @!p1 $0x380, s14;
	_ =	swait.ge [sflag:s29], $0x80  }
0x58: {  	s10 =	sadd.s32 $0xFFFFFFFF, s10;
	s13 =	sor.u32 @!p1 s13, s14;
	[sflag:s29] =	ssyncset.done $0x0  }
0x59: {  	p2 =	sne.s32 s10, $0x0;
	s13 =	sshrl.u32 @!p1 s13, $0x3;
	[sflag:s29] =	ssyncadd.s32 $0xFFFFFF80  }
0x5a: {  	[spmem:s2] =	stream.indirect.scatter.add.f32 [tilespmem:s24], [sflag:$0x4], $0x80, s23, s7, $0xb8;
	[tilespmem:$0x1FD00] =	vst v63  }
0x5b: {  	s13 =	sadd.s32 @!p1 s5, s13;
	_ =	swait.ge [sflag:s30], $0x4000  }
0x5c: {  	[sflag:s30] =	ssyncset.done $0x0  }
0x5d: {  	s15 =	simm.s32 @!p1 $0x4080;
	s14 =	simm.s32 @!p1 $0x0;
	[sflag:s30] =	ssyncadd.s32 $0xFFFFC000  }
0x5e: {  	[tilespmem:s15], [sflag:$0x6] =	stream.linear.gather @!p1 [hbm4b:s13+s14], $0x80, $0x38;
	[tilespmem:$0x1FD00] =	vst v63  }
0x5f: {  	s13 =	simm.s32 @!p1 $0x80;
	s14 =	simm.s32 @!p1 $0x8100  }
0x60: {  	[tilespmem:s14], [sflag:$0x2] =	stream.indirect.gather @!p1 [hbm4b:s12+s13], $0x80, s1, s13, $0xb8;
	[tilespmem:$0x1FD00] =	vst v63  }
0x61: {  	_ =	swait.ge [sflag:s25], $0x4000  }
0x62: {  	[sflag:s25] =	ssyncset.done $0x0  }
0x63: {  	s13 =	sadd.s32 $0x1, s8;
	[sflag:s25] =	ssyncadd.s32 $0xFFFFC000  }
0x64: {  	p1 =	sge.u32 s13, s6;
	_ =	swait.ge [sflag:s26], $0x80  }
0x65: {  	s13 =	sadd.s32 @!p1 $0x100, s20;
	[sflag:s26] =	ssyncset.done $0x0  }
0x66: {  	s14 =	sand.u32 @!p1 $0x7FFFFC00, s13;
	s13 =	sand.u32 @!p1 $0x300, s13;
	[sflag:s26] =	ssyncadd.s32 $0xFFFFFF80  }
0x67: {  	[spmem:s2] =	stream.indirect.scatter.add.f32 [tilespmem:s22], [sflag:$0x3], $0x80, s21, s7, $0xb8;
	[tilespmem:$0x1FD00] =	vst v63  }
0x68: {  	s14 =	sadd.s32 @!p1 s4, s14  }
0x69: {  	s13 =	sor.u32 @!p1 s13, s14;
	_ =	swait.ge [sflag:s31], $0x4000  }
0x6a: {  	s14 =	simm.s32 @!p1 $0x4000;
	s13 =	sshrl.u32 @!p1 s13, $0x3;
	[sflag:s31] =	ssyncset.done $0x0  }
0x6b: {  	s15 =	simm.s32 @!p1 $0x0;
	s13 =	sadd.s32 @!p1 s5, s13;
	[sflag:s31] =	ssyncadd.s32 $0xFFFFC000  }
0x6c: {  	[tilespmem:s14], [sflag:$0x5] =	stream.linear.gather @!p1 [hbm4b:s13+s15], $0x80, $0x38;
	[tilespmem:$0x1FD00] =	vst v63  }
.Ltmp2:
0x6d: {  	_ = 	snop;
	(pc) =	sbr.rel @p2 .LBB2_4-.Ltmp2, $4  }
0x6e: {  	s13 =	sadd.s32 @!p1 $0x80, s1;
	s14 =	simm.s32 @!p1 $0x80;
	s15 =	simm.s32 @!p1 $0x4100  }
0x6f: {  	[tilespmem:s15], [sflag:$0x1] =	stream.indirect.gather @!p1 [hbm4b:s12+s14], $0x80, s13, s14, $0xb8;
	[tilespmem:$0x1FD00] =	vst v63  }
0x70: {  	s8 =	sadd.s32 $0x2, s8;
	s1 =	sadd.s32 $0x100, s1;
	_ =	swait.ge [sflag:s28], $0x4000  }
0x71: {  	s20 =	sadd.s32 $0x100, s20;
	p1 =	sge.u32 s8, s6;
	[sflag:s28] =	ssyncset.done $0x0  }
.LBB2_5:
0x72: {  	[sflag:s28] =	ssyncadd.s32 @p0 $0xFFFFC000  }
0x73: {  	_ =	swait.ge @p0 [sflag:s29], $0x80  }
0x74: {  	s10 =	sand.u32 @!p1 $0xFFFFFC00, s20;
	s13 =	sadd.s32 @!p1 $0x80, s20;
	[sflag:s29] =	ssyncset.done @p0 $0x0  }
0x75: {  	s10 =	sadd.s32 @!p1 s4, s10;
	s13 =	sand.u32 @!p1 $0x380, s13;
	[sflag:s29] =	ssyncadd.s32 @p0 $0xFFFFFF80  }
0x76: {  	[spmem:s2] =	stream.indirect.scatter.add.f32 @p0 [tilespmem:s24], [sflag:$0x4], $0x80, s23, s7, $0xb8;
	[tilespmem:$0x1FD00] =	vst v63  }
0x77: {  	s10 =	sor.u32 @!p1 s10, s13;
	_ =	swait.ge [sflag:s30], $0x4000  }
0x78: {  	s14 =	simm.s32 @!p1 $0x4080;
	s10 =	sshrl.u32 @!p1 s10, $0x3;
	[sflag:s30] =	ssyncset.done $0x0  }
0x79: {  	s13 =	simm.s32 @!p1 $0x0;
	s10 =	sadd.s32 @!p1 s5, s10;
	[sflag:s30] =	ssyncadd.s32 $0xFFFFC000  }
0x7a: {  	[tilespmem:s14], [sflag:$0x6] =	stream.linear.gather @!p1 [hbm4b:s10+s13], $0x80, $0x38;
	[tilespmem:$0x1FD00] =	vst v63  }
0x7b: {  	s10 =	simm.s32 @!p1 $0x80;
	s13 =	simm.s32 @!p1 $0x8100  }
0x7c: {  	[tilespmem:s13], [sflag:$0x2] =	stream.indirect.gather @!p1 [hbm4b:s12+s10], $0x80, s1, s10, $0xb8;
	[tilespmem:$0x1FD00] =	vst v63  }
0x7d: {  	_ =	swait.ge [sflag:s25], $0x4000  }
0x7e: {  	s8 =	sadd.s32 $0x1, s8;
	[sflag:s25] =	ssyncset.done $0x0  }
0x7f: {  	p0 =	sge.u32 s8, s6;
	[sflag:s25] =	ssyncadd.s32 $0xFFFFC000  }
0x80: {  	s8 =	sadd.s32 @!p0 $0x100, s20;
	_ =	swait.ge [sflag:s26], $0x80  }
0x81: {  	s10 =	sand.u32 @!p0 $0x7FFFFC00, s8;
	[sflag:s26] =	ssyncset.done $0x0  }
0x82: {  	s8 =	sand.u32 @!p0 $0x300, s8;
	s10 =	sadd.s32 @!p0 s4, s10;
	[sflag:s26] =	ssyncadd.s32 $0xFFFFFF80  }
0x83: {  	[spmem:s2] =	stream.indirect.scatter.add.f32 [tilespmem:s22], [sflag:$0x3], $0x80, s21, s7, $0xb8;
	[tilespmem:$0x1FD00] =	vst v63  }
0x84: {  	s8 =	sor.u32 @!p0 s8, s10;
	_ =	swait.ge [sflag:s31], $0x4000  }
0x85: {  	s13 =	simm.s32 @!p0 $0x0;
	s8 =	sshrl.u32 @!p0 s8, $0x3;
	[sflag:s31] =	ssyncset.done $0x0  }
0x86: {  	s10 =	simm.s32 @!p0 $0x4000;
	s8 =	sadd.s32 @!p0 s5, s8;
	[sflag:s31] =	ssyncadd.s32 $0xFFFFC000  }
0x87: {  	[tilespmem:s10], [sflag:$0x5] =	stream.linear.gather @!p0 [hbm4b:s8+s13], $0x80, $0x38;
	[tilespmem:$0x1FD00] =	vst v63  }
0x88: {  	s1 =	sadd.s32 @!p0 $0x80, s1;
	s8 =	simm.s32 @!p0 $0x80;
	s10 =	simm.s32 @!p0 $0x4100  }
0x89: {  	[tilespmem:s10], [sflag:$0x1] =	stream.indirect.gather @!p0 [hbm4b:s12+s8], $0x80, s1, s8, $0xb8;
	[tilespmem:$0x1FD00] =	vst v63  }
0x8a: {  	_ =	swait.ge [sflag:s28], $0x4000  }
0x8b: {  	[sflag:s28] =	ssyncset.done $0x0  }
0x8c: {  	[sflag:s28] =	ssyncadd.s32 $0xFFFFC000  }
0x8d: {  	_ =	swait.ge [sflag:s29], $0x80  }
0x8e: {  	[sflag:s29] =	ssyncset.done $0x0  }
0x8f: {  	[sflag:s29] =	ssyncadd.s32 $0xFFFFFF80  }
0x90: {  	[spmem:s2] =	stream.indirect.scatter.add.f32 [tilespmem:s24], [sflag:$0x4], $0x80, s23, s7, $0xb8;
	[tilespmem:$0x1FD00] =	vst v63  }
0x91: {  	_ =	swait.ge [sflag:s30], $0x4000  }
0x92: {  	[sflag:s30] =	ssyncset.done $0x0  }
0x93: {  	[sflag:s30] =	ssyncadd.s32 $0xFFFFC000  }
0x94: {  	[bflag:$0x0] =	sbarrier.arrive $0xFFFF  }
0x95: {  	s15 =	rddreg [dreg:$0x5]  }
0x96: {  	[hbm:s15], [sflag:s9] =	dma.local [spmem:s18], $0x2780  }
0x97: {  	_ =	swait.ge [sflag:s19], $0x2780  }
0x98: {  	s0 =	sadd.s32 $0x1, s0;
	s20 =	rddreg [dreg:$0x6]  }
0x99: {  	p0 =	sne.s32 s0, s20  }
.Ltmp3:
0x9a: {  	_ = 	snop;
	(pc) =	sbr.rel @p0 .LBB2_1-.Ltmp3, $4  }
.Ltmp4:
0x9b: {  	_ = 	snop;
	(pc) =	sbr.rel @!p0 .LBB2_6-.Ltmp4, $4  }
0x9c: {  	_ = 	snop  }
0x9d: {  	[sflag:s19] =	ssyncset.done $0x0  }
0x9e: {  	[sflag:s19] =	ssyncadd.s32 $0xFFFFD880  }
0x9f: {  	_ = 	snop  }
.LBB2_2:
.Ltmp5:
0xa0: {  	(pc) =	sbr.rel .LBB2_5-.Ltmp5, $2  }
0xa1: {  	_ =	sdelay $0x2  }
0xa2: {  	s8 =	simm.s32 $0x3  }
.LBB2_6:
0xa3: {  	_ =	sfence.sel $0x180000  }
0xa4: {  	[bflag:$0x0] =	sbarrier.arrive $0xFFFF  }
0xa5: {  	_ =	strace $0x90000047  }
0xa6: {  	s0 =	stileid.u32;
	[bflag:$0x2] =	sbarrier.arrive $0xFFFF  }
0xa7: {  	p0 =	sne.s32 s0, $0x0;
	s0 =	rddreg [dreg:$0x2]  }
0xa8: {  	s0 =	sadd.s32 @!p0 $0x100000, s0  }
0xa9: {  	[sflag:s0] =	ssyncadd.tile.s32 @!p0 $0x1;
	_ =	shalt  }
.Lfunc_end2:
_tile_overlayer_lowered:
.L_overlay_start_2:
0xaa: {  	(tag) =	ssettag $0x2  }
0xab: {  	s0 =	rddreg [dreg:$0x0];
	s2 =	stileid.u32  }
0xac: {  	s1 =	rddreg [dreg:$0x1];
	p0 =	sne.s32 s2, $0x0  }
0xad: {  	s3 =	rddreg [dreg:$0x2];
	[bflag:$0x3] =	sbarrier.arrive $0xFFFF;
	s2 =	simm.s32 @!p0 $0x1C07  }
0xae: {  	[timem:s3], [sflag:s2] =	dma.local @!p0 [hbm:s0], s1  }
0xaf: {  	s0 =	simm.s32 @!p0 $0x7  }
0xb0: {  	_ =	swait.ge @!p0 [sflag:s0], s1  }
0xb1: {  	s1 =	ssub.s32 @!p0 $0x0, s1;
	[sflag:s0] =	ssyncset.done @!p0 $0x0  }
0xb2: {  	[sflag:s0] =	ssyncadd.s32 @!p0 s1  }
0xb3: {  	[bflag:$0x3] =	sbarrier.arrive $0xFFFF  }
0xb4: {  	_ =	shalt  }

</sc_bundles>
